<compile_context>
chip_gen: v7x
topology: tpu7x:2x2x1
jax: 0.10.2.dev20260603
libtpu: 0.0.44.dev20260713+nightly
codegen_flags: <defaults>
</compile_context>

<pallas_src>
import functools

import jax
import jax.numpy as jnp
from jax import lax
from jax.experimental import pallas as pl
from jax.experimental.pallas import tpu as pltpu
from jax.experimental.pallas import tpu_sc as plsc

N = 10000
E = 320000
D = 128
DE = 16

NC = 2
NS = 16
NW = NC * NS
EPW = E // NW
CHUNK = 128
NFULL = EPW // CHUNK
TAILE = EPW - NFULL * CHUNK
RPT = 624
TAIL = N - NS * RPT
VPR = D // 16


def _sc_edge_agg(hW, eW, snd, rcv):
    mesh = plsc.VectorSubcoreMesh(core_axis_name="c", subcore_axis_name="s")

    @functools.partial(
        pl.kernel,
        out_type=jax.ShapeDtypeStruct((NC, N, D), jnp.float32),
        mesh=mesh,
        scratch_types=[
            pltpu.VMEM((2, CHUNK), jnp.int32),
            pltpu.VMEM((2, CHUNK), jnp.int32),
            pltpu.VMEM((TAILE,), jnp.int32),
            pltpu.VMEM((TAILE,), jnp.int32),
            pltpu.VMEM((CHUNK, D), jnp.float32),
            pltpu.VMEM((CHUNK, D), jnp.float32),
            pltpu.VMEM_SHARED((N, D), jnp.float32),
            pltpu.SemaphoreType.DMA((2,)),
            pltpu.SemaphoreType.DMA((2,)),
            pltpu.SemaphoreType.DMA,
            pltpu.SemaphoreType.DMA,
        ],
    )
    def k(hW_hbm, eW_hbm, snd_hbm, rcv_hbm, out_hbm,
          sidx, ridx, tsidx, tridx, grows, erows, agg, sem_si, sem_ri,
          sem_g, sem_e):
        c = lax.axis_index("c")
        s = lax.axis_index("s")
        wid = c * NS + s
        base0 = wid * EPW

        zero = jnp.zeros((16,), jnp.float32)

        def zset(i, carry):
            for w in range(VPR):
                grows[i, pl.ds(w * 16, 16)] = zero
            return carry

        lax.fori_loop(0, CHUNK, zset, 0)
        for j in range(RPT // CHUNK):
            pltpu.sync_copy(grows,
                            agg.at[pl.ds(s * RPT + j * CHUNK, CHUNK)])
        rem = RPT % CHUNK
        if rem:
            pltpu.sync_copy(grows.at[pl.ds(0, rem)],
                            agg.at[pl.ds(s * RPT + RPT - rem, rem)])

        @pl.when(s == NS - 1)
        def _():
            pltpu.sync_copy(grows.at[pl.ds(0, TAIL)],
                            agg.at[pl.ds(NS * RPT, TAIL)])

        plsc.subcore_barrier()

        def issue_idx(ci, islot):
            off = pl.ds(base0 + ci * CHUNK, CHUNK)
            pltpu.async_copy(snd_hbm.at[off], sidx.at[islot], sem_si.at[islot])
            pltpu.async_copy(rcv_hbm.at[off], ridx.at[islot], sem_ri.at[islot])

        def drain_idx(dst, sem):
            pltpu.make_async_copy(snd_hbm.at[pl.ds(0, CHUNK)], dst, sem).wait()

        issue_idx(0, 0)

        def chunk_body(ci, carry):
            b = lax.rem(ci, 2)
            nb = lax.rem(ci + 1, 2)
            drain_idx(sidx.at[b], sem_si.at[b])
            drain_idx(ridx.at[b], sem_ri.at[b])
            cg = pltpu.async_copy(hW_hbm.at[sidx.at[b]], grows, sem_g)
            ce = pltpu.async_copy(
                eW_hbm.at[pl.ds(base0 + ci * CHUNK, CHUNK)], erows, sem_e)

            @pl.when(ci + 1 < NFULL)
            def _():
                issue_idx(ci + 1, nb)

            ce.wait()
            cg.wait()

            @plsc.parallel_loop(0, CHUNK, unroll=4)
            def _(e):
                for w in range(VPR):
                    sl = pl.ds(w * 16, 16)
                    grows[e, sl] = jnp.maximum(
                        grows[e, sl] + erows[e, sl], 0.0)
            pltpu.sync_copy(grows, agg.at[ridx.at[b]], add=True)
            return carry

        lax.fori_loop(0, NFULL, chunk_body, 0)

        toff = pl.ds(base0 + NFULL * CHUNK, TAILE)
        pltpu.sync_copy(snd_hbm.at[toff], tsidx)
        pltpu.sync_copy(rcv_hbm.at[toff], tridx)
        cg = pltpu.async_copy(hW_hbm.at[tsidx], grows.at[pl.ds(0, TAILE)],
                              sem_g)
        ce = pltpu.async_copy(eW_hbm.at[toff], erows.at[pl.ds(0, TAILE)],
                              sem_e)
        ce.wait()
        cg.wait()

        @plsc.parallel_loop(0, TAILE, unroll=4)
        def _(e):
            for w in range(VPR):
                sl = pl.ds(w * 16, 16)
                grows[e, sl] = jnp.maximum(grows[e, sl] + erows[e, sl], 0.0)
        pltpu.sync_copy(grows.at[pl.ds(0, TAILE)], agg.at[tridx], add=True)

        plsc.subcore_barrier()

        pltpu.sync_copy(agg.at[pl.ds(s * RPT, RPT)],
                        out_hbm.at[c, pl.ds(s * RPT, RPT)])

        @pl.when(s == NS - 1)
        def _():
            pltpu.sync_copy(agg.at[pl.ds(NS * RPT, TAIL)],
                            out_hbm.at[c, pl.ds(NS * RPT, TAIL)])

    return k(hW, eW, snd, rcv)


_NBLK = 1000
_EBLK = 4000


def _node_proj_body(h_ref, w_ref, b_ref, o_ref):
    o_ref[...] = jnp.dot(h_ref[...], w_ref[...],
                         preferred_element_type=jnp.float32) + b_ref[...]


def _node_proj(h, w, b):
    return pl.pallas_call(
        _node_proj_body,
        grid=(N // _NBLK,),
        in_specs=[
            pl.BlockSpec((_NBLK, D), lambda i: (i, 0)),
            pl.BlockSpec((D, D), lambda i: (0, 0)),
            pl.BlockSpec((1, D), lambda i: (0, 0)),
        ],
        out_specs=pl.BlockSpec((_NBLK, D), lambda i: (i, 0)),
        out_shape=jax.ShapeDtypeStruct((N, D), jnp.float32),
    )(h, w, b.reshape(1, D))


def _edge_proj_body(a_ref, w_ref, o_ref):
    o_ref[...] = jnp.dot(a_ref[...], w_ref[...],
                         preferred_element_type=jnp.float32)


def _edge_proj(ea, w):
    return pl.pallas_call(
        _edge_proj_body,
        grid=(E // _EBLK,),
        in_specs=[
            pl.BlockSpec((_EBLK, DE), lambda i: (i, 0)),
            pl.BlockSpec((DE, D), lambda i: (0, 0)),
        ],
        out_specs=pl.BlockSpec((_EBLK, D), lambda i: (i, 0)),
        out_shape=jax.ShapeDtypeStruct((E, D), jnp.float32),
    )(ea, w)


def _update_body(p_ref, h_ref, wu_ref, ws_ref, b_ref, o_ref):
    agg = p_ref[0] + p_ref[1]
    t = (jnp.dot(agg, wu_ref[...], preferred_element_type=jnp.float32)
         + jnp.dot(h_ref[...], ws_ref[...], preferred_element_type=jnp.float32)
         + b_ref[...])
    o_ref[...] = h_ref[...] + jnp.maximum(t, 0.0)


def _update(parts, h, wu, ws, b):
    return pl.pallas_call(
        _update_body,
        grid=(N // _NBLK,),
        in_specs=[
            pl.BlockSpec((NC, _NBLK, D), lambda i: (0, i, 0)),
            pl.BlockSpec((_NBLK, D), lambda i: (i, 0)),
            pl.BlockSpec((D, D), lambda i: (0, 0)),
            pl.BlockSpec((D, D), lambda i: (0, 0)),
            pl.BlockSpec((1, D), lambda i: (0, 0)),
        ],
        out_specs=pl.BlockSpec((_NBLK, D), lambda i: (i, 0)),
        out_shape=jax.ShapeDtypeStruct((N, D), jnp.float32),
    )(parts, h, wu, ws, b.reshape(1, D))


def kernel(x, edge_index, edge_attr, W_msg, W_edge, W_upd, W_self, b_msg, b_upd):
    snd = edge_index[0]
    rcv = edge_index[1]
    h = x
    n_layers = W_msg.shape[0]
    eWs = [_edge_proj(edge_attr, W_edge[l]) for l in range(n_layers)]
    for l in range(n_layers):
        hW = _node_proj(h, W_msg[l], b_msg[l])
        parts = _sc_edge_agg(hW, eWs[l], snd, rcv)
        h = _update(parts, h, W_upd[l], W_self[l], b_upd[l])
    return h

# --- scband reference (transcript-rebuilt; emitter-appended) ---
"""Pipeline reference for scband-electron-gnn-22600117911704 (READ-ONLY COPY).

The authoritative reference and input builder live on the scoring server;
editing this copy changes nothing except your own understanding.
"""

import jax, jax.numpy as jnp
import numpy as np

N = 10000      # total particles (electrons) treated as graph nodes
E = 320000     # edges (avg degree 32)
D = 128        # embedding_dim
DE = 16        # edge feature dim (two_particle_stream_dim)
L = 2          # n_interactions


def setup_inputs(seed: int = 0) -> dict:
    key = jax.random.key(seed)
    ks = jax.random.split(key, 10)
    x = jax.random.normal(ks[0], (N, D), dtype=jnp.float32)
    edge_index = jax.random.randint(ks[1], (2, E), 0, N, dtype=jnp.int32)
    edge_attr = jax.random.normal(ks[2], (E, DE), dtype=jnp.float32)
    s = 1.0 / np.sqrt(D)
    se = 1.0 / np.sqrt(DE)
    W_msg = jax.random.normal(ks[3], (L, D, D), dtype=jnp.float32) * s
    W_edge = jax.random.normal(ks[4], (L, DE, D), dtype=jnp.float32) * se
    W_upd = jax.random.normal(ks[5], (L, D, D), dtype=jnp.float32) * s
    W_self = jax.random.normal(ks[6], (L, D, D), dtype=jnp.float32) * s
    b_msg = jnp.zeros((L, D), dtype=jnp.float32)
    b_upd = jnp.zeros((L, D), dtype=jnp.float32)
    return {
        "x": x,
        "edge_index": edge_index,
        "edge_attr": edge_attr,
        "W_msg": W_msg,
        "W_edge": W_edge,
        "W_upd": W_upd,
        "W_self": W_self,
        "b_msg": b_msg,
        "b_upd": b_upd,
    }


def reference(x, edge_index, edge_attr, W_msg, W_edge, W_upd, W_self, b_msg, b_upd):
    # ElectronGNN-style message passing:
    #   edge messages built from sender embeddings + edge features (two-particle stream),
    #   scatter-add aggregation onto receivers, residual node update per interaction layer.
    senders = edge_index[0]
    receivers = edge_index[1]
    h = x
    n_layers = W_msg.shape[0]
    for l in range(n_layers):
        h_src = jnp.take(h, senders, axis=0)                       # gather [E, D]
        msg = jax.nn.relu(h_src @ W_msg[l] + edge_attr @ W_edge[l] + b_msg[l])
        agg = jax.ops.segment_sum(msg, receivers, num_segments=h.shape[0])  # scatter-add
        h = h + jax.nn.relu(agg @ W_upd[l] + h @ W_self[l] + b_upd[l])
    return h

if __name__ == "__main__":
    import jax
    _d = setup_inputs()
    print(jax.jit(kernel)(*tuple(_d.values())))

</pallas_src>

<mosaic_0001>
#map = affine_map<(d0, d1) -> (0, 0)>
#map1 = affine_map<(d0, d1) -> (0)>
#map2 = affine_map<(d0, d1) -> (0, 0, 0)>
module attributes {stable_mosaic.version = 14 : i64} {
  func.func @k(%arg0: i32, %arg1: i32, %arg2: memref<10000x128xf32, #tpu.memory_space<hbm>>, %arg3: memref<320000x128xf32, #tpu.memory_space<hbm>>, %arg4: memref<320000xi32, #tpu.memory_space<hbm>>, %arg5: memref<320000xi32, #tpu.memory_space<hbm>>, %arg6: memref<2x10000x128xf32, #tpu.memory_space<hbm>>, %arg7: memref<2x128xi32, #tpu.memory_space<vmem>>, %arg8: memref<2x128xi32, #tpu.memory_space<vmem>>, %arg9: memref<16xi32, #tpu.memory_space<vmem>>, %arg10: memref<16xi32, #tpu.memory_space<vmem>>, %arg11: memref<128x128xf32, #tpu.memory_space<vmem>>, %arg12: memref<128x128xf32, #tpu.memory_space<vmem>>, %arg13: memref<10000x128xf32, #tpu.memory_space<vmem_shared>>, %arg14: memref<2x!tpu.dma_semaphore, #tpu.memory_space<semaphore_mem>>, %arg15: memref<2x!tpu.dma_semaphore, #tpu.memory_space<semaphore_mem>>, %arg16: memref<!tpu.dma_semaphore, #tpu.memory_space<semaphore_mem>>, %arg17: memref<!tpu.dma_semaphore, #tpu.memory_space<semaphore_mem>>) attributes {dimension_semantics = [#tpu.dimension_semantics<core_parallel>, #tpu.dimension_semantics<subcore_parallel>], iteration_bounds = array<i64: 2, 16>, scalar_prefetch = 0 : i64, scratch_operands = 11 : i64, tpu.core_type = #tpu.core_type<sc_vector_subcore>, window_params = [{transform_indices = #map}, {transform_indices = #map}, {transform_indices = #map1}, {transform_indices = #map1}, {transform_indices = #map2}]} {
    %mul3A = arith.constant 16 : i32
    %mul3A_0 = arith.muli %arg0, %mul3A : i32
    %add3A = arith.addi %mul3A_0, %arg1 : i32
    %mul3A_1 = arith.constant 10000 : i32
    %mul3A_2 = arith.muli %add3A, %mul3A_1 : i32
    %broadcast_in_dim3A = arith.constant 0.000000e+00 : f32
    %broadcast_in_dim3A_3 = vector.broadcast %broadcast_in_dim3A : f32 to vector<16xf32>
    %scan3A = arith.constant 0 : i32
    %scan3A_4 = arith.constant 0 : i32
    %scan3A_5 = arith.constant 128 : i32
    %scan3A_6 = arith.addi %scan3A_4, %scan3A_5 : i32
    %scan3A_7 = arith.constant 1 : i32
    scf.for %scan3A_108 = %scan3A_4 to %scan3A_6 step %scan3A_7  : i32 {
      %swap3A = arith.index_cast %scan3A_108 : i32 to index
      %swap3A_109 = arith.constant 0 : index
      %swap3A_110 = tpu.vector_load %arg11[%swap3A, %swap3A_109] {strides = array<i32>} : memref<128x128xf32, #tpu.memory_space<vmem>>, vector<1x16xf32>,
      %swap3A_111 = vector.shape_cast %swap3A_110 : vector<1x16xf32> to vector<16xf32>
      %swap3A_112 = vector.shape_cast %broadcast_in_dim3A_3 : vector<16xf32> to vector<1x16xf32>
      tpu.vector_store %arg11[%swap3A, %swap3A_109], %swap3A_112 {strides = array<i32>} : memref<128x128xf32, #tpu.memory_space<vmem>>, vector<1x16xf32>,
      %swap3A_113 = arith.index_cast %scan3A_108 : i32 to index
      %swap3A_114 = arith.constant 16 : index
      %swap3A_115 = tpu.vector_load %arg11[%swap3A_113, %swap3A_114] {strides = array<i32>} : memref<128x128xf32, #tpu.memory_space<vmem>>, vector<1x16xf32>,
      %swap3A_116 = vector.shape_cast %swap3A_115 : vector<1x16xf32> to vector<16xf32>
      %swap3A_117 = vector.shape_cast %broadcast_in_dim3A_3 : vector<16xf32> to vector<1x16xf32>
      tpu.vector_store %arg11[%swap3A_113, %swap3A_114], %swap3A_117 {strides = array<i32>} : memref<128x128xf32, #tpu.memory_space<vmem>>, vector<1x16xf32>,
      %swap3A_118 = arith.index_cast %scan3A_108 : i32 to index
      %swap3A_119 = arith.constant 32 : index
      %swap3A_120 = tpu.vector_load %arg11[%swap3A_118, %swap3A_119] {strides = array<i32>} : memref<128x128xf32, #tpu.memory_space<vmem>>, vector<1x16xf32>,
      %swap3A_121 = vector.shape_cast %swap3A_120 : vector<1x16xf32> to vector<16xf32>
      %swap3A_122 = vector.shape_cast %broadcast_in_dim3A_3 : vector<16xf32> to vector<1x16xf32>
      tpu.vector_store %arg11[%swap3A_118, %swap3A_119], %swap3A_122 {strides = array<i32>} : memref<128x128xf32, #tpu.memory_space<vmem>>, vector<1x16xf32>,
      %swap3A_123 = arith.index_cast %scan3A_108 : i32 to index
      %swap3A_124 = arith.constant 48 : index
      %swap3A_125 = tpu.vector_load %arg11[%swap3A_123, %swap3A_124] {strides = array<i32>} : memref<128x128xf32, #tpu.memory_space<vmem>>, vector<1x16xf32>,
      %swap3A_126 = vector.shape_cast %swap3A_125 : vector<1x16xf32> to vector<16xf32>
      %swap3A_127 = vector.shape_cast %broadcast_in_dim3A_3 : vector<16xf32> to vector<1x16xf32>
      tpu.vector_store %arg11[%swap3A_123, %swap3A_124], %swap3A_127 {strides = array<i32>} : memref<128x128xf32, #tpu.memory_space<vmem>>, vector<1x16xf32>,
      %swap3A_128 = arith.index_cast %scan3A_108 : i32 to index
      %swap3A_129 = arith.constant 64 : index
      %swap3A_130 = tpu.vector_load %arg11[%swap3A_128, %swap3A_129] {strides = array<i32>} : memref<128x128xf32, #tpu.memory_space<vmem>>, vector<1x16xf32>,
      %swap3A_131 = vector.shape_cast %swap3A_130 : vector<1x16xf32> to vector<16xf32>
      %swap3A_132 = vector.shape_cast %broadcast_in_dim3A_3 : vector<16xf32> to vector<1x16xf32>
      tpu.vector_store %arg11[%swap3A_128, %swap3A_129], %swap3A_132 {strides = array<i32>} : memref<128x128xf32, #tpu.memory_space<vmem>>, vector<1x16xf32>,
      %swap3A_133 = arith.index_cast %scan3A_108 : i32 to index
      %swap3A_134 = arith.constant 80 : index
      %swap3A_135 = tpu.vector_load %arg11[%swap3A_133, %swap3A_134] {strides = array<i32>} : memref<128x128xf32, #tpu.memory_space<vmem>>, vector<1x16xf32>,
      %swap3A_136 = vector.shape_cast %swap3A_135 : vector<1x16xf32> to vector<16xf32>
      %swap3A_137 = vector.shape_cast %broadcast_in_dim3A_3 : vector<16xf32> to vector<1x16xf32>
      tpu.vector_store %arg11[%swap3A_133, %swap3A_134], %swap3A_137 {strides = array<i32>} : memref<128x128xf32, #tpu.memory_space<vmem>>, vector<1x16xf32>,
      %swap3A_138 = arith.index_cast %scan3A_108 : i32 to index
      %swap3A_139 = arith.constant 96 : index
      %swap3A_140 = tpu.vector_load %arg11[%swap3A_138, %swap3A_139] {strides = array<i32>} : memref<128x128xf32, #tpu.memory_space<vmem>>, vector<1x16xf32>,
      %swap3A_141 = vector.shape_cast %swap3A_140 : vector<1x16xf32> to vector<16xf32>
      %swap3A_142 = vector.shape_cast %broadcast_in_dim3A_3 : vector<16xf32> to vector<1x16xf32>
      tpu.vector_store %arg11[%swap3A_138, %swap3A_139], %swap3A_142 {strides = array<i32>} : memref<128x128xf32, #tpu.memory_space<vmem>>, vector<1x16xf32>,
      %swap3A_143 = arith.index_cast %scan3A_108 : i32 to index
      %swap3A_144 = arith.constant 112 : index
      %swap3A_145 = tpu.vector_load %arg11[%swap3A_143, %swap3A_144] {strides = array<i32>} : memref<128x128xf32, #tpu.memory_space<vmem>>, vector<1x16xf32>,
      %swap3A_146 = vector.shape_cast %swap3A_145 : vector<1x16xf32> to vector<16xf32>
      %swap3A_147 = vector.shape_cast %broadcast_in_dim3A_3 : vector<16xf32> to vector<1x16xf32>
      tpu.vector_store %arg11[%swap3A_143, %swap3A_144], %swap3A_147 {strides = array<i32>} : memref<128x128xf32, #tpu.memory_space<vmem>>, vector<1x16xf32>,
    }
    %scan3A_8 = arith.constant 128 : i32
    %mul3A_9 = arith.constant 624 : i32
    %mul3A_10 = arith.muli %arg1, %mul3A_9 : i32
    %add3A_11 = arith.constant 0 : i32
    %add3A_12 = arith.addi %mul3A_10, %add3A_11 : i32
    "tpu.region"() ({
      %run_scoped3A = tpu.sem_alloc : memref<!tpu.dma_semaphore, #tpu.memory_space<semaphore_mem>>
      %dma_start3A_108 = arith.constant 0 : i32
      %dma_start3A_109 = tpu.memref_slice %arg13[%add3A_12, %dma_start3A_108] : memref<10000x128xf32, #tpu.memory_space<vmem_shared>> -> memref<128x128xf32, #tpu.memory_space<vmem_shared>>
      %dma_start3A_110 = arith.constant 0 : i32
      %dma_start3A_111 = tpu.memref_slice %arg13[%add3A_12, %dma_start3A_110] : memref<10000x128xf32, #tpu.memory_space<vmem_shared>> -> memref<128x128xf32, #tpu.memory_space<vmem_shared>>
      tpu.enqueue_dma source(%arg11 : memref<128x128xf32, #tpu.memory_space<vmem>>) target(%dma_start3A_111 : memref<128x128xf32, #tpu.memory_space<vmem_shared>>) target_semaphore(%run_scoped3A : memref<!tpu.dma_semaphore, #tpu.memory_space<semaphore_mem>>)
      %dma_wait3A_112 = arith.constant 0 : i32
      %dma_wait3A_113 = tpu.memref_slice %arg13[%add3A_12, %dma_wait3A_112] : memref<10000x128xf32, #tpu.memory_space<vmem_shared>> -> memref<128x128xf32, #tpu.memory_space<vmem_shared>>
      %dma_wait3A_114 = arith.constant 0 : i32
      %dma_wait3A_115 = tpu.memref_slice %arg13[%add3A_12, %dma_wait3A_114] : memref<10000x128xf32, #tpu.memory_space<vmem_shared>> -> memref<128x128xf32, #tpu.memory_space<vmem_shared>>
      tpu.wait_dma2 semaphore(%run_scoped3A : memref<!tpu.dma_semaphore, #tpu.memory_space<semaphore_mem>>) src(%arg11 : memref<128x128xf32, #tpu.memory_space<vmem>>) dst(%dma_wait3A_115 : memref<128x128xf32, #tpu.memory_space<vmem_shared>>)
      tpu.yield
    }) : () -> ()
    %mul3A_13 = arith.constant 624 : i32
    %mul3A_14 = arith.muli %arg1, %mul3A_13 : i32
    %add3A_15 = arith.constant 128 : i32
    %add3A_16 = arith.addi %mul3A_14, %add3A_15 : i32
    "tpu.region"() ({
      %run_scoped3A = tpu.sem_alloc : memref<!tpu.dma_semaphore, #tpu.memory_space<semaphore_mem>>
      %dma_start3A_108 = arith.constant 0 : i32
      %dma_start3A_109 = tpu.memref_slice %arg13[%add3A_16, %dma_start3A_108] : memref<10000x128xf32, #tpu.memory_space<vmem_shared>> -> memref<128x128xf32, #tpu.memory_space<vmem_shared>>
      %dma_start3A_110 = arith.constant 0 : i32
      %dma_start3A_111 = tpu.memref_slice %arg13[%add3A_16, %dma_start3A_110] : memref<10000x128xf32, #tpu.memory_space<vmem_shared>> -> memref<128x128xf32, #tpu.memory_space<vmem_shared>>
      tpu.enqueue_dma source(%arg11 : memref<128x128xf32, #tpu.memory_space<vmem>>) target(%dma_start3A_111 : memref<128x128xf32, #tpu.memory_space<vmem_shared>>) target_semaphore(%run_scoped3A : memref<!tpu.dma_semaphore, #tpu.memory_space<semaphore_mem>>)
      %dma_wait3A_112 = arith.constant 0 : i32
      %dma_wait3A_113 = tpu.memref_slice %arg13[%add3A_16, %dma_wait3A_112] : memref<10000x128xf32, #tpu.memory_space<vmem_shared>> -> memref<128x128xf32, #tpu.memory_space<vmem_shared>>
      %dma_wait3A_114 = arith.constant 0 : i32
      %dma_wait3A_115 = tpu.memref_slice %arg13[%add3A_16, %dma_wait3A_114] : memref<10000x128xf32, #tpu.memory_space<vmem_shared>> -> memref<128x128xf32, #tpu.memory_space<vmem_shared>>
      tpu.wait_dma2 semaphore(%run_scoped3A : memref<!tpu.dma_semaphore, #tpu.memory_space<semaphore_mem>>) src(%arg11 : memref<128x128xf32, #tpu.memory_space<vmem>>) dst(%dma_wait3A_115 : memref<128x128xf32, #tpu.memory_space<vmem_shared>>)
      tpu.yield
    }) : () -> ()
    %mul3A_17 = arith.constant 624 : i32
    %mul3A_18 = arith.muli %arg1, %mul3A_17 : i32
    %add3A_19 = arith.constant 256 : i32
    %add3A_20 = arith.addi %mul3A_18, %add3A_19 : i32
    "tpu.region"() ({
      %run_scoped3A = tpu.sem_alloc : memref<!tpu.dma_semaphore, #tpu.memory_space<semaphore_mem>>
      %dma_start3A_108 = arith.constant 0 : i32
      %dma_start3A_109 = tpu.memref_slice %arg13[%add3A_20, %dma_start3A_108] : memref<10000x128xf32, #tpu.memory_space<vmem_shared>> -> memref<128x128xf32, #tpu.memory_space<vmem_shared>>
      %dma_start3A_110 = arith.constant 0 : i32
      %dma_start3A_111 = tpu.memref_slice %arg13[%add3A_20, %dma_start3A_110] : memref<10000x128xf32, #tpu.memory_space<vmem_shared>> -> memref<128x128xf32, #tpu.memory_space<vmem_shared>>
      tpu.enqueue_dma source(%arg11 : memref<128x128xf32, #tpu.memory_space<vmem>>) target(%dma_start3A_111 : memref<128x128xf32, #tpu.memory_space<vmem_shared>>) target_semaphore(%run_scoped3A : memref<!tpu.dma_semaphore, #tpu.memory_space<semaphore_mem>>)
      %dma_wait3A_112 = arith.constant 0 : i32
      %dma_wait3A_113 = tpu.memref_slice %arg13[%add3A_20, %dma_wait3A_112] : memref<10000x128xf32, #tpu.memory_space<vmem_shared>> -> memref<128x128xf32, #tpu.memory_space<vmem_shared>>
      %dma_wait3A_114 = arith.constant 0 : i32
      %dma_wait3A_115 = tpu.memref_slice %arg13[%add3A_20, %dma_wait3A_114] : memref<10000x128xf32, #tpu.memory_space<vmem_shared>> -> memref<128x128xf32, #tpu.memory_space<vmem_shared>>
      tpu.wait_dma2 semaphore(%run_scoped3A : memref<!tpu.dma_semaphore, #tpu.memory_space<semaphore_mem>>) src(%arg11 : memref<128x128xf32, #tpu.memory_space<vmem>>) dst(%dma_wait3A_115 : memref<128x128xf32, #tpu.memory_space<vmem_shared>>)
      tpu.yield
    }) : () -> ()
    %mul3A_21 = arith.constant 624 : i32
    %mul3A_22 = arith.muli %arg1, %mul3A_21 : i32
    %add3A_23 = arith.constant 384 : i32
    %add3A_24 = arith.addi %mul3A_22, %add3A_23 : i32
    "tpu.region"() ({
      %run_scoped3A = tpu.sem_alloc : memref<!tpu.dma_semaphore, #tpu.memory_space<semaphore_mem>>
      %dma_start3A_108 = arith.constant 0 : i32
      %dma_start3A_109 = tpu.memref_slice %arg13[%add3A_24, %dma_start3A_108] : memref<10000x128xf32, #tpu.memory_space<vmem_shared>> -> memref<128x128xf32, #tpu.memory_space<vmem_shared>>
      %dma_start3A_110 = arith.constant 0 : i32
      %dma_start3A_111 = tpu.memref_slice %arg13[%add3A_24, %dma_start3A_110] : memref<10000x128xf32, #tpu.memory_space<vmem_shared>> -> memref<128x128xf32, #tpu.memory_space<vmem_shared>>
      tpu.enqueue_dma source(%arg11 : memref<128x128xf32, #tpu.memory_space<vmem>>) target(%dma_start3A_111 : memref<128x128xf32, #tpu.memory_space<vmem_shared>>) target_semaphore(%run_scoped3A : memref<!tpu.dma_semaphore, #tpu.memory_space<semaphore_mem>>)
      %dma_wait3A_112 = arith.constant 0 : i32
      %dma_wait3A_113 = tpu.memref_slice %arg13[%add3A_24, %dma_wait3A_112] : memref<10000x128xf32, #tpu.memory_space<vmem_shared>> -> memref<128x128xf32, #tpu.memory_space<vmem_shared>>
      %dma_wait3A_114 = arith.constant 0 : i32
      %dma_wait3A_115 = tpu.memref_slice %arg13[%add3A_24, %dma_wait3A_114] : memref<10000x128xf32, #tpu.memory_space<vmem_shared>> -> memref<128x128xf32, #tpu.memory_space<vmem_shared>>
      tpu.wait_dma2 semaphore(%run_scoped3A : memref<!tpu.dma_semaphore, #tpu.memory_space<semaphore_mem>>) src(%arg11 : memref<128x128xf32, #tpu.memory_space<vmem>>) dst(%dma_wait3A_115 : memref<128x128xf32, #tpu.memory_space<vmem_shared>>)
      tpu.yield
    }) : () -> ()
    %mul3A_25 = arith.constant 624 : i32
    %mul3A_26 = arith.muli %arg1, %mul3A_25 : i32
    %add3A_27 = arith.constant 624 : i32
    %add3A_28 = arith.addi %mul3A_26, %add3A_27 : i32
    %sub3A = arith.constant 112 : i32
    %sub3A_29 = arith.subi %add3A_28, %sub3A : i32
    "tpu.region"() ({
      %run_scoped3A = tpu.sem_alloc : memref<!tpu.dma_semaphore, #tpu.memory_space<semaphore_mem>>
      %dma_start3A_108 = arith.constant 0 : i32
      %dma_start3A_109 = arith.constant 0 : i32
      %dma_start3A_110 = tpu.memref_slice %arg11[%dma_start3A_108, %dma_start3A_109] : memref<128x128xf32, #tpu.memory_space<vmem>> -> memref<112x128xf32, #tpu.memory_space<vmem>>
      %dma_start3A_111 = arith.constant 0 : i32
      %dma_start3A_112 = tpu.memref_slice %arg13[%sub3A_29, %dma_start3A_111] : memref<10000x128xf32, #tpu.memory_space<vmem_shared>> -> memref<112x128xf32, #tpu.memory_space<vmem_shared>>
      %dma_start3A_113 = arith.constant 0 : i32
      %dma_start3A_114 = tpu.memref_slice %arg13[%sub3A_29, %dma_start3A_113] : memref<10000x128xf32, #tpu.memory_space<vmem_shared>> -> memref<112x128xf32, #tpu.memory_space<vmem_shared>>
      %dma_start3A_115 = arith.constant 0 : i32
      %dma_start3A_116 = arith.constant 0 : i32
      %dma_start3A_117 = tpu.memref_slice %arg11[%dma_start3A_115, %dma_start3A_116] : memref<128x128xf32, #tpu.memory_space<vmem>> -> memref<112x128xf32, #tpu.memory_space<vmem>>
      tpu.enqueue_dma source(%dma_start3A_117 : memref<112x128xf32, #tpu.memory_space<vmem>>) target(%dma_start3A_114 : memref<112x128xf32, #tpu.memory_space<vmem_shared>>) target_semaphore(%run_scoped3A : memref<!tpu.dma_semaphore, #tpu.memory_space<semaphore_mem>>)
      %dma_wait3A_118 = arith.constant 0 : i32
      %dma_wait3A_119 = arith.constant 0 : i32
      %dma_wait3A_120 = tpu.memref_slice %arg11[%dma_wait3A_118, %dma_wait3A_119] : memref<128x128xf32, #tpu.memory_space<vmem>> -> memref<112x128xf32, #tpu.memory_space<vmem>>
      %dma_wait3A_121 = arith.constant 0 : i32
      %dma_wait3A_122 = tpu.memref_slice %arg13[%sub3A_29, %dma_wait3A_121] : memref<10000x128xf32, #tpu.memory_space<vmem_shared>> -> memref<112x128xf32, #tpu.memory_space<vmem_shared>>
      %dma_wait3A_123 = arith.constant 0 : i32
      %dma_wait3A_124 = tpu.memref_slice %arg13[%sub3A_29, %dma_wait3A_123] : memref<10000x128xf32, #tpu.memory_space<vmem_shared>> -> memref<112x128xf32, #tpu.memory_space<vmem_shared>>
      %dma_wait3A_125 = arith.constant 0 : i32
      %dma_wait3A_126 = arith.constant 0 : i32
      %dma_wait3A_127 = tpu.memref_slice %arg11[%dma_wait3A_125, %dma_wait3A_126] : memref<128x128xf32, #tpu.memory_space<vmem>> -> memref<112x128xf32, #tpu.memory_space<vmem>>
      tpu.wait_dma2 semaphore(%run_scoped3A : memref<!tpu.dma_semaphore, #tpu.memory_space<semaphore_mem>>) src(%dma_wait3A_127 : memref<112x128xf32, #tpu.memory_space<vmem>>) dst(%dma_wait3A_124 : memref<112x128xf32, #tpu.memory_space<vmem_shared>>)
      tpu.yield
    }) : () -> ()
    %eq3A = arith.constant 15 : i32
    %eq3A_30 = arith.cmpi eq, %arg1, %eq3A : i32
    %convert_element_type3A = arith.extui %eq3A_30 : i1 to i32
    %cond3A = arith.constant 0 : i32
    %cond3A_31 = arith.cmpi ne, %convert_element_type3A, %cond3A : i32
    scf.if %cond3A_31 {
      "tpu.region"() ({
        %run_scoped3A = tpu.sem_alloc : memref<!tpu.dma_semaphore, #tpu.memory_space<semaphore_mem>>
        %dma_start3A_108 = arith.constant 0 : i32
        %dma_start3A_109 = arith.constant 0 : i32
        %dma_start3A_110 = tpu.memref_slice %arg11[%dma_start3A_108, %dma_start3A_109] : memref<128x128xf32, #tpu.memory_space<vmem>> -> memref<16x128xf32, #tpu.memory_space<vmem>>
        %dma_start3A_111 = arith.constant 9984 : i32
        %dma_start3A_112 = arith.constant 0 : i32
        %dma_start3A_113 = tpu.memref_slice %arg13[%dma_start3A_111, %dma_start3A_112] : memref<10000x128xf32, #tpu.memory_space<vmem_shared>> -> memref<16x128xf32, #tpu.memory_space<vmem_shared>>
        %dma_start3A_114 = arith.constant 9984 : i32
        %dma_start3A_115 = arith.constant 0 : i32
        %dma_start3A_116 = tpu.memref_slice %arg13[%dma_start3A_114, %dma_start3A_115] : memref<10000x128xf32, #tpu.memory_space<vmem_shared>> -> memref<16x128xf32, #tpu.memory_space<vmem_shared>>
        %dma_start3A_117 = arith.constant 0 : i32
        %dma_start3A_118 = arith.constant 0 : i32
        %dma_start3A_119 = tpu.memref_slice %arg11[%dma_start3A_117, %dma_start3A_118] : memref<128x128xf32, #tpu.memory_space<vmem>> -> memref<16x128xf32, #tpu.memory_space<vmem>>
        tpu.enqueue_dma source(%dma_start3A_119 : memref<16x128xf32, #tpu.memory_space<vmem>>) target(%dma_start3A_116 : memref<16x128xf32, #tpu.memory_space<vmem_shared>>) target_semaphore(%run_scoped3A : memref<!tpu.dma_semaphore, #tpu.memory_space<semaphore_mem>>)
        %dma_wait3A_120 = arith.constant 0 : i32
        %dma_wait3A_121 = arith.constant 0 : i32
        %dma_wait3A_122 = tpu.memref_slice %arg11[%dma_wait3A_120, %dma_wait3A_121] : memref<128x128xf32, #tpu.memory_space<vmem>> -> memref<16x128xf32, #tpu.memory_space<vmem>>
        %dma_wait3A_123 = arith.constant 9984 : i32
        %dma_wait3A_124 = arith.constant 0 : i32
        %dma_wait3A_125 = tpu.memref_slice %arg13[%dma_wait3A_123, %dma_wait3A_124] : memref<10000x128xf32, #tpu.memory_space<vmem_shared>> -> memref<16x128xf32, #tpu.memory_space<vmem_shared>>
        %dma_wait3A_126 = arith.constant 9984 : i32
        %dma_wait3A_127 = arith.constant 0 : i32
        %dma_wait3A_128 = tpu.memref_slice %arg13[%dma_wait3A_126, %dma_wait3A_127] : memref<10000x128xf32, #tpu.memory_space<vmem_shared>> -> memref<16x128xf32, #tpu.memory_space<vmem_shared>>
        %dma_wait3A_129 = arith.constant 0 : i32
        %dma_wait3A_130 = arith.constant 0 : i32
        %dma_wait3A_131 = tpu.memref_slice %arg11[%dma_wait3A_129, %dma_wait3A_130] : memref<128x128xf32, #tpu.memory_space<vmem>> -> memref<16x128xf32, #tpu.memory_space<vmem>>
        tpu.wait_dma2 semaphore(%run_scoped3A : memref<!tpu.dma_semaphore, #tpu.memory_space<semaphore_mem>>) src(%dma_wait3A_131 : memref<16x128xf32, #tpu.memory_space<vmem>>) dst(%dma_wait3A_128 : memref<16x128xf32, #tpu.memory_space<vmem_shared>>)
        tpu.yield
      }) : () -> ()
    } else {
    }
    %barrier3A = arith.constant 0 : index
    tpu.barrier barrier_id(%barrier3A)
    %add3A_32 = arith.constant 0 : i32
    %add3A_33 = arith.addi %mul3A_2, %add3A_32 : i32
    %dma_start3A = arith.constant 0 : i32
    %dma_start3A_34 = arith.constant 0 : i32
    %dma_start3A_35 = arith.constant 0 : i32
    %dma_start3A_36 = tpu.memref_slice %arg7[%dma_start3A, %dma_start3A_35] : memref<2x128xi32, #tpu.memory_space<vmem>> -> memref<1x128xi32, #tpu.memory_space<vmem>>
    %dma_start3A_37 = tpu.memref_squeeze %dma_start3A_36 : memref<1x128xi32, #tpu.memory_space<vmem>> -> memref<128xi32, #tpu.memory_space<vmem>>
    %dma_start3A_38 = tpu.memref_slice %arg4[%add3A_33] : memref<320000xi32, #tpu.memory_space<hbm>> -> memref<128xi32, #tpu.memory_space<hbm>>
    %dma_start3A_39 = tpu.memref_slice %arg14[%dma_start3A_34] : memref<2x!tpu.dma_semaphore, #tpu.memory_space<semaphore_mem>> -> memref<1x!tpu.dma_semaphore, #tpu.memory_space<semaphore_mem>>
    %dma_start3A_40 = tpu.memref_squeeze %dma_start3A_39 : memref<1x!tpu.dma_semaphore, #tpu.memory_space<semaphore_mem>> -> memref<!tpu.dma_semaphore, #tpu.memory_space<semaphore_mem>>
    %dma_start3A_41 = arith.constant 0 : i32
    %dma_start3A_42 = tpu.memref_slice %arg7[%dma_start3A, %dma_start3A_41] : memref<2x128xi32, #tpu.memory_space<vmem>> -> memref<1x128xi32, #tpu.memory_space<vmem>>
    %dma_start3A_43 = tpu.memref_squeeze %dma_start3A_42 : memref<1x128xi32, #tpu.memory_space<vmem>> -> memref<128xi32, #tpu.memory_space<vmem>>
    %dma_start3A_44 = tpu.memref_slice %arg4[%add3A_33] : memref<320000xi32, #tpu.memory_space<hbm>> -> memref<128xi32, #tpu.memory_space<hbm>>
    tpu.enqueue_dma source(%dma_start3A_44 : memref<128xi32, #tpu.memory_space<hbm>>) target(%dma_start3A_43 : memref<128xi32, #tpu.memory_space<vmem>>) target_semaphore(%dma_start3A_40 : memref<!tpu.dma_semaphore, #tpu.memory_space<semaphore_mem>>)
    %dma_start3A_45 = arith.constant 0 : i32
    %dma_start3A_46 = arith.constant 0 : i32
    %dma_start3A_47 = arith.constant 0 : i32
    %dma_start3A_48 = tpu.memref_slice %arg8[%dma_start3A_45, %dma_start3A_47] : memref<2x128xi32, #tpu.memory_space<vmem>> -> memref<1x128xi32, #tpu.memory_space<vmem>>
    %dma_start3A_49 = tpu.memref_squeeze %dma_start3A_48 : memref<1x128xi32, #tpu.memory_space<vmem>> -> memref<128xi32, #tpu.memory_space<vmem>>
    %dma_start3A_50 = tpu.memref_slice %arg5[%add3A_33] : memref<320000xi32, #tpu.memory_space<hbm>> -> memref<128xi32, #tpu.memory_space<hbm>>
    %dma_start3A_51 = tpu.memref_slice %arg15[%dma_start3A_46] : memref<2x!tpu.dma_semaphore, #tpu.memory_space<semaphore_mem>> -> memref<1x!tpu.dma_semaphore, #tpu.memory_space<semaphore_mem>>
    %dma_start3A_52 = tpu.memref_squeeze %dma_start3A_51 : memref<1x!tpu.dma_semaphore, #tpu.memory_space<semaphore_mem>> -> memref<!tpu.dma_semaphore, #tpu.memory_space<semaphore_mem>>
    %dma_start3A_53 = arith.constant 0 : i32
    %dma_start3A_54 = tpu.memref_slice %arg8[%dma_start3A_45, %dma_start3A_53] : memref<2x128xi32, #tpu.memory_space<vmem>> -> memref<1x128xi32, #tpu.memory_space<vmem>>
    %dma_start3A_55 = tpu.memref_squeeze %dma_start3A_54 : memref<1x128xi32, #tpu.memory_space<vmem>> -> memref<128xi32, #tpu.memory_space<vmem>>
    %dma_start3A_56 = tpu.memref_slice %arg5[%add3A_33] : memref<320000xi32, #tpu.memory_space<hbm>> -> memref<128xi32, #tpu.memory_space<hbm>>
    tpu.enqueue_dma source(%dma_start3A_56 : memref<128xi32, #tpu.memory_space<hbm>>) target(%dma_start3A_55 : memref<128xi32, #tpu.memory_space<vmem>>) target_semaphore(%dma_start3A_52 : memref<!tpu.dma_semaphore, #tpu.memory_space<semaphore_mem>>)
    %scan3A_57 = arith.constant 0 : i32
    %scan3A_58 = arith.constant 0 : i32
    %scan3A_59 = arith.constant 78 : i32
    %scan3A_60 = arith.addi %scan3A_58, %scan3A_59 : i32
    %scan3A_61 = arith.constant 1 : i32
    scf.for %scan3A_108 = %scan3A_58 to %scan3A_60 step %scan3A_61  : i32 {
      %rem3A = arith.constant 2 : i32
      %rem3A_109 = arith.remsi %scan3A_108, %rem3A : i32
      %add3A_110 = arith.constant 1 : i32
      %add3A_111 = arith.addi %scan3A_108, %add3A_110 : i32
      %rem3A_112 = arith.constant 2 : i32
      %rem3A_113 = arith.remsi %add3A_111, %rem3A_112 : i32
      %dma_wait3A_114 = arith.constant 0 : i32
      %dma_wait3A_115 = tpu.memref_slice %arg7[%rem3A_109, %dma_wait3A_114] : memref<2x128xi32, #tpu.memory_space<vmem>> -> memref<1x128xi32, #tpu.memory_space<vmem>>
      %dma_wait3A_116 = tpu.memref_squeeze %dma_wait3A_115 : memref<1x128xi32, #tpu.memory_space<vmem>> -> memref<128xi32, #tpu.memory_space<vmem>>
      %dma_wait3A_117 = arith.constant 0 : i32
      %dma_wait3A_118 = tpu.memref_slice %arg4[%dma_wait3A_117] : memref<320000xi32, #tpu.memory_space<hbm>> -> memref<128xi32, #tpu.memory_space<hbm>>
      %dma_wait3A_119 = tpu.memref_slice %arg14[%rem3A_109] : memref<2x!tpu.dma_semaphore, #tpu.memory_space<semaphore_mem>> -> memref<1x!tpu.dma_semaphore, #tpu.memory_space<semaphore_mem>>
      %dma_wait3A_120 = tpu.memref_squeeze %dma_wait3A_119 : memref<1x!tpu.dma_semaphore, #tpu.memory_space<semaphore_mem>> -> memref<!tpu.dma_semaphore, #tpu.memory_space<semaphore_mem>>
      %dma_wait3A_121 = arith.constant 0 : i32
      %dma_wait3A_122 = tpu.memref_slice %arg7[%rem3A_109, %dma_wait3A_121] : memref<2x128xi32, #tpu.memory_space<vmem>> -> memref<1x128xi32, #tpu.memory_space<vmem>>
      %dma_wait3A_123 = tpu.memref_squeeze %dma_wait3A_122 : memref<1x128xi32, #tpu.memory_space<vmem>> -> memref<128xi32, #tpu.memory_space<vmem>>
      %dma_wait3A_124 = arith.constant 0 : i32
      %dma_wait3A_125 = tpu.memref_slice %arg4[%dma_wait3A_124] : memref<320000xi32, #tpu.memory_space<hbm>> -> memref<128xi32, #tpu.memory_space<hbm>>
      tpu.wait_dma2 semaphore(%dma_wait3A_120 : memref<!tpu.dma_semaphore, #tpu.memory_space<semaphore_mem>>) src(%dma_wait3A_125 : memref<128xi32, #tpu.memory_space<hbm>>) dst(%dma_wait3A_123 : memref<128xi32, #tpu.memory_space<vmem>>)
      %dma_wait3A_126 = arith.constant 0 : i32
      %dma_wait3A_127 = tpu.memref_slice %arg8[%rem3A_109, %dma_wait3A_126] : memref<2x128xi32, #tpu.memory_space<vmem>> -> memref<1x128xi32, #tpu.memory_space<vmem>>
      %dma_wait3A_128 = tpu.memref_squeeze %dma_wait3A_127 : memref<1x128xi32, #tpu.memory_space<vmem>> -> memref<128xi32, #tpu.memory_space<vmem>>
      %dma_wait3A_129 = arith.constant 0 : i32
      %dma_wait3A_130 = tpu.memref_slice %arg4[%dma_wait3A_129] : memref<320000xi32, #tpu.memory_space<hbm>> -> memref<128xi32, #tpu.memory_space<hbm>>
      %dma_wait3A_131 = tpu.memref_slice %arg15[%rem3A_109] : memref<2x!tpu.dma_semaphore, #tpu.memory_space<semaphore_mem>> -> memref<1x!tpu.dma_semaphore, #tpu.memory_space<semaphore_mem>>
      %dma_wait3A_132 = tpu.memref_squeeze %dma_wait3A_131 : memref<1x!tpu.dma_semaphore, #tpu.memory_space<semaphore_mem>> -> memref<!tpu.dma_semaphore, #tpu.memory_space<semaphore_mem>>
      %dma_wait3A_133 = arith.constant 0 : i32
      %dma_wait3A_134 = tpu.memref_slice %arg8[%rem3A_109, %dma_wait3A_133] : memref<2x128xi32, #tpu.memory_space<vmem>> -> memref<1x128xi32, #tpu.memory_space<vmem>>
      %dma_wait3A_135 = tpu.memref_squeeze %dma_wait3A_134 : memref<1x128xi32, #tpu.memory_space<vmem>> -> memref<128xi32, #tpu.memory_space<vmem>>
      %dma_wait3A_136 = arith.constant 0 : i32
      %dma_wait3A_137 = tpu.memref_slice %arg4[%dma_wait3A_136] : memref<320000xi32, #tpu.memory_space<hbm>> -> memref<128xi32, #tpu.memory_space<hbm>>
      tpu.wait_dma2 semaphore(%dma_wait3A_132 : memref<!tpu.dma_semaphore, #tpu.memory_space<semaphore_mem>>) src(%dma_wait3A_137 : memref<128xi32, #tpu.memory_space<hbm>>) dst(%dma_wait3A_135 : memref<128xi32, #tpu.memory_space<vmem>>)
      %dma_start3A_138 = arith.constant 0 : i32
      %dma_start3A_139 = tpu.memref_slice %arg7[%rem3A_109, %dma_start3A_138] : memref<2x128xi32, #tpu.memory_space<vmem>> -> memref<1x128xi32, #tpu.memory_space<vmem>>
      %dma_start3A_140 = tpu.memref_squeeze %dma_start3A_139 : memref<1x128xi32, #tpu.memory_space<vmem>> -> memref<128xi32, #tpu.memory_space<vmem>>
      %dma_start3A_141 = arith.constant 0 : i32
      %dma_start3A_142 = arith.constant 0 : i32
      %dma_start3A_143 = tpu.memref_slice %arg2[%dma_start3A_141, %dma_start3A_142] : memref<10000x128xf32, #tpu.memory_space<hbm>> -> memref<10000x128xf32, #tpu.memory_space<hbm>>
      tpu.enqueue_indirect_dma source(%dma_start3A_143 : memref<10000x128xf32, #tpu.memory_space<hbm>>) target(%arg11 : memref<128x128xf32, #tpu.memory_space<vmem>>) offsets(%dma_start3A_140 : memref<128xi32, #tpu.memory_space<vmem>>) semaphore(%arg16 : memref<!tpu.dma_semaphore, #tpu.memory_space<semaphore_mem>>)
      %mul3A_144 = arith.constant 128 : i32
      %mul3A_145 = arith.muli %scan3A_108, %mul3A_144 : i32
      %add3A_146 = arith.addi %mul3A_2, %mul3A_145 : i32
      %dma_start3A_147 = arith.constant 0 : i32
      %dma_start3A_148 = tpu.memref_slice %arg3[%add3A_146, %dma_start3A_147] : memref<320000x128xf32, #tpu.memory_space<hbm>> -> memref<128x128xf32, #tpu.memory_space<hbm>>
      %dma_start3A_149 = arith.constant 0 : i32
      %dma_start3A_150 = tpu.memref_slice %arg3[%add3A_146, %dma_start3A_149] : memref<320000x128xf32, #tpu.memory_space<hbm>> -> memref<128x128xf32, #tpu.memory_space<hbm>>
      tpu.enqueue_dma source(%dma_start3A_150 : memref<128x128xf32, #tpu.memory_space<hbm>>) target(%arg12 : memref<128x128xf32, #tpu.memory_space<vmem>>) target_semaphore(%arg17 : memref<!tpu.dma_semaphore, #tpu.memory_space<semaphore_mem>>)
      %add3A_151 = arith.constant 1 : i32
      %add3A_152 = arith.addi %scan3A_108, %add3A_151 : i32
      %lt3A = arith.constant 78 : i32
      %lt3A_153 = arith.cmpi slt, %add3A_152, %lt3A : i32
      %convert_element_type3A_154 = arith.extui %lt3A_153 : i1 to i32
      %cond3A_155 = arith.constant 0 : i32
      %cond3A_156 = arith.cmpi ne, %convert_element_type3A_154, %cond3A_155 : i32
      scf.if %cond3A_156 {
        %add3A_170 = arith.constant 1 : i32
        %add3A_171 = arith.addi %scan3A_108, %add3A_170 : i32
        %mul3A_172 = arith.constant 128 : i32
        %mul3A_173 = arith.muli %add3A_171, %mul3A_172 : i32
        %add3A_174 = arith.addi %mul3A_2, %mul3A_173 : i32
        %dma_start3A_175 = arith.constant 0 : i32
        %dma_start3A_176 = tpu.memref_slice %arg7[%rem3A_113, %dma_start3A_175] : memref<2x128xi32, #tpu.memory_space<vmem>> -> memref<1x128xi32, #tpu.memory_space<vmem>>
        %dma_start3A_177 = tpu.memref_squeeze %dma_start3A_176 : memref<1x128xi32, #tpu.memory_space<vmem>> -> memref<128xi32, #tpu.memory_space<vmem>>
        %dma_start3A_178 = tpu.memref_slice %arg4[%add3A_174] : memref<320000xi32, #tpu.memory_space<hbm>> -> memref<128xi32, #tpu.memory_space<hbm>>
        %dma_start3A_179 = tpu.memref_slice %arg14[%rem3A_113] : memref<2x!tpu.dma_semaphore, #tpu.memory_space<semaphore_mem>> -> memref<1x!tpu.dma_semaphore, #tpu.memory_space<semaphore_mem>>
        %dma_start3A_180 = tpu.memref_squeeze %dma_start3A_179 : memref<1x!tpu.dma_semaphore, #tpu.memory_space<semaphore_mem>> -> memref<!tpu.dma_semaphore, #tpu.memory_space<semaphore_mem>>
        %dma_start3A_181 = arith.constant 0 : i32
        %dma_start3A_182 = tpu.memref_slice %arg7[%rem3A_113, %dma_start3A_181] : memref<2x128xi32, #tpu.memory_space<vmem>> -> memref<1x128xi32, #tpu.memory_space<vmem>>
        %dma_start3A_183 = tpu.memref_squeeze %dma_start3A_182 : memref<1x128xi32, #tpu.memory_space<vmem>> -> memref<128xi32, #tpu.memory_space<vmem>>
        %dma_start3A_184 = tpu.memref_slice %arg4[%add3A_174] : memref<320000xi32, #tpu.memory_space<hbm>> -> memref<128xi32, #tpu.memory_space<hbm>>
        tpu.enqueue_dma source(%dma_start3A_184 : memref<128xi32, #tpu.memory_space<hbm>>) target(%dma_start3A_183 : memref<128xi32, #tpu.memory_space<vmem>>) target_semaphore(%dma_start3A_180 : memref<!tpu.dma_semaphore, #tpu.memory_space<semaphore_mem>>)
        %dma_start3A_185 = arith.constant 0 : i32
        %dma_start3A_186 = tpu.memref_slice %arg8[%rem3A_113, %dma_start3A_185] : memref<2x128xi32, #tpu.memory_space<vmem>> -> memref<1x128xi32, #tpu.memory_space<vmem>>
        %dma_start3A_187 = tpu.memref_squeeze %dma_start3A_186 : memref<1x128xi32, #tpu.memory_space<vmem>> -> memref<128xi32, #tpu.memory_space<vmem>>
        %dma_start3A_188 = tpu.memref_slice %arg5[%add3A_174] : memref<320000xi32, #tpu.memory_space<hbm>> -> memref<128xi32, #tpu.memory_space<hbm>>
        %dma_start3A_189 = tpu.memref_slice %arg15[%rem3A_113] : memref<2x!tpu.dma_semaphore, #tpu.memory_space<semaphore_mem>> -> memref<1x!tpu.dma_semaphore, #tpu.memory_space<semaphore_mem>>
        %dma_start3A_190 = tpu.memref_squeeze %dma_start3A_189 : memref<1x!tpu.dma_semaphore, #tpu.memory_space<semaphore_mem>> -> memref<!tpu.dma_semaphore, #tpu.memory_space<semaphore_mem>>
        %dma_start3A_191 = arith.constant 0 : i32
        %dma_start3A_192 = tpu.memref_slice %arg8[%rem3A_113, %dma_start3A_191] : memref<2x128xi32, #tpu.memory_space<vmem>> -> memref<1x128xi32, #tpu.memory_space<vmem>>
        %dma_start3A_193 = tpu.memref_squeeze %dma_start3A_192 : memref<1x128xi32, #tpu.memory_space<vmem>> -> memref<128xi32, #tpu.memory_space<vmem>>
        %dma_start3A_194 = tpu.memref_slice %arg5[%add3A_174] : memref<320000xi32, #tpu.memory_space<hbm>> -> memref<128xi32, #tpu.memory_space<hbm>>
        tpu.enqueue_dma source(%dma_start3A_194 : memref<128xi32, #tpu.memory_space<hbm>>) target(%dma_start3A_193 : memref<128xi32, #tpu.memory_space<vmem>>) target_semaphore(%dma_start3A_190 : memref<!tpu.dma_semaphore, #tpu.memory_space<semaphore_mem>>)
      } else {
      }
      %dma_wait3A_157 = arith.constant 0 : i32
      %dma_wait3A_158 = tpu.memref_slice %arg3[%add3A_146, %dma_wait3A_157] : memref<320000x128xf32, #tpu.memory_space<hbm>> -> memref<128x128xf32, #tpu.memory_space<hbm>>
      %dma_wait3A_159 = arith.constant 0 : i32
      %dma_wait3A_160 = tpu.memref_slice %arg3[%add3A_146, %dma_wait3A_159] : memref<320000x128xf32, #tpu.memory_space<hbm>> -> memref<128x128xf32, #tpu.memory_space<hbm>>
      tpu.wait_dma2 semaphore(%arg17 : memref<!tpu.dma_semaphore, #tpu.memory_space<semaphore_mem>>) src(%dma_wait3A_160 : memref<128x128xf32, #tpu.memory_space<hbm>>) dst(%arg12 : memref<128x128xf32, #tpu.memory_space<vmem>>)
      %dma_wait3A_161 = arith.constant 0 : i32
      %dma_wait3A_162 = tpu.memref_slice %arg7[%rem3A_109, %dma_wait3A_161] : memref<2x128xi32, #tpu.memory_space<vmem>> -> memref<1x128xi32, #tpu.memory_space<vmem>>
      %dma_wait3A_163 = tpu.memref_squeeze %dma_wait3A_162 : memref<1x128xi32, #tpu.memory_space<vmem>> -> memref<128xi32, #tpu.memory_space<vmem>>
      %dma_wait3A_164 = arith.constant 0 : i32
      %dma_wait3A_165 = arith.constant 0 : i32
      %dma_wait3A_166 = tpu.memref_slice %arg2[%dma_wait3A_164, %dma_wait3A_165] : memref<10000x128xf32, #tpu.memory_space<hbm>> -> memref<10000x128xf32, #tpu.memory_space<hbm>>
      tpu.wait_indirect_dma semaphore(%arg16 : memref<!tpu.dma_semaphore, #tpu.memory_space<semaphore_mem>>) src(%dma_wait3A_166 : memref<10000x128xf32, #tpu.memory_space<hbm>>) dst(%arg11 : memref<128x128xf32, #tpu.memory_space<vmem>>)
      %parallel_loop3A_167 = arith.constant 0 : i32
      %parallel_loop3A_168 = arith.constant 128 : i32
      %parallel_loop3A_169 = arith.constant 1 : i32
      scf.for %parallel_loop3A_170 = %parallel_loop3A_167 to %parallel_loop3A_168 step %parallel_loop3A_169  : i32 {
        %parallel_loop3A_171 = arith.index_cast %parallel_loop3A_170 : i32 to index
        %parallel_loop3A_172 = arith.constant 0 : index
        %parallel_loop3A_173 = tpu.vector_load %arg11[%parallel_loop3A_171, %parallel_loop3A_172] {strides = array<i32>} : memref<128x128xf32, #tpu.memory_space<vmem>>, vector<1x16xf32>,
        %parallel_loop3A_174 = vector.shape_cast %parallel_loop3A_173 : vector<1x16xf32> to vector<16xf32>
        %parallel_loop3A_175 = arith.index_cast %parallel_loop3A_170 : i32 to index
        %parallel_loop3A_176 = arith.constant 0 : index
        %parallel_loop3A_177 = tpu.vector_load %arg12[%parallel_loop3A_175, %parallel_loop3A_176] {strides = array<i32>} : memref<128x128xf32, #tpu.memory_space<vmem>>, vector<1x16xf32>,
        %parallel_loop3A_178 = vector.shape_cast %parallel_loop3A_177 : vector<1x16xf32> to vector<16xf32>
        %parallel_loop3A_179 = arith.addf %parallel_loop3A_174, %parallel_loop3A_178 : vector<16xf32>
        %parallel_loop3A_180 = arith.constant 0.000000e+00 : f32
        %parallel_loop3A_181 = vector.broadcast %parallel_loop3A_180 : f32 to vector<16xf32>
        %parallel_loop3A_182 = arith.maximumf %parallel_loop3A_179, %parallel_loop3A_181 : vector<16xf32>
        %parallel_loop3A_183 = arith.index_cast %parallel_loop3A_170 : i32 to index
        %parallel_loop3A_184 = arith.constant 0 : index
        %parallel_loop3A_185 = tpu.vector_load %arg11[%parallel_loop3A_183, %parallel_loop3A_184] {strides = array<i32>} : memref<128x128xf32, #tpu.memory_space<vmem>>, vector<1x16xf32>,
        %parallel_loop3A_186 = vector.shape_cast %parallel_loop3A_185 : vector<1x16xf32> to vector<16xf32>
        %parallel_loop3A_187 = vector.shape_cast %parallel_loop3A_182 : vector<16xf32> to vector<1x16xf32>
        tpu.vector_store %arg11[%parallel_loop3A_183, %parallel_loop3A_184], %parallel_loop3A_187 {strides = array<i32>} : memref<128x128xf32, #tpu.memory_space<vmem>>, vector<1x16xf32>,
        %parallel_loop3A_188 = arith.index_cast %parallel_loop3A_170 : i32 to index
        %parallel_loop3A_189 = arith.constant 16 : index
        %parallel_loop3A_190 = tpu.vector_load %arg11[%parallel_loop3A_188, %parallel_loop3A_189] {strides = array<i32>} : memref<128x128xf32, #tpu.memory_space<vmem>>, vector<1x16xf32>,
        %parallel_loop3A_191 = vector.shape_cast %parallel_loop3A_190 : vector<1x16xf32> to vector<16xf32>
        %parallel_loop3A_192 = arith.index_cast %parallel_loop3A_170 : i32 to index
        %parallel_loop3A_193 = arith.constant 16 : index
        %parallel_loop3A_194 = tpu.vector_load %arg12[%parallel_loop3A_192, %parallel_loop3A_193] {strides = array<i32>} : memref<128x128xf32, #tpu.memory_space<vmem>>, vector<1x16xf32>,
        %parallel_loop3A_195 = vector.shape_cast %parallel_loop3A_194 : vector<1x16xf32> to vector<16xf32>
        %parallel_loop3A_196 = arith.addf %parallel_loop3A_191, %parallel_loop3A_195 : vector<16xf32>
        %parallel_loop3A_197 = arith.constant 0.000000e+00 : f32
        %parallel_loop3A_198 = vector.broadcast %parallel_loop3A_197 : f32 to vector<16xf32>
        %parallel_loop3A_199 = arith.maximumf %parallel_loop3A_196, %parallel_loop3A_198 : vector<16xf32>
        %parallel_loop3A_200 = arith.index_cast %parallel_loop3A_170 : i32 to index
        %parallel_loop3A_201 = arith.constant 16 : index
        %parallel_loop3A_202 = tpu.vector_load %arg11[%parallel_loop3A_200, %parallel_loop3A_201] {strides = array<i32>} : memref<128x128xf32, #tpu.memory_space<vmem>>, vector<1x16xf32>,
        %parallel_loop3A_203 = vector.shape_cast %parallel_loop3A_202 : vector<1x16xf32> to vector<16xf32>
        %parallel_loop3A_204 = vector.shape_cast %parallel_loop3A_199 : vector<16xf32> to vector<1x16xf32>
        tpu.vector_store %arg11[%parallel_loop3A_200, %parallel_loop3A_201], %parallel_loop3A_204 {strides = array<i32>} : memref<128x128xf32, #tpu.memory_space<vmem>>, vector<1x16xf32>,
        %parallel_loop3A_205 = arith.index_cast %parallel_loop3A_170 : i32 to index
        %parallel_loop3A_206 = arith.constant 32 : index
        %parallel_loop3A_207 = tpu.vector_load %arg11[%parallel_loop3A_205, %parallel_loop3A_206] {strides = array<i32>} : memref<128x128xf32, #tpu.memory_space<vmem>>, vector<1x16xf32>,
        %parallel_loop3A_208 = vector.shape_cast %parallel_loop3A_207 : vector<1x16xf32> to vector<16xf32>
        %parallel_loop3A_209 = arith.index_cast %parallel_loop3A_170 : i32 to index
        %parallel_loop3A_210 = arith.constant 32 : index
        %parallel_loop3A_211 = tpu.vector_load %arg12[%parallel_loop3A_209, %parallel_loop3A_210] {strides = array<i32>} : memref<128x128xf32, #tpu.memory_space<vmem>>, vector<1x16xf32>,
        %parallel_loop3A_212 = vector.shape_cast %parallel_loop3A_211 : vector<1x16xf32> to vector<16xf32>
        %parallel_loop3A_213 = arith.addf %parallel_loop3A_208, %parallel_loop3A_212 : vector<16xf32>
        %parallel_loop3A_214 = arith.constant 0.000000e+00 : f32
        %parallel_loop3A_215 = vector.broadcast %parallel_loop3A_214 : f32 to vector<16xf32>
        %parallel_loop3A_216 = arith.maximumf %parallel_loop3A_213, %parallel_loop3A_215 : vector<16xf32>
        %parallel_loop3A_217 = arith.index_cast %parallel_loop3A_170 : i32 to index
        %parallel_loop3A_218 = arith.constant 32 : index
        %parallel_loop3A_219 = tpu.vector_load %arg11[%parallel_loop3A_217, %parallel_loop3A_218] {strides = array<i32>} : memref<128x128xf32, #tpu.memory_space<vmem>>, vector<1x16xf32>,
        %parallel_loop3A_220 = vector.shape_cast %parallel_loop3A_219 : vector<1x16xf32> to vector<16xf32>
        %parallel_loop3A_221 = vector.shape_cast %parallel_loop3A_216 : vector<16xf32> to vector<1x16xf32>
        tpu.vector_store %arg11[%parallel_loop3A_217, %parallel_loop3A_218], %parallel_loop3A_221 {strides = array<i32>} : memref<128x128xf32, #tpu.memory_space<vmem>>, vector<1x16xf32>,
        %parallel_loop3A_222 = arith.index_cast %parallel_loop3A_170 : i32 to index
        %parallel_loop3A_223 = arith.constant 48 : index
        %parallel_loop3A_224 = tpu.vector_load %arg11[%parallel_loop3A_222, %parallel_loop3A_223] {strides = array<i32>} : memref<128x128xf32, #tpu.memory_space<vmem>>, vector<1x16xf32>,
        %parallel_loop3A_225 = vector.shape_cast %parallel_loop3A_224 : vector<1x16xf32> to vector<16xf32>
        %parallel_loop3A_226 = arith.index_cast %parallel_loop3A_170 : i32 to index
        %parallel_loop3A_227 = arith.constant 48 : index
        %parallel_loop3A_228 = tpu.vector_load %arg12[%parallel_loop3A_226, %parallel_loop3A_227] {strides = array<i32>} : memref<128x128xf32, #tpu.memory_space<vmem>>, vector<1x16xf32>,
        %parallel_loop3A_229 = vector.shape_cast %parallel_loop3A_228 : vector<1x16xf32> to vector<16xf32>
        %parallel_loop3A_230 = arith.addf %parallel_loop3A_225, %parallel_loop3A_229 : vector<16xf32>
        %parallel_loop3A_231 = arith.constant 0.000000e+00 : f32
        %parallel_loop3A_232 = vector.broadcast %parallel_loop3A_231 : f32 to vector<16xf32>
        %parallel_loop3A_233 = arith.maximumf %parallel_loop3A_230, %parallel_loop3A_232 : vector<16xf32>
        %parallel_loop3A_234 = arith.index_cast %parallel_loop3A_170 : i32 to index
        %parallel_loop3A_235 = arith.constant 48 : index
        %parallel_loop3A_236 = tpu.vector_load %arg11[%parallel_loop3A_234, %parallel_loop3A_235] {strides = array<i32>} : memref<128x128xf32, #tpu.memory_space<vmem>>, vector<1x16xf32>,
        %parallel_loop3A_237 = vector.shape_cast %parallel_loop3A_236 : vector<1x16xf32> to vector<16xf32>
        %parallel_loop3A_238 = vector.shape_cast %parallel_loop3A_233 : vector<16xf32> to vector<1x16xf32>
        tpu.vector_store %arg11[%parallel_loop3A_234, %parallel_loop3A_235], %parallel_loop3A_238 {strides = array<i32>} : memref<128x128xf32, #tpu.memory_space<vmem>>, vector<1x16xf32>,
        %parallel_loop3A_239 = arith.index_cast %parallel_loop3A_170 : i32 to index
        %parallel_loop3A_240 = arith.constant 64 : index
        %parallel_loop3A_241 = tpu.vector_load %arg11[%parallel_loop3A_239, %parallel_loop3A_240] {strides = array<i32>} : memref<128x128xf32, #tpu.memory_space<vmem>>, vector<1x16xf32>,
        %parallel_loop3A_242 = vector.shape_cast %parallel_loop3A_241 : vector<1x16xf32> to vector<16xf32>
        %parallel_loop3A_243 = arith.index_cast %parallel_loop3A_170 : i32 to index
        %parallel_loop3A_244 = arith.constant 64 : index
        %parallel_loop3A_245 = tpu.vector_load %arg12[%parallel_loop3A_243, %parallel_loop3A_244] {strides = array<i32>} : memref<128x128xf32, #tpu.memory_space<vmem>>, vector<1x16xf32>,
        %parallel_loop3A_246 = vector.shape_cast %parallel_loop3A_245 : vector<1x16xf32> to vector<16xf32>
        %parallel_loop3A_247 = arith.addf %parallel_loop3A_242, %parallel_loop3A_246 : vector<16xf32>
        %parallel_loop3A_248 = arith.constant 0.000000e+00 : f32
        %parallel_loop3A_249 = vector.broadcast %parallel_loop3A_248 : f32 to vector<16xf32>
        %parallel_loop3A_250 = arith.maximumf %parallel_loop3A_247, %parallel_loop3A_249 : vector<16xf32>
        %parallel_loop3A_251 = arith.index_cast %parallel_loop3A_170 : i32 to index
        %parallel_loop3A_252 = arith.constant 64 : index
        %parallel_loop3A_253 = tpu.vector_load %arg11[%parallel_loop3A_251, %parallel_loop3A_252] {strides = array<i32>} : memref<128x128xf32, #tpu.memory_space<vmem>>, vector<1x16xf32>,
        %parallel_loop3A_254 = vector.shape_cast %parallel_loop3A_253 : vector<1x16xf32> to vector<16xf32>
        %parallel_loop3A_255 = vector.shape_cast %parallel_loop3A_250 : vector<16xf32> to vector<1x16xf32>
        tpu.vector_store %arg11[%parallel_loop3A_251, %parallel_loop3A_252], %parallel_loop3A_255 {strides = array<i32>} : memref<128x128xf32, #tpu.memory_space<vmem>>, vector<1x16xf32>,
        %parallel_loop3A_256 = arith.index_cast %parallel_loop3A_170 : i32 to index
        %parallel_loop3A_257 = arith.constant 80 : index
        %parallel_loop3A_258 = tpu.vector_load %arg11[%parallel_loop3A_256, %parallel_loop3A_257] {strides = array<i32>} : memref<128x128xf32, #tpu.memory_space<vmem>>, vector<1x16xf32>,
        %parallel_loop3A_259 = vector.shape_cast %parallel_loop3A_258 : vector<1x16xf32> to vector<16xf32>
        %parallel_loop3A_260 = arith.index_cast %parallel_loop3A_170 : i32 to index
        %parallel_loop3A_261 = arith.constant 80 : index
        %parallel_loop3A_262 = tpu.vector_load %arg12[%parallel_loop3A_260, %parallel_loop3A_261] {strides = array<i32>} : memref<128x128xf32, #tpu.memory_space<vmem>>, vector<1x16xf32>,
        %parallel_loop3A_263 = vector.shape_cast %parallel_loop3A_262 : vector<1x16xf32> to vector<16xf32>
        %parallel_loop3A_264 = arith.addf %parallel_loop3A_259, %parallel_loop3A_263 : vector<16xf32>
        %parallel_loop3A_265 = arith.constant 0.000000e+00 : f32
        %parallel_loop3A_266 = vector.broadcast %parallel_loop3A_265 : f32 to vector<16xf32>
        %parallel_loop3A_267 = arith.maximumf %parallel_loop3A_264, %parallel_loop3A_266 : vector<16xf32>
        %parallel_loop3A_268 = arith.index_cast %parallel_loop3A_170 : i32 to index
        %parallel_loop3A_269 = arith.constant 80 : index
        %parallel_loop3A_270 = tpu.vector_load %arg11[%parallel_loop3A_268, %parallel_loop3A_269] {strides = array<i32>} : memref<128x128xf32, #tpu.memory_space<vmem>>, vector<1x16xf32>,
        %parallel_loop3A_271 = vector.shape_cast %parallel_loop3A_270 : vector<1x16xf32> to vector<16xf32>
        %parallel_loop3A_272 = vector.shape_cast %parallel_loop3A_267 : vector<16xf32> to vector<1x16xf32>
        tpu.vector_store %arg11[%parallel_loop3A_268, %parallel_loop3A_269], %parallel_loop3A_272 {strides = array<i32>} : memref<128x128xf32, #tpu.memory_space<vmem>>, vector<1x16xf32>,
        %parallel_loop3A_273 = arith.index_cast %parallel_loop3A_170 : i32 to index
        %parallel_loop3A_274 = arith.constant 96 : index
        %parallel_loop3A_275 = tpu.vector_load %arg11[%parallel_loop3A_273, %parallel_loop3A_274] {strides = array<i32>} : memref<128x128xf32, #tpu.memory_space<vmem>>, vector<1x16xf32>,
        %parallel_loop3A_276 = vector.shape_cast %parallel_loop3A_275 : vector<1x16xf32> to vector<16xf32>
        %parallel_loop3A_277 = arith.index_cast %parallel_loop3A_170 : i32 to index
        %parallel_loop3A_278 = arith.constant 96 : index
        %parallel_loop3A_279 = tpu.vector_load %arg12[%parallel_loop3A_277, %parallel_loop3A_278] {strides = array<i32>} : memref<128x128xf32, #tpu.memory_space<vmem>>, vector<1x16xf32>,
        %parallel_loop3A_280 = vector.shape_cast %parallel_loop3A_279 : vector<1x16xf32> to vector<16xf32>
        %parallel_loop3A_281 = arith.addf %parallel_loop3A_276, %parallel_loop3A_280 : vector<16xf32>
        %parallel_loop3A_282 = arith.constant 0.000000e+00 : f32
        %parallel_loop3A_283 = vector.broadcast %parallel_loop3A_282 : f32 to vector<16xf32>
        %parallel_loop3A_284 = arith.maximumf %parallel_loop3A_281, %parallel_loop3A_283 : vector<16xf32>
        %parallel_loop3A_285 = arith.index_cast %parallel_loop3A_170 : i32 to index
        %parallel_loop3A_286 = arith.constant 96 : index
        %parallel_loop3A_287 = tpu.vector_load %arg11[%parallel_loop3A_285, %parallel_loop3A_286] {strides = array<i32>} : memref<128x128xf32, #tpu.memory_space<vmem>>, vector<1x16xf32>,
        %parallel_loop3A_288 = vector.shape_cast %parallel_loop3A_287 : vector<1x16xf32> to vector<16xf32>
        %parallel_loop3A_289 = vector.shape_cast %parallel_loop3A_284 : vector<16xf32> to vector<1x16xf32>
        tpu.vector_store %arg11[%parallel_loop3A_285, %parallel_loop3A_286], %parallel_loop3A_289 {strides = array<i32>} : memref<128x128xf32, #tpu.memory_space<vmem>>, vector<1x16xf32>,
        %parallel_loop3A_290 = arith.index_cast %parallel_loop3A_170 : i32 to index
        %parallel_loop3A_291 = arith.constant 112 : index
        %parallel_loop3A_292 = tpu.vector_load %arg11[%parallel_loop3A_290, %parallel_loop3A_291] {strides = array<i32>} : memref<128x128xf32, #tpu.memory_space<vmem>>, vector<1x16xf32>,
        %parallel_loop3A_293 = vector.shape_cast %parallel_loop3A_292 : vector<1x16xf32> to vector<16xf32>
        %parallel_loop3A_294 = arith.index_cast %parallel_loop3A_170 : i32 to index
        %parallel_loop3A_295 = arith.constant 112 : index
        %parallel_loop3A_296 = tpu.vector_load %arg12[%parallel_loop3A_294, %parallel_loop3A_295] {strides = array<i32>} : memref<128x128xf32, #tpu.memory_space<vmem>>, vector<1x16xf32>,
        %parallel_loop3A_297 = vector.shape_cast %parallel_loop3A_296 : vector<1x16xf32> to vector<16xf32>
        %parallel_loop3A_298 = arith.addf %parallel_loop3A_293, %parallel_loop3A_297 : vector<16xf32>
        %parallel_loop3A_299 = arith.constant 0.000000e+00 : f32
        %parallel_loop3A_300 = vector.broadcast %parallel_loop3A_299 : f32 to vector<16xf32>
        %parallel_loop3A_301 = arith.maximumf %parallel_loop3A_298, %parallel_loop3A_300 : vector<16xf32>
        %parallel_loop3A_302 = arith.index_cast %parallel_loop3A_170 : i32 to index
        %parallel_loop3A_303 = arith.constant 112 : index
        %parallel_loop3A_304 = tpu.vector_load %arg11[%parallel_loop3A_302, %parallel_loop3A_303] {strides = array<i32>} : memref<128x128xf32, #tpu.memory_space<vmem>>, vector<1x16xf32>,
        %parallel_loop3A_305 = vector.shape_cast %parallel_loop3A_304 : vector<1x16xf32> to vector<16xf32>
        %parallel_loop3A_306 = vector.shape_cast %parallel_loop3A_301 : vector<16xf32> to vector<1x16xf32>
        tpu.vector_store %arg11[%parallel_loop3A_302, %parallel_loop3A_303], %parallel_loop3A_306 {strides = array<i32>} : memref<128x128xf32, #tpu.memory_space<vmem>>, vector<1x16xf32>,
      } {sc.loop_unroll_factor = 4 : i64, sc.parallel_access}
      "tpu.region"() ({
        %run_scoped3A = tpu.sem_alloc : memref<!tpu.dma_semaphore, #tpu.memory_space<semaphore_mem>>
        %dma_start3A_170 = arith.constant 0 : i32
        %dma_start3A_171 = tpu.memref_slice %arg8[%rem3A_109, %dma_start3A_170] : memref<2x128xi32, #tpu.memory_space<vmem>> -> memref<1x128xi32, #tpu.memory_space<vmem>>
        %dma_start3A_172 = tpu.memref_squeeze %dma_start3A_171 : memref<1x128xi32, #tpu.memory_space<vmem>> -> memref<128xi32, #tpu.memory_space<vmem>>
        %dma_start3A_173 = arith.constant 0 : i32
        %dma_start3A_174 = arith.constant 0 : i32
        %dma_start3A_175 = tpu.memref_slice %arg13[%dma_start3A_173, %dma_start3A_174] : memref<10000x128xf32, #tpu.memory_space<vmem_shared>> -> memref<10000x128xf32, #tpu.memory_space<vmem_shared>>
        tpu.enqueue_indirect_dma source(%arg11 : memref<128x128xf32, #tpu.memory_space<vmem>>) target(%dma_start3A_175 : memref<10000x128xf32, #tpu.memory_space<vmem_shared>>) offsets(%dma_start3A_172 : memref<128xi32, #tpu.memory_space<vmem>>) semaphore(%run_scoped3A : memref<!tpu.dma_semaphore, #tpu.memory_space<semaphore_mem>>) {add = true}
        %dma_wait3A_176 = arith.constant 0 : i32
        %dma_wait3A_177 = tpu.memref_slice %arg8[%rem3A_109, %dma_wait3A_176] : memref<2x128xi32, #tpu.memory_space<vmem>> -> memref<1x128xi32, #tpu.memory_space<vmem>>
        %dma_wait3A_178 = tpu.memref_squeeze %dma_wait3A_177 : memref<1x128xi32, #tpu.memory_space<vmem>> -> memref<128xi32, #tpu.memory_space<vmem>>
        %dma_wait3A_179 = arith.constant 0 : i32
        %dma_wait3A_180 = arith.constant 0 : i32
        %dma_wait3A_181 = tpu.memref_slice %arg13[%dma_wait3A_179, %dma_wait3A_180] : memref<10000x128xf32, #tpu.memory_space<vmem_shared>> -> memref<10000x128xf32, #tpu.memory_space<vmem_shared>>
        tpu.wait_indirect_dma semaphore(%run_scoped3A : memref<!tpu.dma_semaphore, #tpu.memory_space<semaphore_mem>>) src(%arg11 : memref<128x128xf32, #tpu.memory_space<vmem>>) dst(%dma_wait3A_181 : memref<10000x128xf32, #tpu.memory_space<vmem_shared>>)
        tpu.yield
      }) : () -> ()
    }
    %scan3A_62 = arith.constant 78 : i32
    %add3A_63 = arith.constant 9984 : i32
    %add3A_64 = arith.addi %mul3A_2, %add3A_63 : i32
    "tpu.region"() ({
      %run_scoped3A = tpu.sem_alloc : memref<!tpu.dma_semaphore, #tpu.memory_space<semaphore_mem>>
      %dma_start3A_108 = tpu.memref_slice %arg4[%add3A_64] : memref<320000xi32, #tpu.memory_space<hbm>> -> memref<16xi32, #tpu.memory_space<hbm>>
      %dma_start3A_109 = tpu.memref_slice %arg4[%add3A_64] : memref<320000xi32, #tpu.memory_space<hbm>> -> memref<16xi32, #tpu.memory_space<hbm>>
      tpu.enqueue_dma source(%dma_start3A_109 : memref<16xi32, #tpu.memory_space<hbm>>) target(%arg9 : memref<16xi32, #tpu.memory_space<vmem>>) target_semaphore(%run_scoped3A : memref<!tpu.dma_semaphore, #tpu.memory_space<semaphore_mem>>)
      %dma_wait3A_110 = tpu.memref_slice %arg4[%add3A_64] : memref<320000xi32, #tpu.memory_space<hbm>> -> memref<16xi32, #tpu.memory_space<hbm>>
      %dma_wait3A_111 = tpu.memref_slice %arg4[%add3A_64] : memref<320000xi32, #tpu.memory_space<hbm>> -> memref<16xi32, #tpu.memory_space<hbm>>
      tpu.wait_dma2 semaphore(%run_scoped3A : memref<!tpu.dma_semaphore, #tpu.memory_space<semaphore_mem>>) src(%dma_wait3A_111 : memref<16xi32, #tpu.memory_space<hbm>>) dst(%arg9 : memref<16xi32, #tpu.memory_space<vmem>>)
      tpu.yield
    }) : () -> ()
    "tpu.region"() ({
      %run_scoped3A = tpu.sem_alloc : memref<!tpu.dma_semaphore, #tpu.memory_space<semaphore_mem>>
      %dma_start3A_108 = tpu.memref_slice %arg5[%add3A_64] : memref<320000xi32, #tpu.memory_space<hbm>> -> memref<16xi32, #tpu.memory_space<hbm>>
      %dma_start3A_109 = tpu.memref_slice %arg5[%add3A_64] : memref<320000xi32, #tpu.memory_space<hbm>> -> memref<16xi32, #tpu.memory_space<hbm>>
      tpu.enqueue_dma source(%dma_start3A_109 : memref<16xi32, #tpu.memory_space<hbm>>) target(%arg10 : memref<16xi32, #tpu.memory_space<vmem>>) target_semaphore(%run_scoped3A : memref<!tpu.dma_semaphore, #tpu.memory_space<semaphore_mem>>)
      %dma_wait3A_110 = tpu.memref_slice %arg5[%add3A_64] : memref<320000xi32, #tpu.memory_space<hbm>> -> memref<16xi32, #tpu.memory_space<hbm>>
      %dma_wait3A_111 = tpu.memref_slice %arg5[%add3A_64] : memref<320000xi32, #tpu.memory_space<hbm>> -> memref<16xi32, #tpu.memory_space<hbm>>
      tpu.wait_dma2 semaphore(%run_scoped3A : memref<!tpu.dma_semaphore, #tpu.memory_space<semaphore_mem>>) src(%dma_wait3A_111 : memref<16xi32, #tpu.memory_space<hbm>>) dst(%arg10 : memref<16xi32, #tpu.memory_space<vmem>>)
      tpu.yield
    }) : () -> ()
    %dma_start3A_65 = arith.constant 0 : i32
    %dma_start3A_66 = arith.constant 0 : i32
    %dma_start3A_67 = tpu.memref_slice %arg11[%dma_start3A_65, %dma_start3A_66] : memref<128x128xf32, #tpu.memory_space<vmem>> -> memref<16x128xf32, #tpu.memory_space<vmem>>
    %dma_start3A_68 = arith.constant 0 : i32
    %dma_start3A_69 = arith.constant 0 : i32
    %dma_start3A_70 = tpu.memref_slice %arg2[%dma_start3A_68, %dma_start3A_69] : memref<10000x128xf32, #tpu.memory_space<hbm>> -> memref<10000x128xf32, #tpu.memory_space<hbm>>
    tpu.enqueue_indirect_dma source(%dma_start3A_70 : memref<10000x128xf32, #tpu.memory_space<hbm>>) target(%dma_start3A_67 : memref<16x128xf32, #tpu.memory_space<vmem>>) offsets(%arg9 : memref<16xi32, #tpu.memory_space<vmem>>) semaphore(%arg16 : memref<!tpu.dma_semaphore, #tpu.memory_space<semaphore_mem>>)
    %dma_start3A_71 = arith.constant 0 : i32
    %dma_start3A_72 = arith.constant 0 : i32
    %dma_start3A_73 = tpu.memref_slice %arg12[%dma_start3A_71, %dma_start3A_72] : memref<128x128xf32, #tpu.memory_space<vmem>> -> memref<16x128xf32, #tpu.memory_space<vmem>>
    %dma_start3A_74 = arith.constant 0 : i32
    %dma_start3A_75 = tpu.memref_slice %arg3[%add3A_64, %dma_start3A_74] : memref<320000x128xf32, #tpu.memory_space<hbm>> -> memref<16x128xf32, #tpu.memory_space<hbm>>
    %dma_start3A_76 = arith.constant 0 : i32
    %dma_start3A_77 = arith.constant 0 : i32
    %dma_start3A_78 = tpu.memref_slice %arg12[%dma_start3A_76, %dma_start3A_77] : memref<128x128xf32, #tpu.memory_space<vmem>> -> memref<16x128xf32, #tpu.memory_space<vmem>>
    %dma_start3A_79 = arith.constant 0 : i32
    %dma_start3A_80 = tpu.memref_slice %arg3[%add3A_64, %dma_start3A_79] : memref<320000x128xf32, #tpu.memory_space<hbm>> -> memref<16x128xf32, #tpu.memory_space<hbm>>
    tpu.enqueue_dma source(%dma_start3A_80 : memref<16x128xf32, #tpu.memory_space<hbm>>) target(%dma_start3A_78 : memref<16x128xf32, #tpu.memory_space<vmem>>) target_semaphore(%arg17 : memref<!tpu.dma_semaphore, #tpu.memory_space<semaphore_mem>>)
    %dma_wait3A = arith.constant 0 : i32
    %dma_wait3A_81 = arith.constant 0 : i32
    %dma_wait3A_82 = tpu.memref_slice %arg12[%dma_wait3A, %dma_wait3A_81] : memref<128x128xf32, #tpu.memory_space<vmem>> -> memref<16x128xf32, #tpu.memory_space<vmem>>
    %dma_wait3A_83 = arith.constant 0 : i32
    %dma_wait3A_84 = tpu.memref_slice %arg3[%add3A_64, %dma_wait3A_83] : memref<320000x128xf32, #tpu.memory_space<hbm>> -> memref<16x128xf32, #tpu.memory_space<hbm>>
    %dma_wait3A_85 = arith.constant 0 : i32
    %dma_wait3A_86 = arith.constant 0 : i32
    %dma_wait3A_87 = tpu.memref_slice %arg12[%dma_wait3A_85, %dma_wait3A_86] : memref<128x128xf32, #tpu.memory_space<vmem>> -> memref<16x128xf32, #tpu.memory_space<vmem>>
    %dma_wait3A_88 = arith.constant 0 : i32
    %dma_wait3A_89 = tpu.memref_slice %arg3[%add3A_64, %dma_wait3A_88] : memref<320000x128xf32, #tpu.memory_space<hbm>> -> memref<16x128xf32, #tpu.memory_space<hbm>>
    tpu.wait_dma2 semaphore(%arg17 : memref<!tpu.dma_semaphore, #tpu.memory_space<semaphore_mem>>) src(%dma_wait3A_89 : memref<16x128xf32, #tpu.memory_space<hbm>>) dst(%dma_wait3A_87 : memref<16x128xf32, #tpu.memory_space<vmem>>)
    %dma_wait3A_90 = arith.constant 0 : i32
    %dma_wait3A_91 = arith.constant 0 : i32
    %dma_wait3A_92 = tpu.memref_slice %arg11[%dma_wait3A_90, %dma_wait3A_91] : memref<128x128xf32, #tpu.memory_space<vmem>> -> memref<16x128xf32, #tpu.memory_space<vmem>>
    %dma_wait3A_93 = arith.constant 0 : i32
    %dma_wait3A_94 = arith.constant 0 : i32
    %dma_wait3A_95 = tpu.memref_slice %arg2[%dma_wait3A_93, %dma_wait3A_94] : memref<10000x128xf32, #tpu.memory_space<hbm>> -> memref<10000x128xf32, #tpu.memory_space<hbm>>
    tpu.wait_indirect_dma semaphore(%arg16 : memref<!tpu.dma_semaphore, #tpu.memory_space<semaphore_mem>>) src(%dma_wait3A_95 : memref<10000x128xf32, #tpu.memory_space<hbm>>) dst(%dma_wait3A_92 : memref<16x128xf32, #tpu.memory_space<vmem>>)
    %parallel_loop3A = arith.constant 0 : i32
    %parallel_loop3A_96 = arith.constant 16 : i32
    %parallel_loop3A_97 = arith.constant 1 : i32
    scf.for %parallel_loop3A_108 = %parallel_loop3A to %parallel_loop3A_96 step %parallel_loop3A_97  : i32 {
      %parallel_loop3A_109 = arith.index_cast %parallel_loop3A_108 : i32 to index
      %parallel_loop3A_110 = arith.constant 0 : index
      %parallel_loop3A_111 = tpu.vector_load %arg11[%parallel_loop3A_109, %parallel_loop3A_110] {strides = array<i32>} : memref<128x128xf32, #tpu.memory_space<vmem>>, vector<1x16xf32>,
      %parallel_loop3A_112 = vector.shape_cast %parallel_loop3A_111 : vector<1x16xf32> to vector<16xf32>
      %parallel_loop3A_113 = arith.index_cast %parallel_loop3A_108 : i32 to index
      %parallel_loop3A_114 = arith.constant 0 : index
      %parallel_loop3A_115 = tpu.vector_load %arg12[%parallel_loop3A_113, %parallel_loop3A_114] {strides = array<i32>} : memref<128x128xf32, #tpu.memory_space<vmem>>, vector<1x16xf32>,
      %parallel_loop3A_116 = vector.shape_cast %parallel_loop3A_115 : vector<1x16xf32> to vector<16xf32>
      %parallel_loop3A_117 = arith.addf %parallel_loop3A_112, %parallel_loop3A_116 : vector<16xf32>
      %parallel_loop3A_118 = arith.constant 0.000000e+00 : f32
      %parallel_loop3A_119 = vector.broadcast %parallel_loop3A_118 : f32 to vector<16xf32>
      %parallel_loop3A_120 = arith.maximumf %parallel_loop3A_117, %parallel_loop3A_119 : vector<16xf32>
      %parallel_loop3A_121 = arith.index_cast %parallel_loop3A_108 : i32 to index
      %parallel_loop3A_122 = arith.constant 0 : index
      %parallel_loop3A_123 = tpu.vector_load %arg11[%parallel_loop3A_121, %parallel_loop3A_122] {strides = array<i32>} : memref<128x128xf32, #tpu.memory_space<vmem>>, vector<1x16xf32>,
      %parallel_loop3A_124 = vector.shape_cast %parallel_loop3A_123 : vector<1x16xf32> to vector<16xf32>
      %parallel_loop3A_125 = vector.shape_cast %parallel_loop3A_120 : vector<16xf32> to vector<1x16xf32>
      tpu.vector_store %arg11[%parallel_loop3A_121, %parallel_loop3A_122], %parallel_loop3A_125 {strides = array<i32>} : memref<128x128xf32, #tpu.memory_space<vmem>>, vector<1x16xf32>,
      %parallel_loop3A_126 = arith.index_cast %parallel_loop3A_108 : i32 to index
      %parallel_loop3A_127 = arith.constant 16 : index
      %parallel_loop3A_128 = tpu.vector_load %arg11[%parallel_loop3A_126, %parallel_loop3A_127] {strides = array<i32>} : memref<128x128xf32, #tpu.memory_space<vmem>>, vector<1x16xf32>,
      %parallel_loop3A_129 = vector.shape_cast %parallel_loop3A_128 : vector<1x16xf32> to vector<16xf32>
      %parallel_loop3A_130 = arith.index_cast %parallel_loop3A_108 : i32 to index
      %parallel_loop3A_131 = arith.constant 16 : index
      %parallel_loop3A_132 = tpu.vector_load %arg12[%parallel_loop3A_130, %parallel_loop3A_131] {strides = array<i32>} : memref<128x128xf32, #tpu.memory_space<vmem>>, vector<1x16xf32>,
      %parallel_loop3A_133 = vector.shape_cast %parallel_loop3A_132 : vector<1x16xf32> to vector<16xf32>
      %parallel_loop3A_134 = arith.addf %parallel_loop3A_129, %parallel_loop3A_133 : vector<16xf32>
      %parallel_loop3A_135 = arith.constant 0.000000e+00 : f32
      %parallel_loop3A_136 = vector.broadcast %parallel_loop3A_135 : f32 to vector<16xf32>
      %parallel_loop3A_137 = arith.maximumf %parallel_loop3A_134, %parallel_loop3A_136 : vector<16xf32>
      %parallel_loop3A_138 = arith.index_cast %parallel_loop3A_108 : i32 to index
      %parallel_loop3A_139 = arith.constant 16 : index
      %parallel_loop3A_140 = tpu.vector_load %arg11[%parallel_loop3A_138, %parallel_loop3A_139] {strides = array<i32>} : memref<128x128xf32, #tpu.memory_space<vmem>>, vector<1x16xf32>,
      %parallel_loop3A_141 = vector.shape_cast %parallel_loop3A_140 : vector<1x16xf32> to vector<16xf32>
      %parallel_loop3A_142 = vector.shape_cast %parallel_loop3A_137 : vector<16xf32> to vector<1x16xf32>
      tpu.vector_store %arg11[%parallel_loop3A_138, %parallel_loop3A_139], %parallel_loop3A_142 {strides = array<i32>} : memref<128x128xf32, #tpu.memory_space<vmem>>, vector<1x16xf32>,
      %parallel_loop3A_143 = arith.index_cast %parallel_loop3A_108 : i32 to index
      %parallel_loop3A_144 = arith.constant 32 : index
      %parallel_loop3A_145 = tpu.vector_load %arg11[%parallel_loop3A_143, %parallel_loop3A_144] {strides = array<i32>} : memref<128x128xf32, #tpu.memory_space<vmem>>, vector<1x16xf32>,
      %parallel_loop3A_146 = vector.shape_cast %parallel_loop3A_145 : vector<1x16xf32> to vector<16xf32>
      %parallel_loop3A_147 = arith.index_cast %parallel_loop3A_108 : i32 to index
      %parallel_loop3A_148 = arith.constant 32 : index
      %parallel_loop3A_149 = tpu.vector_load %arg12[%parallel_loop3A_147, %parallel_loop3A_148] {strides = array<i32>} : memref<128x128xf32, #tpu.memory_space<vmem>>, vector<1x16xf32>,
      %parallel_loop3A_150 = vector.shape_cast %parallel_loop3A_149 : vector<1x16xf32> to vector<16xf32>
      %parallel_loop3A_151 = arith.addf %parallel_loop3A_146, %parallel_loop3A_150 : vector<16xf32>
      %parallel_loop3A_152 = arith.constant 0.000000e+00 : f32
      %parallel_loop3A_153 = vector.broadcast %parallel_loop3A_152 : f32 to vector<16xf32>
      %parallel_loop3A_154 = arith.maximumf %parallel_loop3A_151, %parallel_loop3A_153 : vector<16xf32>
      %parallel_loop3A_155 = arith.index_cast %parallel_loop3A_108 : i32 to index
      %parallel_loop3A_156 = arith.constant 32 : index
      %parallel_loop3A_157 = tpu.vector_load %arg11[%parallel_loop3A_155, %parallel_loop3A_156] {strides = array<i32>} : memref<128x128xf32, #tpu.memory_space<vmem>>, vector<1x16xf32>,
      %parallel_loop3A_158 = vector.shape_cast %parallel_loop3A_157 : vector<1x16xf32> to vector<16xf32>
      %parallel_loop3A_159 = vector.shape_cast %parallel_loop3A_154 : vector<16xf32> to vector<1x16xf32>
      tpu.vector_store %arg11[%parallel_loop3A_155, %parallel_loop3A_156], %parallel_loop3A_159 {strides = array<i32>} : memref<128x128xf32, #tpu.memory_space<vmem>>, vector<1x16xf32>,
      %parallel_loop3A_160 = arith.index_cast %parallel_loop3A_108 : i32 to index
      %parallel_loop3A_161 = arith.constant 48 : index
      %parallel_loop3A_162 = tpu.vector_load %arg11[%parallel_loop3A_160, %parallel_loop3A_161] {strides = array<i32>} : memref<128x128xf32, #tpu.memory_space<vmem>>, vector<1x16xf32>,
      %parallel_loop3A_163 = vector.shape_cast %parallel_loop3A_162 : vector<1x16xf32> to vector<16xf32>
      %parallel_loop3A_164 = arith.index_cast %parallel_loop3A_108 : i32 to index
      %parallel_loop3A_165 = arith.constant 48 : index
      %parallel_loop3A_166 = tpu.vector_load %arg12[%parallel_loop3A_164, %parallel_loop3A_165] {strides = array<i32>} : memref<128x128xf32, #tpu.memory_space<vmem>>, vector<1x16xf32>,
      %parallel_loop3A_167 = vector.shape_cast %parallel_loop3A_166 : vector<1x16xf32> to vector<16xf32>
      %parallel_loop3A_168 = arith.addf %parallel_loop3A_163, %parallel_loop3A_167 : vector<16xf32>
      %parallel_loop3A_169 = arith.constant 0.000000e+00 : f32
      %parallel_loop3A_170 = vector.broadcast %parallel_loop3A_169 : f32 to vector<16xf32>
      %parallel_loop3A_171 = arith.maximumf %parallel_loop3A_168, %parallel_loop3A_170 : vector<16xf32>
      %parallel_loop3A_172 = arith.index_cast %parallel_loop3A_108 : i32 to index
      %parallel_loop3A_173 = arith.constant 48 : index
      %parallel_loop3A_174 = tpu.vector_load %arg11[%parallel_loop3A_172, %parallel_loop3A_173] {strides = array<i32>} : memref<128x128xf32, #tpu.memory_space<vmem>>, vector<1x16xf32>,
      %parallel_loop3A_175 = vector.shape_cast %parallel_loop3A_174 : vector<1x16xf32> to vector<16xf32>
      %parallel_loop3A_176 = vector.shape_cast %parallel_loop3A_171 : vector<16xf32> to vector<1x16xf32>
      tpu.vector_store %arg11[%parallel_loop3A_172, %parallel_loop3A_173], %parallel_loop3A_176 {strides = array<i32>} : memref<128x128xf32, #tpu.memory_space<vmem>>, vector<1x16xf32>,
      %parallel_loop3A_177 = arith.index_cast %parallel_loop3A_108 : i32 to index
      %parallel_loop3A_178 = arith.constant 64 : index
      %parallel_loop3A_179 = tpu.vector_load %arg11[%parallel_loop3A_177, %parallel_loop3A_178] {strides = array<i32>} : memref<128x128xf32, #tpu.memory_space<vmem>>, vector<1x16xf32>,
      %parallel_loop3A_180 = vector.shape_cast %parallel_loop3A_179 : vector<1x16xf32> to vector<16xf32>
      %parallel_loop3A_181 = arith.index_cast %parallel_loop3A_108 : i32 to index
      %parallel_loop3A_182 = arith.constant 64 : index
      %parallel_loop3A_183 = tpu.vector_load %arg12[%parallel_loop3A_181, %parallel_loop3A_182] {strides = array<i32>} : memref<128x128xf32, #tpu.memory_space<vmem>>, vector<1x16xf32>,
      %parallel_loop3A_184 = vector.shape_cast %parallel_loop3A_183 : vector<1x16xf32> to vector<16xf32>
      %parallel_loop3A_185 = arith.addf %parallel_loop3A_180, %parallel_loop3A_184 : vector<16xf32>
      %parallel_loop3A_186 = arith.constant 0.000000e+00 : f32
      %parallel_loop3A_187 = vector.broadcast %parallel_loop3A_186 : f32 to vector<16xf32>
      %parallel_loop3A_188 = arith.maximumf %parallel_loop3A_185, %parallel_loop3A_187 : vector<16xf32>
      %parallel_loop3A_189 = arith.index_cast %parallel_loop3A_108 : i32 to index
      %parallel_loop3A_190 = arith.constant 64 : index
      %parallel_loop3A_191 = tpu.vector_load %arg11[%parallel_loop3A_189, %parallel_loop3A_190] {strides = array<i32>} : memref<128x128xf32, #tpu.memory_space<vmem>>, vector<1x16xf32>,
      %parallel_loop3A_192 = vector.shape_cast %parallel_loop3A_191 : vector<1x16xf32> to vector<16xf32>
      %parallel_loop3A_193 = vector.shape_cast %parallel_loop3A_188 : vector<16xf32> to vector<1x16xf32>
      tpu.vector_store %arg11[%parallel_loop3A_189, %parallel_loop3A_190], %parallel_loop3A_193 {strides = array<i32>} : memref<128x128xf32, #tpu.memory_space<vmem>>, vector<1x16xf32>,
      %parallel_loop3A_194 = arith.index_cast %parallel_loop3A_108 : i32 to index
      %parallel_loop3A_195 = arith.constant 80 : index
      %parallel_loop3A_196 = tpu.vector_load %arg11[%parallel_loop3A_194, %parallel_loop3A_195] {strides = array<i32>} : memref<128x128xf32, #tpu.memory_space<vmem>>, vector<1x16xf32>,
      %parallel_loop3A_197 = vector.shape_cast %parallel_loop3A_196 : vector<1x16xf32> to vector<16xf32>
      %parallel_loop3A_198 = arith.index_cast %parallel_loop3A_108 : i32 to index
      %parallel_loop3A_199 = arith.constant 80 : index
      %parallel_loop3A_200 = tpu.vector_load %arg12[%parallel_loop3A_198, %parallel_loop3A_199] {strides = array<i32>} : memref<128x128xf32, #tpu.memory_space<vmem>>, vector<1x16xf32>,
      %parallel_loop3A_201 = vector.shape_cast %parallel_loop3A_200 : vector<1x16xf32> to vector<16xf32>
      %parallel_loop3A_202 = arith.addf %parallel_loop3A_197, %parallel_loop3A_201 : vector<16xf32>
      %parallel_loop3A_203 = arith.constant 0.000000e+00 : f32
      %parallel_loop3A_204 = vector.broadcast %parallel_loop3A_203 : f32 to vector<16xf32>
      %parallel_loop3A_205 = arith.maximumf %parallel_loop3A_202, %parallel_loop3A_204 : vector<16xf32>
      %parallel_loop3A_206 = arith.index_cast %parallel_loop3A_108 : i32 to index
      %parallel_loop3A_207 = arith.constant 80 : index
      %parallel_loop3A_208 = tpu.vector_load %arg11[%parallel_loop3A_206, %parallel_loop3A_207] {strides = array<i32>} : memref<128x128xf32, #tpu.memory_space<vmem>>, vector<1x16xf32>,
      %parallel_loop3A_209 = vector.shape_cast %parallel_loop3A_208 : vector<1x16xf32> to vector<16xf32>
      %parallel_loop3A_210 = vector.shape_cast %parallel_loop3A_205 : vector<16xf32> to vector<1x16xf32>
      tpu.vector_store %arg11[%parallel_loop3A_206, %parallel_loop3A_207], %parallel_loop3A_210 {strides = array<i32>} : memref<128x128xf32, #tpu.memory_space<vmem>>, vector<1x16xf32>,
      %parallel_loop3A_211 = arith.index_cast %parallel_loop3A_108 : i32 to index
      %parallel_loop3A_212 = arith.constant 96 : index
      %parallel_loop3A_213 = tpu.vector_load %arg11[%parallel_loop3A_211, %parallel_loop3A_212] {strides = array<i32>} : memref<128x128xf32, #tpu.memory_space<vmem>>, vector<1x16xf32>,
      %parallel_loop3A_214 = vector.shape_cast %parallel_loop3A_213 : vector<1x16xf32> to vector<16xf32>
      %parallel_loop3A_215 = arith.index_cast %parallel_loop3A_108 : i32 to index
      %parallel_loop3A_216 = arith.constant 96 : index
      %parallel_loop3A_217 = tpu.vector_load %arg12[%parallel_loop3A_215, %parallel_loop3A_216] {strides = array<i32>} : memref<128x128xf32, #tpu.memory_space<vmem>>, vector<1x16xf32>,
      %parallel_loop3A_218 = vector.shape_cast %parallel_loop3A_217 : vector<1x16xf32> to vector<16xf32>
      %parallel_loop3A_219 = arith.addf %parallel_loop3A_214, %parallel_loop3A_218 : vector<16xf32>
      %parallel_loop3A_220 = arith.constant 0.000000e+00 : f32
      %parallel_loop3A_221 = vector.broadcast %parallel_loop3A_220 : f32 to vector<16xf32>
      %parallel_loop3A_222 = arith.maximumf %parallel_loop3A_219, %parallel_loop3A_221 : vector<16xf32>
      %parallel_loop3A_223 = arith.index_cast %parallel_loop3A_108 : i32 to index
      %parallel_loop3A_224 = arith.constant 96 : index
      %parallel_loop3A_225 = tpu.vector_load %arg11[%parallel_loop3A_223, %parallel_loop3A_224] {strides = array<i32>} : memref<128x128xf32, #tpu.memory_space<vmem>>, vector<1x16xf32>,
      %parallel_loop3A_226 = vector.shape_cast %parallel_loop3A_225 : vector<1x16xf32> to vector<16xf32>
      %parallel_loop3A_227 = vector.shape_cast %parallel_loop3A_222 : vector<16xf32> to vector<1x16xf32>
      tpu.vector_store %arg11[%parallel_loop3A_223, %parallel_loop3A_224], %parallel_loop3A_227 {strides = array<i32>} : memref<128x128xf32, #tpu.memory_space<vmem>>, vector<1x16xf32>,
      %parallel_loop3A_228 = arith.index_cast %parallel_loop3A_108 : i32 to index
      %parallel_loop3A_229 = arith.constant 112 : index
      %parallel_loop3A_230 = tpu.vector_load %arg11[%parallel_loop3A_228, %parallel_loop3A_229] {strides = array<i32>} : memref<128x128xf32, #tpu.memory_space<vmem>>, vector<1x16xf32>,
      %parallel_loop3A_231 = vector.shape_cast %parallel_loop3A_230 : vector<1x16xf32> to vector<16xf32>
      %parallel_loop3A_232 = arith.index_cast %parallel_loop3A_108 : i32 to index
      %parallel_loop3A_233 = arith.constant 112 : index
      %parallel_loop3A_234 = tpu.vector_load %arg12[%parallel_loop3A_232, %parallel_loop3A_233] {strides = array<i32>} : memref<128x128xf32, #tpu.memory_space<vmem>>, vector<1x16xf32>,
      %parallel_loop3A_235 = vector.shape_cast %parallel_loop3A_234 : vector<1x16xf32> to vector<16xf32>
      %parallel_loop3A_236 = arith.addf %parallel_loop3A_231, %parallel_loop3A_235 : vector<16xf32>
      %parallel_loop3A_237 = arith.constant 0.000000e+00 : f32
      %parallel_loop3A_238 = vector.broadcast %parallel_loop3A_237 : f32 to vector<16xf32>
      %parallel_loop3A_239 = arith.maximumf %parallel_loop3A_236, %parallel_loop3A_238 : vector<16xf32>
      %parallel_loop3A_240 = arith.index_cast %parallel_loop3A_108 : i32 to index
      %parallel_loop3A_241 = arith.constant 112 : index
      %parallel_loop3A_242 = tpu.vector_load %arg11[%parallel_loop3A_240, %parallel_loop3A_241] {strides = array<i32>} : memref<128x128xf32, #tpu.memory_space<vmem>>, vector<1x16xf32>,
      %parallel_loop3A_243 = vector.shape_cast %parallel_loop3A_242 : vector<1x16xf32> to vector<16xf32>
      %parallel_loop3A_244 = vector.shape_cast %parallel_loop3A_239 : vector<16xf32> to vector<1x16xf32>
      tpu.vector_store %arg11[%parallel_loop3A_240, %parallel_loop3A_241], %parallel_loop3A_244 {strides = array<i32>} : memref<128x128xf32, #tpu.memory_space<vmem>>, vector<1x16xf32>,
    } {sc.loop_unroll_factor = 4 : i64, sc.parallel_access}
    "tpu.region"() ({
      %run_scoped3A = tpu.sem_alloc : memref<!tpu.dma_semaphore, #tpu.memory_space<semaphore_mem>>
      %dma_start3A_108 = arith.constant 0 : i32
      %dma_start3A_109 = arith.constant 0 : i32
      %dma_start3A_110 = tpu.memref_slice %arg11[%dma_start3A_108, %dma_start3A_109] : memref<128x128xf32, #tpu.memory_space<vmem>> -> memref<16x128xf32, #tpu.memory_space<vmem>>
      %dma_start3A_111 = arith.constant 0 : i32
      %dma_start3A_112 = arith.constant 0 : i32
      %dma_start3A_113 = tpu.memref_slice %arg13[%dma_start3A_111, %dma_start3A_112] : memref<10000x128xf32, #tpu.memory_space<vmem_shared>> -> memref<10000x128xf32, #tpu.memory_space<vmem_shared>>
      tpu.enqueue_indirect_dma source(%dma_start3A_110 : memref<16x128xf32, #tpu.memory_space<vmem>>) target(%dma_start3A_113 : memref<10000x128xf32, #tpu.memory_space<vmem_shared>>) offsets(%arg10 : memref<16xi32, #tpu.memory_space<vmem>>) semaphore(%run_scoped3A : memref<!tpu.dma_semaphore, #tpu.memory_space<semaphore_mem>>) {add = true}
      %dma_wait3A_114 = arith.constant 0 : i32
      %dma_wait3A_115 = arith.constant 0 : i32
      %dma_wait3A_116 = tpu.memref_slice %arg11[%dma_wait3A_114, %dma_wait3A_115] : memref<128x128xf32, #tpu.memory_space<vmem>> -> memref<16x128xf32, #tpu.memory_space<vmem>>
      %dma_wait3A_117 = arith.constant 0 : i32
      %dma_wait3A_118 = arith.constant 0 : i32
      %dma_wait3A_119 = tpu.memref_slice %arg13[%dma_wait3A_117, %dma_wait3A_118] : memref<10000x128xf32, #tpu.memory_space<vmem_shared>> -> memref<10000x128xf32, #tpu.memory_space<vmem_shared>>
      tpu.wait_indirect_dma semaphore(%run_scoped3A : memref<!tpu.dma_semaphore, #tpu.memory_space<semaphore_mem>>) src(%dma_wait3A_116 : memref<16x128xf32, #tpu.memory_space<vmem>>) dst(%dma_wait3A_119 : memref<10000x128xf32, #tpu.memory_space<vmem_shared>>)
      tpu.yield
    }) : () -> ()
    %barrier3A_98 = arith.constant 0 : index
    tpu.barrier barrier_id(%barrier3A_98)
    %mul3A_99 = arith.constant 624 : i32
    %mul3A_100 = arith.muli %arg1, %mul3A_99 : i32
    %mul3A_101 = arith.constant 624 : i32
    %mul3A_102 = arith.muli %arg1, %mul3A_101 : i32
    "tpu.region"() ({
      %run_scoped3A = tpu.sem_alloc : memref<!tpu.dma_semaphore, #tpu.memory_space<semaphore_mem>>
      %dma_start3A_108 = arith.constant 0 : i32
      %dma_start3A_109 = tpu.memref_slice %arg6[%arg0, %mul3A_102, %dma_start3A_108] : memref<2x10000x128xf32, #tpu.memory_space<hbm>> -> memref<1x624x128xf32, #tpu.memory_space<hbm>>
      %dma_start3A_110 = tpu.memref_squeeze %dma_start3A_109 : memref<1x624x128xf32, #tpu.memory_space<hbm>> -> memref<624x128xf32, #tpu.memory_space<hbm>>
      %dma_start3A_111 = arith.constant 0 : i32
      %dma_start3A_112 = tpu.memref_slice %arg13[%mul3A_100, %dma_start3A_111] : memref<10000x128xf32, #tpu.memory_space<vmem_shared>> -> memref<624x128xf32, #tpu.memory_space<vmem_shared>>
      tpu.enqueue_dma source(%dma_start3A_112 : memref<624x128xf32, #tpu.memory_space<vmem_shared>>) target(%dma_start3A_110 : memref<624x128xf32, #tpu.memory_space<hbm>>) target_semaphore(%run_scoped3A : memref<!tpu.dma_semaphore, #tpu.memory_space<semaphore_mem>>)
      %dma_wait3A_113 = arith.constant 0 : i32
      %dma_wait3A_114 = tpu.memref_slice %arg6[%arg0, %mul3A_102, %dma_wait3A_113] : memref<2x10000x128xf32, #tpu.memory_space<hbm>> -> memref<1x624x128xf32, #tpu.memory_space<hbm>>
      %dma_wait3A_115 = tpu.memref_squeeze %dma_wait3A_114 : memref<1x624x128xf32, #tpu.memory_space<hbm>> -> memref<624x128xf32, #tpu.memory_space<hbm>>
      %dma_wait3A_116 = arith.constant 0 : i32
      %dma_wait3A_117 = tpu.memref_slice %arg13[%mul3A_100, %dma_wait3A_116] : memref<10000x128xf32, #tpu.memory_space<vmem_shared>> -> memref<624x128xf32, #tpu.memory_space<vmem_shared>>
      tpu.wait_dma2 semaphore(%run_scoped3A : memref<!tpu.dma_semaphore, #tpu.memory_space<semaphore_mem>>) src(%dma_wait3A_117 : memref<624x128xf32, #tpu.memory_space<vmem_shared>>) dst(%dma_wait3A_115 : memref<624x128xf32, #tpu.memory_space<hbm>>)
      tpu.yield
    }) : () -> ()
    %eq3A_103 = arith.constant 15 : i32
    %eq3A_104 = arith.cmpi eq, %arg1, %eq3A_103 : i32
    %convert_element_type3A_105 = arith.extui %eq3A_104 : i1 to i32
    %cond3A_106 = arith.constant 0 : i32
    %cond3A_107 = arith.cmpi ne, %convert_element_type3A_105, %cond3A_106 : i32
    scf.if %cond3A_107 {
      "tpu.region"() ({
        %run_scoped3A = tpu.sem_alloc : memref<!tpu.dma_semaphore, #tpu.memory_space<semaphore_mem>>
        %dma_start3A_108 = arith.constant 9984 : i32
        %dma_start3A_109 = arith.constant 0 : i32
        %dma_start3A_110 = tpu.memref_slice %arg6[%arg0, %dma_start3A_108, %dma_start3A_109] : memref<2x10000x128xf32, #tpu.memory_space<hbm>> -> memref<1x16x128xf32, #tpu.memory_space<hbm>>
        %dma_start3A_111 = tpu.memref_squeeze %dma_start3A_110 : memref<1x16x128xf32, #tpu.memory_space<hbm>> -> memref<16x128xf32, #tpu.memory_space<hbm>>
        %dma_start3A_112 = arith.constant 9984 : i32
        %dma_start3A_113 = arith.constant 0 : i32
        %dma_start3A_114 = tpu.memref_slice %arg13[%dma_start3A_112, %dma_start3A_113] : memref<10000x128xf32, #tpu.memory_space<vmem_shared>> -> memref<16x128xf32, #tpu.memory_space<vmem_shared>>
        tpu.enqueue_dma source(%dma_start3A_114 : memref<16x128xf32, #tpu.memory_space<vmem_shared>>) target(%dma_start3A_111 : memref<16x128xf32, #tpu.memory_space<hbm>>) target_semaphore(%run_scoped3A : memref<!tpu.dma_semaphore, #tpu.memory_space<semaphore_mem>>)
        %dma_wait3A_115 = arith.constant 9984 : i32
        %dma_wait3A_116 = arith.constant 0 : i32
        %dma_wait3A_117 = tpu.memref_slice %arg6[%arg0, %dma_wait3A_115, %dma_wait3A_116] : memref<2x10000x128xf32, #tpu.memory_space<hbm>> -> memref<1x16x128xf32, #tpu.memory_space<hbm>>
        %dma_wait3A_118 = tpu.memref_squeeze %dma_wait3A_117 : memref<1x16x128xf32, #tpu.memory_space<hbm>> -> memref<16x128xf32, #tpu.memory_space<hbm>>
        %dma_wait3A_119 = arith.constant 9984 : i32
        %dma_wait3A_120 = arith.constant 0 : i32
        %dma_wait3A_121 = tpu.memref_slice %arg13[%dma_wait3A_119, %dma_wait3A_120] : memref<10000x128xf32, #tpu.memory_space<vmem_shared>> -> memref<16x128xf32, #tpu.memory_space<vmem_shared>>
        tpu.wait_dma2 semaphore(%run_scoped3A : memref<!tpu.dma_semaphore, #tpu.memory_space<semaphore_mem>>) src(%dma_wait3A_121 : memref<16x128xf32, #tpu.memory_space<vmem_shared>>) dst(%dma_wait3A_118 : memref<16x128xf32, #tpu.memory_space<hbm>>)
        tpu.yield
      }) : () -> ()
    } else {
    }
    return
  }
}

#map = affine_map<(d0, d1) -> (0, 0)>
#map1 = affine_map<(d0, d1) -> (0)>
#map2 = affine_map<(d0, d1) -> (0, 0, 0)>
module attributes {stable_mosaic.version = 14 : i64} {
  func.func @k(%arg0: i32, %arg1: i32, %arg2: memref<10000x128xf32, #tpu.memory_space<hbm>>, %arg3: memref<320000x128xf32, #tpu.memory_space<hbm>>, %arg4: memref<320000xi32, #tpu.memory_space<hbm>>, %arg5: memref<320000xi32, #tpu.memory_space<hbm>>, %arg6: memref<2x10000x128xf32, #tpu.memory_space<hbm>>, %arg7: memref<2x128xi32, #tpu.memory_space<vmem>>, %arg8: memref<2x128xi32, #tpu.memory_space<vmem>>, %arg9: memref<16xi32, #tpu.memory_space<vmem>>, %arg10: memref<16xi32, #tpu.memory_space<vmem>>, %arg11: memref<128x128xf32, #tpu.memory_space<vmem>>, %arg12: memref<128x128xf32, #tpu.memory_space<vmem>>, %arg13: memref<10000x128xf32, #tpu.memory_space<vmem_shared>>, %arg14: memref<2x!tpu.dma_semaphore, #tpu.memory_space<semaphore_mem>>, %arg15: memref<2x!tpu.dma_semaphore, #tpu.memory_space<semaphore_mem>>, %arg16: memref<!tpu.dma_semaphore, #tpu.memory_space<semaphore_mem>>, %arg17: memref<!tpu.dma_semaphore, #tpu.memory_space<semaphore_mem>>) attributes {dimension_semantics = [#tpu.dimension_semantics<core_parallel>, #tpu.dimension_semantics<subcore_parallel>], iteration_bounds = array<i64: 2, 16>, scalar_prefetch = 0 : i64, scratch_operands = 11 : i64, tpu.core_type = #tpu.core_type<sc_vector_subcore>, window_params = [{transform_indices = #map}, {transform_indices = #map}, {transform_indices = #map1}, {transform_indices = #map1}, {transform_indices = #map2}]} {
    %mul3A = arith.constant 16 : i32
    %mul3A_0 = arith.muli %arg0, %mul3A : i32
    %add3A = arith.addi %mul3A_0, %arg1 : i32
    %mul3A_1 = arith.constant 10000 : i32
    %mul3A_2 = arith.muli %add3A, %mul3A_1 : i32
    %broadcast_in_dim3A = arith.constant 0.000000e+00 : f32
    %broadcast_in_dim3A_3 = vector.broadcast %broadcast_in_dim3A : f32 to vector<16xf32>
    %scan3A = arith.constant 0 : i32
    %scan3A_4 = arith.constant 0 : i32
    %scan3A_5 = arith.constant 128 : i32
    %scan3A_6 = arith.addi %scan3A_4, %scan3A_5 : i32
    %scan3A_7 = arith.constant 1 : i32
    scf.for %scan3A_108 = %scan3A_4 to %scan3A_6 step %scan3A_7  : i32 {
      %swap3A = arith.index_cast %scan3A_108 : i32 to index
      %swap3A_109 = arith.constant 0 : index
      %swap3A_110 = tpu.vector_load %arg11[%swap3A, %swap3A_109] {strides = array<i32>} : memref<128x128xf32, #tpu.memory_space<vmem>>, vector<1x16xf32>,
      %swap3A_111 = vector.shape_cast %swap3A_110 : vector<1x16xf32> to vector<16xf32>
      %swap3A_112 = vector.shape_cast %broadcast_in_dim3A_3 : vector<16xf32> to vector<1x16xf32>
      tpu.vector_store %arg11[%swap3A, %swap3A_109], %swap3A_112 {strides = array<i32>} : memref<128x128xf32, #tpu.memory_space<vmem>>, vector<1x16xf32>,
      %swap3A_113 = arith.index_cast %scan3A_108 : i32 to index
      %swap3A_114 = arith.constant 16 : index
      %swap3A_115 = tpu.vector_load %arg11[%swap3A_113, %swap3A_114] {strides = array<i32>} : memref<128x128xf32, #tpu.memory_space<vmem>>, vector<1x16xf32>,
      %swap3A_116 = vector.shape_cast %swap3A_115 : vector<1x16xf32> to vector<16xf32>
      %swap3A_117 = vector.shape_cast %broadcast_in_dim3A_3 : vector<16xf32> to vector<1x16xf32>
      tpu.vector_store %arg11[%swap3A_113, %swap3A_114], %swap3A_117 {strides = array<i32>} : memref<128x128xf32, #tpu.memory_space<vmem>>, vector<1x16xf32>,
      %swap3A_118 = arith.index_cast %scan3A_108 : i32 to index
      %swap3A_119 = arith.constant 32 : index
      %swap3A_120 = tpu.vector_load %arg11[%swap3A_118, %swap3A_119] {strides = array<i32>} : memref<128x128xf32, #tpu.memory_space<vmem>>, vector<1x16xf32>,
      %swap3A_121 = vector.shape_cast %swap3A_120 : vector<1x16xf32> to vector<16xf32>
      %swap3A_122 = vector.shape_cast %broadcast_in_dim3A_3 : vector<16xf32> to vector<1x16xf32>
      tpu.vector_store %arg11[%swap3A_118, %swap3A_119], %swap3A_122 {strides = array<i32>} : memref<128x128xf32, #tpu.memory_space<vmem>>, vector<1x16xf32>,
      %swap3A_123 = arith.index_cast %scan3A_108 : i32 to index
      %swap3A_124 = arith.constant 48 : index
      %swap3A_125 = tpu.vector_load %arg11[%swap3A_123, %swap3A_124] {strides = array<i32>} : memref<128x128xf32, #tpu.memory_space<vmem>>, vector<1x16xf32>,
      %swap3A_126 = vector.shape_cast %swap3A_125 : vector<1x16xf32> to vector<16xf32>
      %swap3A_127 = vector.shape_cast %broadcast_in_dim3A_3 : vector<16xf32> to vector<1x16xf32>
      tpu.vector_store %arg11[%swap3A_123, %swap3A_124], %swap3A_127 {strides = array<i32>} : memref<128x128xf32, #tpu.memory_space<vmem>>, vector<1x16xf32>,
      %swap3A_128 = arith.index_cast %scan3A_108 : i32 to index
      %swap3A_129 = arith.constant 64 : index
      %swap3A_130 = tpu.vector_load %arg11[%swap3A_128, %swap3A_129] {strides = array<i32>} : memref<128x128xf32, #tpu.memory_space<vmem>>, vector<1x16xf32>,
      %swap3A_131 = vector.shape_cast %swap3A_130 : vector<1x16xf32> to vector<16xf32>
      %swap3A_132 = vector.shape_cast %broadcast_in_dim3A_3 : vector<16xf32> to vector<1x16xf32>
      tpu.vector_store %arg11[%swap3A_128, %swap3A_129], %swap3A_132 {strides = array<i32>} : memref<128x128xf32, #tpu.memory_space<vmem>>, vector<1x16xf32>,
      %swap3A_133 = arith.index_cast %scan3A_108 : i32 to index
      %swap3A_134 = arith.constant 80 : index
      %swap3A_135 = tpu.vector_load %arg11[%swap3A_133, %swap3A_134] {strides = array<i32>} : memref<128x128xf32, #tpu.memory_space<vmem>>, vector<1x16xf32>,
      %swap3A_136 = vector.shape_cast %swap3A_135 : vector<1x16xf32> to vector<16xf32>
      %swap3A_137 = vector.shape_cast %broadcast_in_dim3A_3 : vector<16xf32> to vector<1x16xf32>
      tpu.vector_store %arg11[%swap3A_133, %swap3A_134], %swap3A_137 {strides = array<i32>} : memref<128x128xf32, #tpu.memory_space<vmem>>, vector<1x16xf32>,
      %swap3A_138 = arith.index_cast %scan3A_108 : i32 to index
      %swap3A_139 = arith.constant 96 : index
      %swap3A_140 = tpu.vector_load %arg11[%swap3A_138, %swap3A_139] {strides = array<i32>} : memref<128x128xf32, #tpu.memory_space<vmem>>, vector<1x16xf32>,
      %swap3A_141 = vector.shape_cast %swap3A_140 : vector<1x16xf32> to vector<16xf32>
      %swap3A_142 = vector.shape_cast %broadcast_in_dim3A_3 : vector<16xf32> to vector<1x16xf32>
      tpu.vector_store %arg11[%swap3A_138, %swap3A_139], %swap3A_142 {strides = array<i32>} : memref<128x128xf32, #tpu.memory_space<vmem>>, vector<1x16xf32>,
      %swap3A_143 = arith.index_cast %scan3A_108 : i32 to index
      %swap3A_144 = arith.constant 112 : index
      %swap3A_145 = tpu.vector_load %arg11[%swap3A_143, %swap3A_144] {strides = array<i32>} : memref<128x128xf32, #tpu.memory_space<vmem>>, vector<1x16xf32>,
      %swap3A_146 = vector.shape_cast %swap3A_145 : vector<1x16xf32> to vector<16xf32>
      %swap3A_147 = vector.shape_cast %broadcast_in_dim3A_3 : vector<16xf32> to vector<1x16xf32>
      tpu.vector_store %arg11[%swap3A_143, %swap3A_144], %swap3A_147 {strides = array<i32>} : memref<128x128xf32, #tpu.memory_space<vmem>>, vector<1x16xf32>,
    }
    %scan3A_8 = arith.constant 128 : i32
    %mul3A_9 = arith.constant 624 : i32
    %mul3A_10 = arith.muli %arg1, %mul3A_9 : i32
    %add3A_11 = arith.constant 0 : i32
    %add3A_12 = arith.addi %mul3A_10, %add3A_11 : i32
    "tpu.region"() ({
      %run_scoped3A = tpu.sem_alloc : memref<!tpu.dma_semaphore, #tpu.memory_space<semaphore_mem>>
      %dma_start3A_108 = arith.constant 0 : i32
      %dma_start3A_109 = tpu.memref_slice %arg13[%add3A_12, %dma_start3A_108] : memref<10000x128xf32, #tpu.memory_space<vmem_shared>> -> memref<128x128xf32, #tpu.memory_space<vmem_shared>>
      %dma_start3A_110 = arith.constant 0 : i32
      %dma_start3A_111 = tpu.memref_slice %arg13[%add3A_12, %dma_start3A_110] : memref<10000x128xf32, #tpu.memory_space<vmem_shared>> -> memref<128x128xf32, #tpu.memory_space<vmem_shared>>
      tpu.enqueue_dma source(%arg11 : memref<128x128xf32, #tpu.memory_space<vmem>>) target(%dma_start3A_111 : memref<128x128xf32, #tpu.memory_space<vmem_shared>>) target_semaphore(%run_scoped3A : memref<!tpu.dma_semaphore, #tpu.memory_space<semaphore_mem>>)
      %dma_wait3A_112 = arith.constant 0 : i32
      %dma_wait3A_113 = tpu.memref_slice %arg13[%add3A_12, %dma_wait3A_112] : memref<10000x128xf32, #tpu.memory_space<vmem_shared>> -> memref<128x128xf32, #tpu.memory_space<vmem_shared>>
      %dma_wait3A_114 = arith.constant 0 : i32
      %dma_wait3A_115 = tpu.memref_slice %arg13[%add3A_12, %dma_wait3A_114] : memref<10000x128xf32, #tpu.memory_space<vmem_shared>> -> memref<128x128xf32, #tpu.memory_space<vmem_shared>>
      tpu.wait_dma2 semaphore(%run_scoped3A : memref<!tpu.dma_semaphore, #tpu.memory_space<semaphore_mem>>) src(%arg11 : memref<128x128xf32, #tpu.memory_space<vmem>>) dst(%dma_wait3A_115 : memref<128x128xf32, #tpu.memory_space<vmem_shared>>)
      tpu.yield
    }) : () -> ()
    %mul3A_13 = arith.constant 624 : i32
    %mul3A_14 = arith.muli %arg1, %mul3A_13 : i32
    %add3A_15 = arith.constant 128 : i32
    %add3A_16 = arith.addi %mul3A_14, %add3A_15 : i32
    "tpu.region"() ({
      %run_scoped3A = tpu.sem_alloc : memref<!tpu.dma_semaphore, #tpu.memory_space<semaphore_mem>>
      %dma_start3A_108 = arith.constant 0 : i32
      %dma_start3A_109 = tpu.memref_slice %arg13[%add3A_16, %dma_start3A_108] : memref<10000x128xf32, #tpu.memory_space<vmem_shared>> -> memref<128x128xf32, #tpu.memory_space<vmem_shared>>
      %dma_start3A_110 = arith.constant 0 : i32
      %dma_start3A_111 = tpu.memref_slice %arg13[%add3A_16, %dma_start3A_110] : memref<10000x128xf32, #tpu.memory_space<vmem_shared>> -> memref<128x128xf32, #tpu.memory_space<vmem_shared>>
      tpu.enqueue_dma source(%arg11 : memref<128x128xf32, #tpu.memory_space<vmem>>) target(%dma_start3A_111 : memref<128x128xf32, #tpu.memory_space<vmem_shared>>) target_semaphore(%run_scoped3A : memref<!tpu.dma_semaphore, #tpu.memory_space<semaphore_mem>>)
      %dma_wait3A_112 = arith.constant 0 : i32
      %dma_wait3A_113 = tpu.memref_slice %arg13[%add3A_16, %dma_wait3A_112] : memref<10000x128xf32, #tpu.memory_space<vmem_shared>> -> memref<128x128xf32, #tpu.memory_space<vmem_shared>>
      %dma_wait3A_114 = arith.constant 0 : i32
      %dma_wait3A_115 = tpu.memref_slice %arg13[%add3A_16, %dma_wait3A_114] : memref<10000x128xf32, #tpu.memory_space<vmem_shared>> -> memref<128x128xf32, #tpu.memory_space<vmem_shared>>
      tpu.wait_dma2 semaphore(%run_scoped3A : memref<!tpu.dma_semaphore, #tpu.memory_space<semaphore_mem>>) src(%arg11 : memref<128x128xf32, #tpu.memory_space<vmem>>) dst(%dma_wait3A_115 : memref<128x128xf32, #tpu.memory_space<vmem_shared>>)
      tpu.yield
    }) : () -> ()
    %mul3A_17 = arith.constant 624 : i32
    %mul3A_18 = arith.muli %arg1, %mul3A_17 : i32
    %add3A_19 = arith.constant 256 : i32
    %add3A_20 = arith.addi %mul3A_18, %add3A_19 : i32
    "tpu.region"() ({
      %run_scoped3A = tpu.sem_alloc : memref<!tpu.dma_semaphore, #tpu.memory_space<semaphore_mem>>
      %dma_start3A_108 = arith.constant 0 : i32
      %dma_start3A_109 = tpu.memref_slice %arg13[%add3A_20, %dma_start3A_108] : memref<10000x128xf32, #tpu.memory_space<vmem_shared>> -> memref<128x128xf32, #tpu.memory_space<vmem_shared>>
      %dma_start3A_110 = arith.constant 0 : i32
      %dma_start3A_111 = tpu.memref_slice %arg13[%add3A_20, %dma_start3A_110] : memref<10000x128xf32, #tpu.memory_space<vmem_shared>> -> memref<128x128xf32, #tpu.memory_space<vmem_shared>>
      tpu.enqueue_dma source(%arg11 : memref<128x128xf32, #tpu.memory_space<vmem>>) target(%dma_start3A_111 : memref<128x128xf32, #tpu.memory_space<vmem_shared>>) target_semaphore(%run_scoped3A : memref<!tpu.dma_semaphore, #tpu.memory_space<semaphore_mem>>)
      %dma_wait3A_112 = arith.constant 0 : i32
      %dma_wait3A_113 = tpu.memref_slice %arg13[%add3A_20, %dma_wait3A_112] : memref<10000x128xf32, #tpu.memory_space<vmem_shared>> -> memref<128x128xf32, #tpu.memory_space<vmem_shared>>
      %dma_wait3A_114 = arith.constant 0 : i32
      %dma_wait3A_115 = tpu.memref_slice %arg13[%add3A_20, %dma_wait3A_114] : memref<10000x128xf32, #tpu.memory_space<vmem_shared>> -> memref<128x128xf32, #tpu.memory_space<vmem_shared>>
      tpu.wait_dma2 semaphore(%run_scoped3A : memref<!tpu.dma_semaphore, #tpu.memory_space<semaphore_mem>>) src(%arg11 : memref<128x128xf32, #tpu.memory_space<vmem>>) dst(%dma_wait3A_115 : memref<128x128xf32, #tpu.memory_space<vmem_shared>>)
      tpu.yield
    }) : () -> ()
    %mul3A_21 = arith.constant 624 : i32
    %mul3A_22 = arith.muli %arg1, %mul3A_21 : i32
    %add3A_23 = arith.constant 384 : i32
    %add3A_24 = arith.addi %mul3A_22, %add3A_23 : i32
    "tpu.region"() ({
      %run_scoped3A = tpu.sem_alloc : memref<!tpu.dma_semaphore, #tpu.memory_space<semaphore_mem>>
      %dma_start3A_108 = arith.constant 0 : i32
      %dma_start3A_109 = tpu.memref_slice %arg13[%add3A_24, %dma_start3A_108] : memref<10000x128xf32, #tpu.memory_space<vmem_shared>> -> memref<128x128xf32, #tpu.memory_space<vmem_shared>>
      %dma_start3A_110 = arith.constant 0 : i32
      %dma_start3A_111 = tpu.memref_slice %arg13[%add3A_24, %dma_start3A_110] : memref<10000x128xf32, #tpu.memory_space<vmem_shared>> -> memref<128x128xf32, #tpu.memory_space<vmem_shared>>
      tpu.enqueue_dma source(%arg11 : memref<128x128xf32, #tpu.memory_space<vmem>>) target(%dma_start3A_111 : memref<128x128xf32, #tpu.memory_space<vmem_shared>>) target_semaphore(%run_scoped3A : memref<!tpu.dma_semaphore, #tpu.memory_space<semaphore_mem>>)
      %dma_wait3A_112 = arith.constant 0 : i32
      %dma_wait3A_113 = tpu.memref_slice %arg13[%add3A_24, %dma_wait3A_112] : memref<10000x128xf32, #tpu.memory_space<vmem_shared>> -> memref<128x128xf32, #tpu.memory_space<vmem_shared>>
      %dma_wait3A_114 = arith.constant 0 : i32
      %dma_wait3A_115 = tpu.memref_slice %arg13[%add3A_24, %dma_wait3A_114] : memref<10000x128xf32, #tpu.memory_space<vmem_shared>> -> memref<128x128xf32, #tpu.memory_space<vmem_shared>>
      tpu.wait_dma2 semaphore(%run_scoped3A : memref<!tpu.dma_semaphore, #tpu.memory_space<semaphore_mem>>) src(%arg11 : memref<128x128xf32, #tpu.memory_space<vmem>>) dst(%dma_wait3A_115 : memref<128x128xf32, #tpu.memory_space<vmem_shared>>)
      tpu.yield
    }) : () -> ()
    %mul3A_25 = arith.constant 624 : i32
    %mul3A_26 = arith.muli %arg1, %mul3A_25 : i32
    %add3A_27 = arith.constant 624 : i32
    %add3A_28 = arith.addi %mul3A_26, %add3A_27 : i32
    %sub3A = arith.constant 112 : i32
    %sub3A_29 = arith.subi %add3A_28, %sub3A : i32
    "tpu.region"() ({
      %run_scoped3A = tpu.sem_alloc : memref<!tpu.dma_semaphore, #tpu.memory_space<semaphore_mem>>
      %dma_start3A_108 = arith.constant 0 : i32
      %dma_start3A_109 = arith.constant 0 : i32
      %dma_start3A_110 = tpu.memref_slice %arg11[%dma_start3A_108, %dma_start3A_109] : memref<128x128xf32, #tpu.memory_space<vmem>> -> memref<112x128xf32, #tpu.memory_space<vmem>>
      %dma_start3A_111 = arith.constant 0 : i32
      %dma_start3A_112 = tpu.memref_slice %arg13[%sub3A_29, %dma_start3A_111] : memref<10000x128xf32, #tpu.memory_space<vmem_shared>> -> memref<112x128xf32, #tpu.memory_space<vmem_shared>>
      %dma_start3A_113 = arith.constant 0 : i32
      %dma_start3A_114 = tpu.memref_slice %arg13[%sub3A_29, %dma_start3A_113] : memref<10000x128xf32, #tpu.memory_space<vmem_shared>> -> memref<112x128xf32, #tpu.memory_space<vmem_shared>>
      %dma_start3A_115 = arith.constant 0 : i32
      %dma_start3A_116 = arith.constant 0 : i32
      %dma_start3A_117 = tpu.memref_slice %arg11[%dma_start3A_115, %dma_start3A_116] : memref<128x128xf32, #tpu.memory_space<vmem>> -> memref<112x128xf32, #tpu.memory_space<vmem>>
      tpu.enqueue_dma source(%dma_start3A_117 : memref<112x128xf32, #tpu.memory_space<vmem>>) target(%dma_start3A_114 : memref<112x128xf32, #tpu.memory_space<vmem_shared>>) target_semaphore(%run_scoped3A : memref<!tpu.dma_semaphore, #tpu.memory_space<semaphore_mem>>)
      %dma_wait3A_118 = arith.constant 0 : i32
      %dma_wait3A_119 = arith.constant 0 : i32
      %dma_wait3A_120 = tpu.memref_slice %arg11[%dma_wait3A_118, %dma_wait3A_119] : memref<128x128xf32, #tpu.memory_space<vmem>> -> memref<112x128xf32, #tpu.memory_space<vmem>>
      %dma_wait3A_121 = arith.constant 0 : i32
      %dma_wait3A_122 = tpu.memref_slice %arg13[%sub3A_29, %dma_wait3A_121] : memref<10000x128xf32, #tpu.memory_space<vmem_shared>> -> memref<112x128xf32, #tpu.memory_space<vmem_shared>>
      %dma_wait3A_123 = arith.constant 0 : i32
      %dma_wait3A_124 = tpu.memref_slice %arg13[%sub3A_29, %dma_wait3A_123] : memref<10000x128xf32, #tpu.memory_space<vmem_shared>> -> memref<112x128xf32, #tpu.memory_space<vmem_shared>>
      %dma_wait3A_125 = arith.constant 0 : i32
      %dma_wait3A_126 = arith.constant 0 : i32
      %dma_wait3A_127 = tpu.memref_slice %arg11[%dma_wait3A_125, %dma_wait3A_126] : memref<128x128xf32, #tpu.memory_space<vmem>> -> memref<112x128xf32, #tpu.memory_space<vmem>>
      tpu.wait_dma2 semaphore(%run_scoped3A : memref<!tpu.dma_semaphore, #tpu.memory_space<semaphore_mem>>) src(%dma_wait3A_127 : memref<112x128xf32, #tpu.memory_space<vmem>>) dst(%dma_wait3A_124 : memref<112x128xf32, #tpu.memory_space<vmem_shared>>)
      tpu.yield
    }) : () -> ()
    %eq3A = arith.constant 15 : i32
    %eq3A_30 = arith.cmpi eq, %arg1, %eq3A : i32
    %convert_element_type3A = arith.extui %eq3A_30 : i1 to i32
    %cond3A = arith.constant 0 : i32
    %cond3A_31 = arith.cmpi ne, %convert_element_type3A, %cond3A : i32
    scf.if %cond3A_31 {
      "tpu.region"() ({
        %run_scoped3A = tpu.sem_alloc : memref<!tpu.dma_semaphore, #tpu.memory_space<semaphore_mem>>
        %dma_start3A_108 = arith.constant 0 : i32
        %dma_start3A_109 = arith.constant 0 : i32
        %dma_start3A_110 = tpu.memref_slice %arg11[%dma_start3A_108, %dma_start3A_109] : memref<128x128xf32, #tpu.memory_space<vmem>> -> memref<16x128xf32, #tpu.memory_space<vmem>>
        %dma_start3A_111 = arith.constant 9984 : i32
        %dma_start3A_112 = arith.constant 0 : i32
        %dma_start3A_113 = tpu.memref_slice %arg13[%dma_start3A_111, %dma_start3A_112] : memref<10000x128xf32, #tpu.memory_space<vmem_shared>> -> memref<16x128xf32, #tpu.memory_space<vmem_shared>>
        %dma_start3A_114 = arith.constant 9984 : i32
        %dma_start3A_115 = arith.constant 0 : i32
        %dma_start3A_116 = tpu.memref_slice %arg13[%dma_start3A_114, %dma_start3A_115] : memref<10000x128xf32, #tpu.memory_space<vmem_shared>> -> memref<16x128xf32, #tpu.memory_space<vmem_shared>>
        %dma_start3A_117 = arith.constant 0 : i32
        %dma_start3A_118 = arith.constant 0 : i32
        %dma_start3A_119 = tpu.memref_slice %arg11[%dma_start3A_117, %dma_start3A_118] : memref<128x128xf32, #tpu.memory_space<vmem>> -> memref<16x128xf32, #tpu.memory_space<vmem>>
        tpu.enqueue_dma source(%dma_start3A_119 : memref<16x128xf32, #tpu.memory_space<vmem>>) target(%dma_start3A_116 : memref<16x128xf32, #tpu.memory_space<vmem_shared>>) target_semaphore(%run_scoped3A : memref<!tpu.dma_semaphore, #tpu.memory_space<semaphore_mem>>)
        %dma_wait3A_120 = arith.constant 0 : i32
        %dma_wait3A_121 = arith.constant 0 : i32
        %dma_wait3A_122 = tpu.memref_slice %arg11[%dma_wait3A_120, %dma_wait3A_121] : memref<128x128xf32, #tpu.memory_space<vmem>> -> memref<16x128xf32, #tpu.memory_space<vmem>>
        %dma_wait3A_123 = arith.constant 9984 : i32
        %dma_wait3A_124 = arith.constant 0 : i32
        %dma_wait3A_125 = tpu.memref_slice %arg13[%dma_wait3A_123, %dma_wait3A_124] : memref<10000x128xf32, #tpu.memory_space<vmem_shared>> -> memref<16x128xf32, #tpu.memory_space<vmem_shared>>
        %dma_wait3A_126 = arith.constant 9984 : i32
        %dma_wait3A_127 = arith.constant 0 : i32
        %dma_wait3A_128 = tpu.memref_slice %arg13[%dma_wait3A_126, %dma_wait3A_127] : memref<10000x128xf32, #tpu.memory_space<vmem_shared>> -> memref<16x128xf32, #tpu.memory_space<vmem_shared>>
        %dma_wait3A_129 = arith.constant 0 : i32
        %dma_wait3A_130 = arith.constant 0 : i32
        %dma_wait3A_131 = tpu.memref_slice %arg11[%dma_wait3A_129, %dma_wait3A_130] : memref<128x128xf32, #tpu.memory_space<vmem>> -> memref<16x128xf32, #tpu.memory_space<vmem>>
        tpu.wait_dma2 semaphore(%run_scoped3A : memref<!tpu.dma_semaphore, #tpu.memory_space<semaphore_mem>>) src(%dma_wait3A_131 : memref<16x128xf32, #tpu.memory_space<vmem>>) dst(%dma_wait3A_128 : memref<16x128xf32, #tpu.memory_space<vmem_shared>>)
        tpu.yield
      }) : () -> ()
    } else {
    }
    %barrier3A = arith.constant 0 : index
    tpu.barrier barrier_id(%barrier3A)
    %add3A_32 = arith.constant 0 : i32
    %add3A_33 = arith.addi %mul3A_2, %add3A_32 : i32
    %dma_start3A = arith.constant 0 : i32
    %dma_start3A_34 = arith.constant 0 : i32
    %dma_start3A_35 = arith.constant 0 : i32
    %dma_start3A_36 = tpu.memref_slice %arg7[%dma_start3A, %dma_start3A_35] : memref<2x128xi32, #tpu.memory_space<vmem>> -> memref<1x128xi32, #tpu.memory_space<vmem>>
    %dma_start3A_37 = tpu.memref_squeeze %dma_start3A_36 : memref<1x128xi32, #tpu.memory_space<vmem>> -> memref<128xi32, #tpu.memory_space<vmem>>
    %dma_start3A_38 = tpu.memref_slice %arg4[%add3A_33] : memref<320000xi32, #tpu.memory_space<hbm>> -> memref<128xi32, #tpu.memory_space<hbm>>
    %dma_start3A_39 = tpu.memref_slice %arg14[%dma_start3A_34] : memref<2x!tpu.dma_semaphore, #tpu.memory_space<semaphore_mem>> -> memref<1x!tpu.dma_semaphore, #tpu.memory_space<semaphore_mem>>
    %dma_start3A_40 = tpu.memref_squeeze %dma_start3A_39 : memref<1x!tpu.dma_semaphore, #tpu.memory_space<semaphore_mem>> -> memref<!tpu.dma_semaphore, #tpu.memory_space<semaphore_mem>>
    %dma_start3A_41 = arith.constant 0 : i32
    %dma_start3A_42 = tpu.memref_slice %arg7[%dma_start3A, %dma_start3A_41] : memref<2x128xi32, #tpu.memory_space<vmem>> -> memref<1x128xi32, #tpu.memory_space<vmem>>
    %dma_start3A_43 = tpu.memref_squeeze %dma_start3A_42 : memref<1x128xi32, #tpu.memory_space<vmem>> -> memref<128xi32, #tpu.memory_space<vmem>>
    %dma_start3A_44 = tpu.memref_slice %arg4[%add3A_33] : memref<320000xi32, #tpu.memory_space<hbm>> -> memref<128xi32, #tpu.memory_space<hbm>>
    tpu.enqueue_dma source(%dma_start3A_44 : memref<128xi32, #tpu.memory_space<hbm>>) target(%dma_start3A_43 : memref<128xi32, #tpu.memory_space<vmem>>) target_semaphore(%dma_start3A_40 : memref<!tpu.dma_semaphore, #tpu.memory_space<semaphore_mem>>)
    %dma_start3A_45 = arith.constant 0 : i32
    %dma_start3A_46 = arith.constant 0 : i32
    %dma_start3A_47 = arith.constant 0 : i32
    %dma_start3A_48 = tpu.memref_slice %arg8[%dma_start3A_45, %dma_start3A_47] : memref<2x128xi32, #tpu.memory_space<vmem>> -> memref<1x128xi32, #tpu.memory_space<vmem>>
    %dma_start3A_49 = tpu.memref_squeeze %dma_start3A_48 : memref<1x128xi32, #tpu.memory_space<vmem>> -> memref<128xi32, #tpu.memory_space<vmem>>
    %dma_start3A_50 = tpu.memref_slice %arg5[%add3A_33] : memref<320000xi32, #tpu.memory_space<hbm>> -> memref<128xi32, #tpu.memory_space<hbm>>
    %dma_start3A_51 = tpu.memref_slice %arg15[%dma_start3A_46] : memref<2x!tpu.dma_semaphore, #tpu.memory_space<semaphore_mem>> -> memref<1x!tpu.dma_semaphore, #tpu.memory_space<semaphore_mem>>
    %dma_start3A_52 = tpu.memref_squeeze %dma_start3A_51 : memref<1x!tpu.dma_semaphore, #tpu.memory_space<semaphore_mem>> -> memref<!tpu.dma_semaphore, #tpu.memory_space<semaphore_mem>>
    %dma_start3A_53 = arith.constant 0 : i32
    %dma_start3A_54 = tpu.memref_slice %arg8[%dma_start3A_45, %dma_start3A_53] : memref<2x128xi32, #tpu.memory_space<vmem>> -> memref<1x128xi32, #tpu.memory_space<vmem>>
    %dma_start3A_55 = tpu.memref_squeeze %dma_start3A_54 : memref<1x128xi32, #tpu.memory_space<vmem>> -> memref<128xi32, #tpu.memory_space<vmem>>
    %dma_start3A_56 = tpu.memref_slice %arg5[%add3A_33] : memref<320000xi32, #tpu.memory_space<hbm>> -> memref<128xi32, #tpu.memory_space<hbm>>
    tpu.enqueue_dma source(%dma_start3A_56 : memref<128xi32, #tpu.memory_space<hbm>>) target(%dma_start3A_55 : memref<128xi32, #tpu.memory_space<vmem>>) target_semaphore(%dma_start3A_52 : memref<!tpu.dma_semaphore, #tpu.memory_space<semaphore_mem>>)
    %scan3A_57 = arith.constant 0 : i32
    %scan3A_58 = arith.constant 0 : i32
    %scan3A_59 = arith.constant 78 : i32
    %scan3A_60 = arith.addi %scan3A_58, %scan3A_59 : i32
    %scan3A_61 = arith.constant 1 : i32
    scf.for %scan3A_108 = %scan3A_58 to %scan3A_60 step %scan3A_61  : i32 {
      %rem3A = arith.constant 2 : i32
      %rem3A_109 = arith.remsi %scan3A_108, %rem3A : i32
      %add3A_110 = arith.constant 1 : i32
      %add3A_111 = arith.addi %scan3A_108, %add3A_110 : i32
      %rem3A_112 = arith.constant 2 : i32
      %rem3A_113 = arith.remsi %add3A_111, %rem3A_112 : i32
      %dma_wait3A_114 = arith.constant 0 : i32
      %dma_wait3A_115 = tpu.memref_slice %arg7[%rem3A_109, %dma_wait3A_114] : memref<2x128xi32, #tpu.memory_space<vmem>> -> memref<1x128xi32, #tpu.memory_space<vmem>>
      %dma_wait3A_116 = tpu.memref_squeeze %dma_wait3A_115 : memref<1x128xi32, #tpu.memory_space<vmem>> -> memref<128xi32, #tpu.memory_space<vmem>>
      %dma_wait3A_117 = arith.constant 0 : i32
      %dma_wait3A_118 = tpu.memref_slice %arg4[%dma_wait3A_117] : memref<320000xi32, #tpu.memory_space<hbm>> -> memref<128xi32, #tpu.memory_space<hbm>>
      %dma_wait3A_119 = tpu.memref_slice %arg14[%rem3A_109] : memref<2x!tpu.dma_semaphore, #tpu.memory_space<semaphore_mem>> -> memref<1x!tpu.dma_semaphore, #tpu.memory_space<semaphore_mem>>
      %dma_wait3A_120 = tpu.memref_squeeze %dma_wait3A_119 : memref<1x!tpu.dma_semaphore, #tpu.memory_space<semaphore_mem>> -> memref<!tpu.dma_semaphore, #tpu.memory_space<semaphore_mem>>
      %dma_wait3A_121 = arith.constant 0 : i32
      %dma_wait3A_122 = tpu.memref_slice %arg7[%rem3A_109, %dma_wait3A_121] : memref<2x128xi32, #tpu.memory_space<vmem>> -> memref<1x128xi32, #tpu.memory_space<vmem>>
      %dma_wait3A_123 = tpu.memref_squeeze %dma_wait3A_122 : memref<1x128xi32, #tpu.memory_space<vmem>> -> memref<128xi32, #tpu.memory_space<vmem>>
      %dma_wait3A_124 = arith.constant 0 : i32
      %dma_wait3A_125 = tpu.memref_slice %arg4[%dma_wait3A_124] : memref<320000xi32, #tpu.memory_space<hbm>> -> memref<128xi32, #tpu.memory_space<hbm>>
      tpu.wait_dma2 semaphore(%dma_wait3A_120 : memref<!tpu.dma_semaphore, #tpu.memory_space<semaphore_mem>>) src(%dma_wait3A_125 : memref<128xi32, #tpu.memory_space<hbm>>) dst(%dma_wait3A_123 : memref<128xi32, #tpu.memory_space<vmem>>)
      %dma_wait3A_126 = arith.constant 0 : i32
      %dma_wait3A_127 = tpu.memref_slice %arg8[%rem3A_109, %dma_wait3A_126] : memref<2x128xi32, #tpu.memory_space<vmem>> -> memref<1x128xi32, #tpu.memory_space<vmem>>
      %dma_wait3A_128 = tpu.memref_squeeze %dma_wait3A_127 : memref<1x128xi32, #tpu.memory_space<vmem>> -> memref<128xi32, #tpu.memory_space<vmem>>
      %dma_wait3A_129 = arith.constant 0 : i32
      %dma_wait3A_130 = tpu.memref_slice %arg4[%dma_wait3A_129] : memref<320000xi32, #tpu.memory_space<hbm>> -> memref<128xi32, #tpu.memory_space<hbm>>
      %dma_wait3A_131 = tpu.memref_slice %arg15[%rem3A_109] : memref<2x!tpu.dma_semaphore, #tpu.memory_space<semaphore_mem>> -> memref<1x!tpu.dma_semaphore, #tpu.memory_space<semaphore_mem>>
      %dma_wait3A_132 = tpu.memref_squeeze %dma_wait3A_131 : memref<1x!tpu.dma_semaphore, #tpu.memory_space<semaphore_mem>> -> memref<!tpu.dma_semaphore, #tpu.memory_space<semaphore_mem>>
      %dma_wait3A_133 = arith.constant 0 : i32
      %dma_wait3A_134 = tpu.memref_slice %arg8[%rem3A_109, %dma_wait3A_133] : memref<2x128xi32, #tpu.memory_space<vmem>> -> memref<1x128xi32, #tpu.memory_space<vmem>>
      %dma_wait3A_135 = tpu.memref_squeeze %dma_wait3A_134 : memref<1x128xi32, #tpu.memory_space<vmem>> -> memref<128xi32, #tpu.memory_space<vmem>>
      %dma_wait3A_136 = arith.constant 0 : i32
      %dma_wait3A_137 = tpu.memref_slice %arg4[%dma_wait3A_136] : memref<320000xi32, #tpu.memory_space<hbm>> -> memref<128xi32, #tpu.memory_space<hbm>>
      tpu.wait_dma2 semaphore(%dma_wait3A_132 : memref<!tpu.dma_semaphore, #tpu.memory_space<semaphore_mem>>) src(%dma_wait3A_137 : memref<128xi32, #tpu.memory_space<hbm>>) dst(%dma_wait3A_135 : memref<128xi32, #tpu.memory_space<vmem>>)
      %dma_start3A_138 = arith.constant 0 : i32
      %dma_start3A_139 = tpu.memref_slice %arg7[%rem3A_109, %dma_start3A_138] : memref<2x128xi32, #tpu.memory_space<vmem>> -> memref<1x128xi32, #tpu.memory_space<vmem>>
      %dma_start3A_140 = tpu.memref_squeeze %dma_start3A_139 : memref<1x128xi32, #tpu.memory_space<vmem>> -> memref<128xi32, #tpu.memory_space<vmem>>
      %dma_start3A_141 = arith.constant 0 : i32
      %dma_start3A_142 = arith.constant 0 : i32
      %dma_start3A_143 = tpu.memref_slice %arg2[%dma_start3A_141, %dma_start3A_142] : memref<10000x128xf32, #tpu.memory_space<hbm>> -> memref<10000x128xf32, #tpu.memory_space<hbm>>
      tpu.enqueue_indirect_dma source(%dma_start3A_143 : memref<10000x128xf32, #tpu.memory_space<hbm>>) target(%arg11 : memref<128x128xf32, #tpu.memory_space<vmem>>) offsets(%dma_start3A_140 : memref<128xi32, #tpu.memory_space<vmem>>) semaphore(%arg16 : memref<!tpu.dma_semaphore, #tpu.memory_space<semaphore_mem>>)
      %mul3A_144 = arith.constant 128 : i32
      %mul3A_145 = arith.muli %scan3A_108, %mul3A_144 : i32
      %add3A_146 = arith.addi %mul3A_2, %mul3A_145 : i32
      %dma_start3A_147 = arith.constant 0 : i32
      %dma_start3A_148 = tpu.memref_slice %arg3[%add3A_146, %dma_start3A_147] : memref<320000x128xf32, #tpu.memory_space<hbm>> -> memref<128x128xf32, #tpu.memory_space<hbm>>
      %dma_start3A_149 = arith.constant 0 : i32
      %dma_start3A_150 = tpu.memref_slice %arg3[%add3A_146, %dma_start3A_149] : memref<320000x128xf32, #tpu.memory_space<hbm>> -> memref<128x128xf32, #tpu.memory_space<hbm>>
      tpu.enqueue_dma source(%dma_start3A_150 : memref<128x128xf32, #tpu.memory_space<hbm>>) target(%arg12 : memref<128x128xf32, #tpu.memory_space<vmem>>) target_semaphore(%arg17 : memref<!tpu.dma_semaphore, #tpu.memory_space<semaphore_mem>>)
      %add3A_151 = arith.constant 1 : i32
      %add3A_152 = arith.addi %scan3A_108, %add3A_151 : i32
      %lt3A = arith.constant 78 : i32
      %lt3A_153 = arith.cmpi slt, %add3A_152, %lt3A : i32
      %convert_element_type3A_154 = arith.extui %lt3A_153 : i1 to i32
      %cond3A_155 = arith.constant 0 : i32
      %cond3A_156 = arith.cmpi ne, %convert_element_type3A_154, %cond3A_155 : i32
      scf.if %cond3A_156 {
        %add3A_170 = arith.constant 1 : i32
        %add3A_171 = arith.addi %scan3A_108, %add3A_170 : i32
        %mul3A_172 = arith.constant 128 : i32
        %mul3A_173 = arith.muli %add3A_171, %mul3A_172 : i32
        %add3A_174 = arith.addi %mul3A_2, %mul3A_173 : i32
        %dma_start3A_175 = arith.constant 0 : i32
        %dma_start3A_176 = tpu.memref_slice %arg7[%rem3A_113, %dma_start3A_175] : memref<2x128xi32, #tpu.memory_space<vmem>> -> memref<1x128xi32, #tpu.memory_space<vmem>>
        %dma_start3A_177 = tpu.memref_squeeze %dma_start3A_176 : memref<1x128xi32, #tpu.memory_space<vmem>> -> memref<128xi32, #tpu.memory_space<vmem>>
        %dma_start3A_178 = tpu.memref_slice %arg4[%add3A_174] : memref<320000xi32, #tpu.memory_space<hbm>> -> memref<128xi32, #tpu.memory_space<hbm>>
        %dma_start3A_179 = tpu.memref_slice %arg14[%rem3A_113] : memref<2x!tpu.dma_semaphore, #tpu.memory_space<semaphore_mem>> -> memref<1x!tpu.dma_semaphore, #tpu.memory_space<semaphore_mem>>
        %dma_start3A_180 = tpu.memref_squeeze %dma_start3A_179 : memref<1x!tpu.dma_semaphore, #tpu.memory_space<semaphore_mem>> -> memref<!tpu.dma_semaphore, #tpu.memory_space<semaphore_mem>>
        %dma_start3A_181 = arith.constant 0 : i32
        %dma_start3A_182 = tpu.memref_slice %arg7[%rem3A_113, %dma_start3A_181] : memref<2x128xi32, #tpu.memory_space<vmem>> -> memref<1x128xi32, #tpu.memory_space<vmem>>
        %dma_start3A_183 = tpu.memref_squeeze %dma_start3A_182 : memref<1x128xi32, #tpu.memory_space<vmem>> -> memref<128xi32, #tpu.memory_space<vmem>>
        %dma_start3A_184 = tpu.memref_slice %arg4[%add3A_174] : memref<320000xi32, #tpu.memory_space<hbm>> -> memref<128xi32, #tpu.memory_space<hbm>>
        tpu.enqueue_dma source(%dma_start3A_184 : memref<128xi32, #tpu.memory_space<hbm>>) target(%dma_start3A_183 : memref<128xi32, #tpu.memory_space<vmem>>) target_semaphore(%dma_start3A_180 : memref<!tpu.dma_semaphore, #tpu.memory_space<semaphore_mem>>)
        %dma_start3A_185 = arith.constant 0 : i32
        %dma_start3A_186 = tpu.memref_slice %arg8[%rem3A_113, %dma_start3A_185] : memref<2x128xi32, #tpu.memory_space<vmem>> -> memref<1x128xi32, #tpu.memory_space<vmem>>
        %dma_start3A_187 = tpu.memref_squeeze %dma_start3A_186 : memref<1x128xi32, #tpu.memory_space<vmem>> -> memref<128xi32, #tpu.memory_space<vmem>>
        %dma_start3A_188 = tpu.memref_slice %arg5[%add3A_174] : memref<320000xi32, #tpu.memory_space<hbm>> -> memref<128xi32, #tpu.memory_space<hbm>>
        %dma_start3A_189 = tpu.memref_slice %arg15[%rem3A_113] : memref<2x!tpu.dma_semaphore, #tpu.memory_space<semaphore_mem>> -> memref<1x!tpu.dma_semaphore, #tpu.memory_space<semaphore_mem>>
        %dma_start3A_190 = tpu.memref_squeeze %dma_start3A_189 : memref<1x!tpu.dma_semaphore, #tpu.memory_space<semaphore_mem>> -> memref<!tpu.dma_semaphore, #tpu.memory_space<semaphore_mem>>
        %dma_start3A_191 = arith.constant 0 : i32
        %dma_start3A_192 = tpu.memref_slice %arg8[%rem3A_113, %dma_start3A_191] : memref<2x128xi32, #tpu.memory_space<vmem>> -> memref<1x128xi32, #tpu.memory_space<vmem>>
        %dma_start3A_193 = tpu.memref_squeeze %dma_start3A_192 : memref<1x128xi32, #tpu.memory_space<vmem>> -> memref<128xi32, #tpu.memory_space<vmem>>
        %dma_start3A_194 = tpu.memref_slice %arg5[%add3A_174] : memref<320000xi32, #tpu.memory_space<hbm>> -> memref<128xi32, #tpu.memory_space<hbm>>
        tpu.enqueue_dma source(%dma_start3A_194 : memref<128xi32, #tpu.memory_space<hbm>>) target(%dma_start3A_193 : memref<128xi32, #tpu.memory_space<vmem>>) target_semaphore(%dma_start3A_190 : memref<!tpu.dma_semaphore, #tpu.memory_space<semaphore_mem>>)
      } else {
      }
      %dma_wait3A_157 = arith.constant 0 : i32
      %dma_wait3A_158 = tpu.memref_slice %arg3[%add3A_146, %dma_wait3A_157] : memref<320000x128xf32, #tpu.memory_space<hbm>> -> memref<128x128xf32, #tpu.memory_space<hbm>>
      %dma_wait3A_159 = arith.constant 0 : i32
      %dma_wait3A_160 = tpu.memref_slice %arg3[%add3A_146, %dma_wait3A_159] : memref<320000x128xf32, #tpu.memory_space<hbm>> -> memref<128x128xf32, #tpu.memory_space<hbm>>
      tpu.wait_dma2 semaphore(%arg17 : memref<!tpu.dma_semaphore, #tpu.memory_space<semaphore_mem>>) src(%dma_wait3A_160 : memref<128x128xf32, #tpu.memory_space<hbm>>) dst(%arg12 : memref<128x128xf32, #tpu.memory_space<vmem>>)
      %dma_wait3A_161 = arith.constant 0 : i32
      %dma_wait3A_162 = tpu.memref_slice %arg7[%rem3A_109, %dma_wait3A_161] : memref<2x128xi32, #tpu.memory_space<vmem>> -> memref<1x128xi32, #tpu.memory_space<vmem>>
      %dma_wait3A_163 = tpu.memref_squeeze %dma_wait3A_162 : memref<1x128xi32, #tpu.memory_space<vmem>> -> memref<128xi32, #tpu.memory_space<vmem>>
      %dma_wait3A_164 = arith.constant 0 : i32
      %dma_wait3A_165 = arith.constant 0 : i32
      %dma_wait3A_166 = tpu.memref_slice %arg2[%dma_wait3A_164, %dma_wait3A_165] : memref<10000x128xf32, #tpu.memory_space<hbm>> -> memref<10000x128xf32, #tpu.memory_space<hbm>>
      tpu.wait_indirect_dma semaphore(%arg16 : memref<!tpu.dma_semaphore, #tpu.memory_space<semaphore_mem>>) src(%dma_wait3A_166 : memref<10000x128xf32, #tpu.memory_space<hbm>>) dst(%arg11 : memref<128x128xf32, #tpu.memory_space<vmem>>)
      %parallel_loop3A_167 = arith.constant 0 : i32
      %parallel_loop3A_168 = arith.constant 128 : i32
      %parallel_loop3A_169 = arith.constant 1 : i32
      scf.for %parallel_loop3A_170 = %parallel_loop3A_167 to %parallel_loop3A_168 step %parallel_loop3A_169  : i32 {
        %parallel_loop3A_171 = arith.index_cast %parallel_loop3A_170 : i32 to index
        %parallel_loop3A_172 = arith.constant 0 : index
        %parallel_loop3A_173 = tpu.vector_load %arg11[%parallel_loop3A_171, %parallel_loop3A_172] {strides = array<i32>} : memref<128x128xf32, #tpu.memory_space<vmem>>, vector<1x16xf32>,
        %parallel_loop3A_174 = vector.shape_cast %parallel_loop3A_173 : vector<1x16xf32> to vector<16xf32>
        %parallel_loop3A_175 = arith.index_cast %parallel_loop3A_170 : i32 to index
        %parallel_loop3A_176 = arith.constant 0 : index
        %parallel_loop3A_177 = tpu.vector_load %arg12[%parallel_loop3A_175, %parallel_loop3A_176] {strides = array<i32>} : memref<128x128xf32, #tpu.memory_space<vmem>>, vector<1x16xf32>,
        %parallel_loop3A_178 = vector.shape_cast %parallel_loop3A_177 : vector<1x16xf32> to vector<16xf32>
        %parallel_loop3A_179 = arith.addf %parallel_loop3A_174, %parallel_loop3A_178 : vector<16xf32>
        %parallel_loop3A_180 = arith.constant 0.000000e+00 : f32
        %parallel_loop3A_181 = vector.broadcast %parallel_loop3A_180 : f32 to vector<16xf32>
        %parallel_loop3A_182 = arith.maximumf %parallel_loop3A_179, %parallel_loop3A_181 : vector<16xf32>
        %parallel_loop3A_183 = arith.index_cast %parallel_loop3A_170 : i32 to index
        %parallel_loop3A_184 = arith.constant 0 : index
        %parallel_loop3A_185 = tpu.vector_load %arg11[%parallel_loop3A_183, %parallel_loop3A_184] {strides = array<i32>} : memref<128x128xf32, #tpu.memory_space<vmem>>, vector<1x16xf32>,
        %parallel_loop3A_186 = vector.shape_cast %parallel_loop3A_185 : vector<1x16xf32> to vector<16xf32>
        %parallel_loop3A_187 = vector.shape_cast %parallel_loop3A_182 : vector<16xf32> to vector<1x16xf32>
        tpu.vector_store %arg11[%parallel_loop3A_183, %parallel_loop3A_184], %parallel_loop3A_187 {strides = array<i32>} : memref<128x128xf32, #tpu.memory_space<vmem>>, vector<1x16xf32>,
        %parallel_loop3A_188 = arith.index_cast %parallel_loop3A_170 : i32 to index
        %parallel_loop3A_189 = arith.constant 16 : index
        %parallel_loop3A_190 = tpu.vector_load %arg11[%parallel_loop3A_188, %parallel_loop3A_189] {strides = array<i32>} : memref<128x128xf32, #tpu.memory_space<vmem>>, vector<1x16xf32>,
        %parallel_loop3A_191 = vector.shape_cast %parallel_loop3A_190 : vector<1x16xf32> to vector<16xf32>
        %parallel_loop3A_192 = arith.index_cast %parallel_loop3A_170 : i32 to index
        %parallel_loop3A_193 = arith.constant 16 : index
        %parallel_loop3A_194 = tpu.vector_load %arg12[%parallel_loop3A_192, %parallel_loop3A_193] {strides = array<i32>} : memref<128x128xf32, #tpu.memory_space<vmem>>, vector<1x16xf32>,
        %parallel_loop3A_195 = vector.shape_cast %parallel_loop3A_194 : vector<1x16xf32> to vector<16xf32>
        %parallel_loop3A_196 = arith.addf %parallel_loop3A_191, %parallel_loop3A_195 : vector<16xf32>
        %parallel_loop3A_197 = arith.constant 0.000000e+00 : f32
        %parallel_loop3A_198 = vector.broadcast %parallel_loop3A_197 : f32 to vector<16xf32>
        %parallel_loop3A_199 = arith.maximumf %parallel_loop3A_196, %parallel_loop3A_198 : vector<16xf32>
        %parallel_loop3A_200 = arith.index_cast %parallel_loop3A_170 : i32 to index
        %parallel_loop3A_201 = arith.constant 16 : index
        %parallel_loop3A_202 = tpu.vector_load %arg11[%parallel_loop3A_200, %parallel_loop3A_201] {strides = array<i32>} : memref<128x128xf32, #tpu.memory_space<vmem>>, vector<1x16xf32>,
        %parallel_loop3A_203 = vector.shape_cast %parallel_loop3A_202 : vector<1x16xf32> to vector<16xf32>
        %parallel_loop3A_204 = vector.shape_cast %parallel_loop3A_199 : vector<16xf32> to vector<1x16xf32>
        tpu.vector_store %arg11[%parallel_loop3A_200, %parallel_loop3A_201], %parallel_loop3A_204 {strides = array<i32>} : memref<128x128xf32, #tpu.memory_space<vmem>>, vector<1x16xf32>,
        %parallel_loop3A_205 = arith.index_cast %parallel_loop3A_170 : i32 to index
        %parallel_loop3A_206 = arith.constant 32 : index
        %parallel_loop3A_207 = tpu.vector_load %arg11[%parallel_loop3A_205, %parallel_loop3A_206] {strides = array<i32>} : memref<128x128xf32, #tpu.memory_space<vmem>>, vector<1x16xf32>,
        %parallel_loop3A_208 = vector.shape_cast %parallel_loop3A_207 : vector<1x16xf32> to vector<16xf32>
        %parallel_loop3A_209 = arith.index_cast %parallel_loop3A_170 : i32 to index
        %parallel_loop3A_210 = arith.constant 32 : index
        %parallel_loop3A_211 = tpu.vector_load %arg12[%parallel_loop3A_209, %parallel_loop3A_210] {strides = array<i32>} : memref<128x128xf32, #tpu.memory_space<vmem>>, vector<1x16xf32>,
        %parallel_loop3A_212 = vector.shape_cast %parallel_loop3A_211 : vector<1x16xf32> to vector<16xf32>
        %parallel_loop3A_213 = arith.addf %parallel_loop3A_208, %parallel_loop3A_212 : vector<16xf32>
        %parallel_loop3A_214 = arith.constant 0.000000e+00 : f32
        %parallel_loop3A_215 = vector.broadcast %parallel_loop3A_214 : f32 to vector<16xf32>
        %parallel_loop3A_216 = arith.maximumf %parallel_loop3A_213, %parallel_loop3A_215 : vector<16xf32>
        %parallel_loop3A_217 = arith.index_cast %parallel_loop3A_170 : i32 to index
        %parallel_loop3A_218 = arith.constant 32 : index
        %parallel_loop3A_219 = tpu.vector_load %arg11[%parallel_loop3A_217, %parallel_loop3A_218] {strides = array<i32>} : memref<128x128xf32, #tpu.memory_space<vmem>>, vector<1x16xf32>,
        %parallel_loop3A_220 = vector.shape_cast %parallel_loop3A_219 : vector<1x16xf32> to vector<16xf32>
        %parallel_loop3A_221 = vector.shape_cast %parallel_loop3A_216 : vector<16xf32> to vector<1x16xf32>
        tpu.vector_store %arg11[%parallel_loop3A_217, %parallel_loop3A_218], %parallel_loop3A_221 {strides = array<i32>} : memref<128x128xf32, #tpu.memory_space<vmem>>, vector<1x16xf32>,
        %parallel_loop3A_222 = arith.index_cast %parallel_loop3A_170 : i32 to index
        %parallel_loop3A_223 = arith.constant 48 : index
        %parallel_loop3A_224 = tpu.vector_load %arg11[%parallel_loop3A_222, %parallel_loop3A_223] {strides = array<i32>} : memref<128x128xf32, #tpu.memory_space<vmem>>, vector<1x16xf32>,
        %parallel_loop3A_225 = vector.shape_cast %parallel_loop3A_224 : vector<1x16xf32> to vector<16xf32>
        %parallel_loop3A_226 = arith.index_cast %parallel_loop3A_170 : i32 to index
        %parallel_loop3A_227 = arith.constant 48 : index
        %parallel_loop3A_228 = tpu.vector_load %arg12[%parallel_loop3A_226, %parallel_loop3A_227] {strides = array<i32>} : memref<128x128xf32, #tpu.memory_space<vmem>>, vector<1x16xf32>,
        %parallel_loop3A_229 = vector.shape_cast %parallel_loop3A_228 : vector<1x16xf32> to vector<16xf32>
        %parallel_loop3A_230 = arith.addf %parallel_loop3A_225, %parallel_loop3A_229 : vector<16xf32>
        %parallel_loop3A_231 = arith.constant 0.000000e+00 : f32
        %parallel_loop3A_232 = vector.broadcast %parallel_loop3A_231 : f32 to vector<16xf32>
        %parallel_loop3A_233 = arith.maximumf %parallel_loop3A_230, %parallel_loop3A_232 : vector<16xf32>
        %parallel_loop3A_234 = arith.index_cast %parallel_loop3A_170 : i32 to index
        %parallel_loop3A_235 = arith.constant 48 : index
        %parallel_loop3A_236 = tpu.vector_load %arg11[%parallel_loop3A_234, %parallel_loop3A_235] {strides = array<i32>} : memref<128x128xf32, #tpu.memory_space<vmem>>, vector<1x16xf32>,
        %parallel_loop3A_237 = vector.shape_cast %parallel_loop3A_236 : vector<1x16xf32> to vector<16xf32>
        %parallel_loop3A_238 = vector.shape_cast %parallel_loop3A_233 : vector<16xf32> to vector<1x16xf32>
        tpu.vector_store %arg11[%parallel_loop3A_234, %parallel_loop3A_235], %parallel_loop3A_238 {strides = array<i32>} : memref<128x128xf32, #tpu.memory_space<vmem>>, vector<1x16xf32>,
        %parallel_loop3A_239 = arith.index_cast %parallel_loop3A_170 : i32 to index
        %parallel_loop3A_240 = arith.constant 64 : index
        %parallel_loop3A_241 = tpu.vector_load %arg11[%parallel_loop3A_239, %parallel_loop3A_240] {strides = array<i32>} : memref<128x128xf32, #tpu.memory_space<vmem>>, vector<1x16xf32>,
        %parallel_loop3A_242 = vector.shape_cast %parallel_loop3A_241 : vector<1x16xf32> to vector<16xf32>
        %parallel_loop3A_243 = arith.index_cast %parallel_loop3A_170 : i32 to index
        %parallel_loop3A_244 = arith.constant 64 : index
        %parallel_loop3A_245 = tpu.vector_load %arg12[%parallel_loop3A_243, %parallel_loop3A_244] {strides = array<i32>} : memref<128x128xf32, #tpu.memory_space<vmem>>, vector<1x16xf32>,
        %parallel_loop3A_246 = vector.shape_cast %parallel_loop3A_245 : vector<1x16xf32> to vector<16xf32>
        %parallel_loop3A_247 = arith.addf %parallel_loop3A_242, %parallel_loop3A_246 : vector<16xf32>
        %parallel_loop3A_248 = arith.constant 0.000000e+00 : f32
        %parallel_loop3A_249 = vector.broadcast %parallel_loop3A_248 : f32 to vector<16xf32>
        %parallel_loop3A_250 = arith.maximumf %parallel_loop3A_247, %parallel_loop3A_249 : vector<16xf32>
        %parallel_loop3A_251 = arith.index_cast %parallel_loop3A_170 : i32 to index
        %parallel_loop3A_252 = arith.constant 64 : index
        %parallel_loop3A_253 = tpu.vector_load %arg11[%parallel_loop3A_251, %parallel_loop3A_252] {strides = array<i32>} : memref<128x128xf32, #tpu.memory_space<vmem>>, vector<1x16xf32>,
        %parallel_loop3A_254 = vector.shape_cast %parallel_loop3A_253 : vector<1x16xf32> to vector<16xf32>
        %parallel_loop3A_255 = vector.shape_cast %parallel_loop3A_250 : vector<16xf32> to vector<1x16xf32>
        tpu.vector_store %arg11[%parallel_loop3A_251, %parallel_loop3A_252], %parallel_loop3A_255 {strides = array<i32>} : memref<128x128xf32, #tpu.memory_space<vmem>>, vector<1x16xf32>,
        %parallel_loop3A_256 = arith.index_cast %parallel_loop3A_170 : i32 to index
        %parallel_loop3A_257 = arith.constant 80 : index
        %parallel_loop3A_258 = tpu.vector_load %arg11[%parallel_loop3A_256, %parallel_loop3A_257] {strides = array<i32>} : memref<128x128xf32, #tpu.memory_space<vmem>>, vector<1x16xf32>,
        %parallel_loop3A_259 = vector.shape_cast %parallel_loop3A_258 : vector<1x16xf32> to vector<16xf32>
        %parallel_loop3A_260 = arith.index_cast %parallel_loop3A_170 : i32 to index
        %parallel_loop3A_261 = arith.constant 80 : index
        %parallel_loop3A_262 = tpu.vector_load %arg12[%parallel_loop3A_260, %parallel_loop3A_261] {strides = array<i32>} : memref<128x128xf32, #tpu.memory_space<vmem>>, vector<1x16xf32>,
        %parallel_loop3A_263 = vector.shape_cast %parallel_loop3A_262 : vector<1x16xf32> to vector<16xf32>
        %parallel_loop3A_264 = arith.addf %parallel_loop3A_259, %parallel_loop3A_263 : vector<16xf32>
        %parallel_loop3A_265 = arith.constant 0.000000e+00 : f32
        %parallel_loop3A_266 = vector.broadcast %parallel_loop3A_265 : f32 to vector<16xf32>
        %parallel_loop3A_267 = arith.maximumf %parallel_loop3A_264, %parallel_loop3A_266 : vector<16xf32>
        %parallel_loop3A_268 = arith.index_cast %parallel_loop3A_170 : i32 to index
        %parallel_loop3A_269 = arith.constant 80 : index
        %parallel_loop3A_270 = tpu.vector_load %arg11[%parallel_loop3A_268, %parallel_loop3A_269] {strides = array<i32>} : memref<128x128xf32, #tpu.memory_space<vmem>>, vector<1x16xf32>,
        %parallel_loop3A_271 = vector.shape_cast %parallel_loop3A_270 : vector<1x16xf32> to vector<16xf32>
        %parallel_loop3A_272 = vector.shape_cast %parallel_loop3A_267 : vector<16xf32> to vector<1x16xf32>
        tpu.vector_store %arg11[%parallel_loop3A_268, %parallel_loop3A_269], %parallel_loop3A_272 {strides = array<i32>} : memref<128x128xf32, #tpu.memory_space<vmem>>, vector<1x16xf32>,
        %parallel_loop3A_273 = arith.index_cast %parallel_loop3A_170 : i32 to index
        %parallel_loop3A_274 = arith.constant 96 : index
        %parallel_loop3A_275 = tpu.vector_load %arg11[%parallel_loop3A_273, %parallel_loop3A_274] {strides = array<i32>} : memref<128x128xf32, #tpu.memory_space<vmem>>, vector<1x16xf32>,
        %parallel_loop3A_276 = vector.shape_cast %parallel_loop3A_275 : vector<1x16xf32> to vector<16xf32>
        %parallel_loop3A_277 = arith.index_cast %parallel_loop3A_170 : i32 to index
        %parallel_loop3A_278 = arith.constant 96 : index
        %parallel_loop3A_279 = tpu.vector_load %arg12[%parallel_loop3A_277, %parallel_loop3A_278] {strides = array<i32>} : memref<128x128xf32, #tpu.memory_space<vmem>>, vector<1x16xf32>,
        %parallel_loop3A_280 = vector.shape_cast %parallel_loop3A_279 : vector<1x16xf32> to vector<16xf32>
        %parallel_loop3A_281 = arith.addf %parallel_loop3A_276, %parallel_loop3A_280 : vector<16xf32>
        %parallel_loop3A_282 = arith.constant 0.000000e+00 : f32
        %parallel_loop3A_283 = vector.broadcast %parallel_loop3A_282 : f32 to vector<16xf32>
        %parallel_loop3A_284 = arith.maximumf %parallel_loop3A_281, %parallel_loop3A_283 : vector<16xf32>
        %parallel_loop3A_285 = arith.index_cast %parallel_loop3A_170 : i32 to index
        %parallel_loop3A_286 = arith.constant 96 : index
        %parallel_loop3A_287 = tpu.vector_load %arg11[%parallel_loop3A_285, %parallel_loop3A_286] {strides = array<i32>} : memref<128x128xf32, #tpu.memory_space<vmem>>, vector<1x16xf32>,
        %parallel_loop3A_288 = vector.shape_cast %parallel_loop3A_287 : vector<1x16xf32> to vector<16xf32>
        %parallel_loop3A_289 = vector.shape_cast %parallel_loop3A_284 : vector<16xf32> to vector<1x16xf32>
        tpu.vector_store %arg11[%parallel_loop3A_285, %parallel_loop3A_286], %parallel_loop3A_289 {strides = array<i32>} : memref<128x128xf32, #tpu.memory_space<vmem>>, vector<1x16xf32>,
        %parallel_loop3A_290 = arith.index_cast %parallel_loop3A_170 : i32 to index
        %parallel_loop3A_291 = arith.constant 112 : index
        %parallel_loop3A_292 = tpu.vector_load %arg11[%parallel_loop3A_290, %parallel_loop3A_291] {strides = array<i32>} : memref<128x128xf32, #tpu.memory_space<vmem>>, vector<1x16xf32>,
        %parallel_loop3A_293 = vector.shape_cast %parallel_loop3A_292 : vector<1x16xf32> to vector<16xf32>
        %parallel_loop3A_294 = arith.index_cast %parallel_loop3A_170 : i32 to index
        %parallel_loop3A_295 = arith.constant 112 : index
        %parallel_loop3A_296 = tpu.vector_load %arg12[%parallel_loop3A_294, %parallel_loop3A_295] {strides = array<i32>} : memref<128x128xf32, #tpu.memory_space<vmem>>, vector<1x16xf32>,
        %parallel_loop3A_297 = vector.shape_cast %parallel_loop3A_296 : vector<1x16xf32> to vector<16xf32>
        %parallel_loop3A_298 = arith.addf %parallel_loop3A_293, %parallel_loop3A_297 : vector<16xf32>
        %parallel_loop3A_299 = arith.constant 0.000000e+00 : f32
        %parallel_loop3A_300 = vector.broadcast %parallel_loop3A_299 : f32 to vector<16xf32>
        %parallel_loop3A_301 = arith.maximumf %parallel_loop3A_298, %parallel_loop3A_300 : vector<16xf32>
        %parallel_loop3A_302 = arith.index_cast %parallel_loop3A_170 : i32 to index
        %parallel_loop3A_303 = arith.constant 112 : index
        %parallel_loop3A_304 = tpu.vector_load %arg11[%parallel_loop3A_302, %parallel_loop3A_303] {strides = array<i32>} : memref<128x128xf32, #tpu.memory_space<vmem>>, vector<1x16xf32>,
        %parallel_loop3A_305 = vector.shape_cast %parallel_loop3A_304 : vector<1x16xf32> to vector<16xf32>
        %parallel_loop3A_306 = vector.shape_cast %parallel_loop3A_301 : vector<16xf32> to vector<1x16xf32>
        tpu.vector_store %arg11[%parallel_loop3A_302, %parallel_loop3A_303], %parallel_loop3A_306 {strides = array<i32>} : memref<128x128xf32, #tpu.memory_space<vmem>>, vector<1x16xf32>,
      } {sc.loop_unroll_factor = 4 : i64, sc.parallel_access}
      "tpu.region"() ({
        %run_scoped3A = tpu.sem_alloc : memref<!tpu.dma_semaphore, #tpu.memory_space<semaphore_mem>>
        %dma_start3A_170 = arith.constant 0 : i32
        %dma_start3A_171 = tpu.memref_slice %arg8[%rem3A_109, %dma_start3A_170] : memref<2x128xi32, #tpu.memory_space<vmem>> -> memref<1x128xi32, #tpu.memory_space<vmem>>
        %dma_start3A_172 = tpu.memref_squeeze %dma_start3A_171 : memref<1x128xi32, #tpu.memory_space<vmem>> -> memref<128xi32, #tpu.memory_space<vmem>>
        %dma_start3A_173 = arith.constant 0 : i32
        %dma_start3A_174 = arith.constant 0 : i32
        %dma_start3A_175 = tpu.memref_slice %arg13[%dma_start3A_173, %dma_start3A_174] : memref<10000x128xf32, #tpu.memory_space<vmem_shared>> -> memref<10000x128xf32, #tpu.memory_space<vmem_shared>>
        tpu.enqueue_indirect_dma source(%arg11 : memref<128x128xf32, #tpu.memory_space<vmem>>) target(%dma_start3A_175 : memref<10000x128xf32, #tpu.memory_space<vmem_shared>>) offsets(%dma_start3A_172 : memref<128xi32, #tpu.memory_space<vmem>>) semaphore(%run_scoped3A : memref<!tpu.dma_semaphore, #tpu.memory_space<semaphore_mem>>) {add = true}
        %dma_wait3A_176 = arith.constant 0 : i32
        %dma_wait3A_177 = tpu.memref_slice %arg8[%rem3A_109, %dma_wait3A_176] : memref<2x128xi32, #tpu.memory_space<vmem>> -> memref<1x128xi32, #tpu.memory_space<vmem>>
        %dma_wait3A_178 = tpu.memref_squeeze %dma_wait3A_177 : memref<1x128xi32, #tpu.memory_space<vmem>> -> memref<128xi32, #tpu.memory_space<vmem>>
        %dma_wait3A_179 = arith.constant 0 : i32
        %dma_wait3A_180 = arith.constant 0 : i32
        %dma_wait3A_181 = tpu.memref_slice %arg13[%dma_wait3A_179, %dma_wait3A_180] : memref<10000x128xf32, #tpu.memory_space<vmem_shared>> -> memref<10000x128xf32, #tpu.memory_space<vmem_shared>>
        tpu.wait_indirect_dma semaphore(%run_scoped3A : memref<!tpu.dma_semaphore, #tpu.memory_space<semaphore_mem>>) src(%arg11 : memref<128x128xf32, #tpu.memory_space<vmem>>) dst(%dma_wait3A_181 : memref<10000x128xf32, #tpu.memory_space<vmem_shared>>)
        tpu.yield
      }) : () -> ()
    }
    %scan3A_62 = arith.constant 78 : i32
    %add3A_63 = arith.constant 9984 : i32
    %add3A_64 = arith.addi %mul3A_2, %add3A_63 : i32
    "tpu.region"() ({
      %run_scoped3A = tpu.sem_alloc : memref<!tpu.dma_semaphore, #tpu.memory_space<semaphore_mem>>
      %dma_start3A_108 = tpu.memref_slice %arg4[%add3A_64] : memref<320000xi32, #tpu.memory_space<hbm>> -> memref<16xi32, #tpu.memory_space<hbm>>
      %dma_start3A_109 = tpu.memref_slice %arg4[%add3A_64] : memref<320000xi32, #tpu.memory_space<hbm>> -> memref<16xi32, #tpu.memory_space<hbm>>
      tpu.enqueue_dma source(%dma_start3A_109 : memref<16xi32, #tpu.memory_space<hbm>>) target(%arg9 : memref<16xi32, #tpu.memory_space<vmem>>) target_semaphore(%run_scoped3A : memref<!tpu.dma_semaphore, #tpu.memory_space<semaphore_mem>>)
      %dma_wait3A_110 = tpu.memref_slice %arg4[%add3A_64] : memref<320000xi32, #tpu.memory_space<hbm>> -> memref<16xi32, #tpu.memory_space<hbm>>
      %dma_wait3A_111 = tpu.memref_slice %arg4[%add3A_64] : memref<320000xi32, #tpu.memory_space<hbm>> -> memref<16xi32, #tpu.memory_space<hbm>>
      tpu.wait_dma2 semaphore(%run_scoped3A : memref<!tpu.dma_semaphore, #tpu.memory_space<semaphore_mem>>) src(%dma_wait3A_111 : memref<16xi32, #tpu.memory_space<hbm>>) dst(%arg9 : memref<16xi32, #tpu.memory_space<vmem>>)
      tpu.yield
    }) : () -> ()
    "tpu.region"() ({
      %run_scoped3A = tpu.sem_alloc : memref<!tpu.dma_semaphore, #tpu.memory_space<semaphore_mem>>
      %dma_start3A_108 = tpu.memref_slice %arg5[%add3A_64] : memref<320000xi32, #tpu.memory_space<hbm>> -> memref<16xi32, #tpu.memory_space<hbm>>
      %dma_start3A_109 = tpu.memref_slice %arg5[%add3A_64] : memref<320000xi32, #tpu.memory_space<hbm>> -> memref<16xi32, #tpu.memory_space<hbm>>
      tpu.enqueue_dma source(%dma_start3A_109 : memref<16xi32, #tpu.memory_space<hbm>>) target(%arg10 : memref<16xi32, #tpu.memory_space<vmem>>) target_semaphore(%run_scoped3A : memref<!tpu.dma_semaphore, #tpu.memory_space<semaphore_mem>>)
      %dma_wait3A_110 = tpu.memref_slice %arg5[%add3A_64] : memref<320000xi32, #tpu.memory_space<hbm>> -> memref<16xi32, #tpu.memory_space<hbm>>
      %dma_wait3A_111 = tpu.memref_slice %arg5[%add3A_64] : memref<320000xi32, #tpu.memory_space<hbm>> -> memref<16xi32, #tpu.memory_space<hbm>>
      tpu.wait_dma2 semaphore(%run_scoped3A : memref<!tpu.dma_semaphore, #tpu.memory_space<semaphore_mem>>) src(%dma_wait3A_111 : memref<16xi32, #tpu.memory_space<hbm>>) dst(%arg10 : memref<16xi32, #tpu.memory_space<vmem>>)
      tpu.yield
    }) : () -> ()
    %dma_start3A_65 = arith.constant 0 : i32
    %dma_start3A_66 = arith.constant 0 : i32
    %dma_start3A_67 = tpu.memref_slice %arg11[%dma_start3A_65, %dma_start3A_66] : memref<128x128xf32, #tpu.memory_space<vmem>> -> memref<16x128xf32, #tpu.memory_space<vmem>>
    %dma_start3A_68 = arith.constant 0 : i32
    %dma_start3A_69 = arith.constant 0 : i32
    %dma_start3A_70 = tpu.memref_slice %arg2[%dma_start3A_68, %dma_start3A_69] : memref<10000x128xf32, #tpu.memory_space<hbm>> -> memref<10000x128xf32, #tpu.memory_space<hbm>>
    tpu.enqueue_indirect_dma source(%dma_start3A_70 : memref<10000x128xf32, #tpu.memory_space<hbm>>) target(%dma_start3A_67 : memref<16x128xf32, #tpu.memory_space<vmem>>) offsets(%arg9 : memref<16xi32, #tpu.memory_space<vmem>>) semaphore(%arg16 : memref<!tpu.dma_semaphore, #tpu.memory_space<semaphore_mem>>)
    %dma_start3A_71 = arith.constant 0 : i32
    %dma_start3A_72 = arith.constant 0 : i32
    %dma_start3A_73 = tpu.memref_slice %arg12[%dma_start3A_71, %dma_start3A_72] : memref<128x128xf32, #tpu.memory_space<vmem>> -> memref<16x128xf32, #tpu.memory_space<vmem>>
    %dma_start3A_74 = arith.constant 0 : i32
    %dma_start3A_75 = tpu.memref_slice %arg3[%add3A_64, %dma_start3A_74] : memref<320000x128xf32, #tpu.memory_space<hbm>> -> memref<16x128xf32, #tpu.memory_space<hbm>>
    %dma_start3A_76 = arith.constant 0 : i32
    %dma_start3A_77 = arith.constant 0 : i32
    %dma_start3A_78 = tpu.memref_slice %arg12[%dma_start3A_76, %dma_start3A_77] : memref<128x128xf32, #tpu.memory_space<vmem>> -> memref<16x128xf32, #tpu.memory_space<vmem>>
    %dma_start3A_79 = arith.constant 0 : i32
    %dma_start3A_80 = tpu.memref_slice %arg3[%add3A_64, %dma_start3A_79] : memref<320000x128xf32, #tpu.memory_space<hbm>> -> memref<16x128xf32, #tpu.memory_space<hbm>>
    tpu.enqueue_dma source(%dma_start3A_80 : memref<16x128xf32, #tpu.memory_space<hbm>>) target(%dma_start3A_78 : memref<16x128xf32, #tpu.memory_space<vmem>>) target_semaphore(%arg17 : memref<!tpu.dma_semaphore, #tpu.memory_space<semaphore_mem>>)
    %dma_wait3A = arith.constant 0 : i32
    %dma_wait3A_81 = arith.constant 0 : i32
    %dma_wait3A_82 = tpu.memref_slice %arg12[%dma_wait3A, %dma_wait3A_81] : memref<128x128xf32, #tpu.memory_space<vmem>> -> memref<16x128xf32, #tpu.memory_space<vmem>>
    %dma_wait3A_83 = arith.constant 0 : i32
    %dma_wait3A_84 = tpu.memref_slice %arg3[%add3A_64, %dma_wait3A_83] : memref<320000x128xf32, #tpu.memory_space<hbm>> -> memref<16x128xf32, #tpu.memory_space<hbm>>
    %dma_wait3A_85 = arith.constant 0 : i32
    %dma_wait3A_86 = arith.constant 0 : i32
    %dma_wait3A_87 = tpu.memref_slice %arg12[%dma_wait3A_85, %dma_wait3A_86] : memref<128x128xf32, #tpu.memory_space<vmem>> -> memref<16x128xf32, #tpu.memory_space<vmem>>
    %dma_wait3A_88 = arith.constant 0 : i32
    %dma_wait3A_89 = tpu.memref_slice %arg3[%add3A_64, %dma_wait3A_88] : memref<320000x128xf32, #tpu.memory_space<hbm>> -> memref<16x128xf32, #tpu.memory_space<hbm>>
    tpu.wait_dma2 semaphore(%arg17 : memref<!tpu.dma_semaphore, #tpu.memory_space<semaphore_mem>>) src(%dma_wait3A_89 : memref<16x128xf32, #tpu.memory_space<hbm>>) dst(%dma_wait3A_87 : memref<16x128xf32, #tpu.memory_space<vmem>>)
    %dma_wait3A_90 = arith.constant 0 : i32
    %dma_wait3A_91 = arith.constant 0 : i32
    %dma_wait3A_92 = tpu.memref_slice %arg11[%dma_wait3A_90, %dma_wait3A_91] : memref<128x128xf32, #tpu.memory_space<vmem>> -> memref<16x128xf32, #tpu.memory_space<vmem>>
    %dma_wait3A_93 = arith.constant 0 : i32
    %dma_wait3A_94 = arith.constant 0 : i32
    %dma_wait3A_95 = tpu.memref_slice %arg2[%dma_wait3A_93, %dma_wait3A_94] : memref<10000x128xf32, #tpu.memory_space<hbm>> -> memref<10000x128xf32, #tpu.memory_space<hbm>>
    tpu.wait_indirect_dma semaphore(%arg16 : memref<!tpu.dma_semaphore, #tpu.memory_space<semaphore_mem>>) src(%dma_wait3A_95 : memref<10000x128xf32, #tpu.memory_space<hbm>>) dst(%dma_wait3A_92 : memref<16x128xf32, #tpu.memory_space<vmem>>)
    %parallel_loop3A = arith.constant 0 : i32
    %parallel_loop3A_96 = arith.constant 16 : i32
    %parallel_loop3A_97 = arith.constant 1 : i32
    scf.for %parallel_loop3A_108 = %parallel_loop3A to %parallel_loop3A_96 step %parallel_loop3A_97  : i32 {
      %parallel_loop3A_109 = arith.index_cast %parallel_loop3A_108 : i32 to index
      %parallel_loop3A_110 = arith.constant 0 : index
      %parallel_loop3A_111 = tpu.vector_load %arg11[%parallel_loop3A_109, %parallel_loop3A_110] {strides = array<i32>} : memref<128x128xf32, #tpu.memory_space<vmem>>, vector<1x16xf32>,
      %parallel_loop3A_112 = vector.shape_cast %parallel_loop3A_111 : vector<1x16xf32> to vector<16xf32>
      %parallel_loop3A_113 = arith.index_cast %parallel_loop3A_108 : i32 to index
      %parallel_loop3A_114 = arith.constant 0 : index
      %parallel_loop3A_115 = tpu.vector_load %arg12[%parallel_loop3A_113, %parallel_loop3A_114] {strides = array<i32>} : memref<128x128xf32, #tpu.memory_space<vmem>>, vector<1x16xf32>,
      %parallel_loop3A_116 = vector.shape_cast %parallel_loop3A_115 : vector<1x16xf32> to vector<16xf32>
      %parallel_loop3A_117 = arith.addf %parallel_loop3A_112, %parallel_loop3A_116 : vector<16xf32>
      %parallel_loop3A_118 = arith.constant 0.000000e+00 : f32
      %parallel_loop3A_119 = vector.broadcast %parallel_loop3A_118 : f32 to vector<16xf32>
      %parallel_loop3A_120 = arith.maximumf %parallel_loop3A_117, %parallel_loop3A_119 : vector<16xf32>
      %parallel_loop3A_121 = arith.index_cast %parallel_loop3A_108 : i32 to index
      %parallel_loop3A_122 = arith.constant 0 : index
      %parallel_loop3A_123 = tpu.vector_load %arg11[%parallel_loop3A_121, %parallel_loop3A_122] {strides = array<i32>} : memref<128x128xf32, #tpu.memory_space<vmem>>, vector<1x16xf32>,
      %parallel_loop3A_124 = vector.shape_cast %parallel_loop3A_123 : vector<1x16xf32> to vector<16xf32>
      %parallel_loop3A_125 = vector.shape_cast %parallel_loop3A_120 : vector<16xf32> to vector<1x16xf32>
      tpu.vector_store %arg11[%parallel_loop3A_121, %parallel_loop3A_122], %parallel_loop3A_125 {strides = array<i32>} : memref<128x128xf32, #tpu.memory_space<vmem>>, vector<1x16xf32>,
      %parallel_loop3A_126 = arith.index_cast %parallel_loop3A_108 : i32 to index
      %parallel_loop3A_127 = arith.constant 16 : index
      %parallel_loop3A_128 = tpu.vector_load %arg11[%parallel_loop3A_126, %parallel_loop3A_127] {strides = array<i32>} : memref<128x128xf32, #tpu.memory_space<vmem>>, vector<1x16xf32>,
      %parallel_loop3A_129 = vector.shape_cast %parallel_loop3A_128 : vector<1x16xf32> to vector<16xf32>
      %parallel_loop3A_130 = arith.index_cast %parallel_loop3A_108 : i32 to index
      %parallel_loop3A_131 = arith.constant 16 : index
      %parallel_loop3A_132 = tpu.vector_load %arg12[%parallel_loop3A_130, %parallel_loop3A_131] {strides = array<i32>} : memref<128x128xf32, #tpu.memory_space<vmem>>, vector<1x16xf32>,
      %parallel_loop3A_133 = vector.shape_cast %parallel_loop3A_132 : vector<1x16xf32> to vector<16xf32>
      %parallel_loop3A_134 = arith.addf %parallel_loop3A_129, %parallel_loop3A_133 : vector<16xf32>
      %parallel_loop3A_135 = arith.constant 0.000000e+00 : f32
      %parallel_loop3A_136 = vector.broadcast %parallel_loop3A_135 : f32 to vector<16xf32>
      %parallel_loop3A_137 = arith.maximumf %parallel_loop3A_134, %parallel_loop3A_136 : vector<16xf32>
      %parallel_loop3A_138 = arith.index_cast %parallel_loop3A_108 : i32 to index
      %parallel_loop3A_139 = arith.constant 16 : index
      %parallel_loop3A_140 = tpu.vector_load %arg11[%parallel_loop3A_138, %parallel_loop3A_139] {strides = array<i32>} : memref<128x128xf32, #tpu.memory_space<vmem>>, vector<1x16xf32>,
      %parallel_loop3A_141 = vector.shape_cast %parallel_loop3A_140 : vector<1x16xf32> to vector<16xf32>
      %parallel_loop3A_142 = vector.shape_cast %parallel_loop3A_137 : vector<16xf32> to vector<1x16xf32>
      tpu.vector_store %arg11[%parallel_loop3A_138, %parallel_loop3A_139], %parallel_loop3A_142 {strides = array<i32>} : memref<128x128xf32, #tpu.memory_space<vmem>>, vector<1x16xf32>,
      %parallel_loop3A_143 = arith.index_cast %parallel_loop3A_108 : i32 to index
      %parallel_loop3A_144 = arith.constant 32 : index
      %parallel_loop3A_145 = tpu.vector_load %arg11[%parallel_loop3A_143, %parallel_loop3A_144] {strides = array<i32>} : memref<128x128xf32, #tpu.memory_space<vmem>>, vector<1x16xf32>,
      %parallel_loop3A_146 = vector.shape_cast %parallel_loop3A_145 : vector<1x16xf32> to vector<16xf32>
      %parallel_loop3A_147 = arith.index_cast %parallel_loop3A_108 : i32 to index
      %parallel_loop3A_148 = arith.constant 32 : index
      %parallel_loop3A_149 = tpu.vector_load %arg12[%parallel_loop3A_147, %parallel_loop3A_148] {strides = array<i32>} : memref<128x128xf32, #tpu.memory_space<vmem>>, vector<1x16xf32>,
      %parallel_loop3A_150 = vector.shape_cast %parallel_loop3A_149 : vector<1x16xf32> to vector<16xf32>
      %parallel_loop3A_151 = arith.addf %parallel_loop3A_146, %parallel_loop3A_150 : vector<16xf32>
      %parallel_loop3A_152 = arith.constant 0.000000e+00 : f32
      %parallel_loop3A_153 = vector.broadcast %parallel_loop3A_152 : f32 to vector<16xf32>
      %parallel_loop3A_154 = arith.maximumf %parallel_loop3A_151, %parallel_loop3A_153 : vector<16xf32>
      %parallel_loop3A_155 = arith.index_cast %parallel_loop3A_108 : i32 to index
      %parallel_loop3A_156 = arith.constant 32 : index
      %parallel_loop3A_157 = tpu.vector_load %arg11[%parallel_loop3A_155, %parallel_loop3A_156] {strides = array<i32>} : memref<128x128xf32, #tpu.memory_space<vmem>>, vector<1x16xf32>,
      %parallel_loop3A_158 = vector.shape_cast %parallel_loop3A_157 : vector<1x16xf32> to vector<16xf32>
      %parallel_loop3A_159 = vector.shape_cast %parallel_loop3A_154 : vector<16xf32> to vector<1x16xf32>
      tpu.vector_store %arg11[%parallel_loop3A_155, %parallel_loop3A_156], %parallel_loop3A_159 {strides = array<i32>} : memref<128x128xf32, #tpu.memory_space<vmem>>, vector<1x16xf32>,
      %parallel_loop3A_160 = arith.index_cast %parallel_loop3A_108 : i32 to index
      %parallel_loop3A_161 = arith.constant 48 : index
      %parallel_loop3A_162 = tpu.vector_load %arg11[%parallel_loop3A_160, %parallel_loop3A_161] {strides = array<i32>} : memref<128x128xf32, #tpu.memory_space<vmem>>, vector<1x16xf32>,
      %parallel_loop3A_163 = vector.shape_cast %parallel_loop3A_162 : vector<1x16xf32> to vector<16xf32>
      %parallel_loop3A_164 = arith.index_cast %parallel_loop3A_108 : i32 to index
      %parallel_loop3A_165 = arith.constant 48 : index
      %parallel_loop3A_166 = tpu.vector_load %arg12[%parallel_loop3A_164, %parallel_loop3A_165] {strides = array<i32>} : memref<128x128xf32, #tpu.memory_space<vmem>>, vector<1x16xf32>,
      %parallel_loop3A_167 = vector.shape_cast %parallel_loop3A_166 : vector<1x16xf32> to vector<16xf32>
      %parallel_loop3A_168 = arith.addf %parallel_loop3A_163, %parallel_loop3A_167 : vector<16xf32>
      %parallel_loop3A_169 = arith.constant 0.000000e+00 : f32
      %parallel_loop3A_170 = vector.broadcast %parallel_loop3A_169 : f32 to vector<16xf32>
      %parallel_loop3A_171 = arith.maximumf %parallel_loop3A_168, %parallel_loop3A_170 : vector<16xf32>
      %parallel_loop3A_172 = arith.index_cast %parallel_loop3A_108 : i32 to index
      %parallel_loop3A_173 = arith.constant 48 : index
      %parallel_loop3A_174 = tpu.vector_load %arg11[%parallel_loop3A_172, %parallel_loop3A_173] {strides = array<i32>} : memref<128x128xf32, #tpu.memory_space<vmem>>, vector<1x16xf32>,
      %parallel_loop3A_175 = vector.shape_cast %parallel_loop3A_174 : vector<1x16xf32> to vector<16xf32>
      %parallel_loop3A_176 = vector.shape_cast %parallel_loop3A_171 : vector<16xf32> to vector<1x16xf32>
      tpu.vector_store %arg11[%parallel_loop3A_172, %parallel_loop3A_173], %parallel_loop3A_176 {strides = array<i32>} : memref<128x128xf32, #tpu.memory_space<vmem>>, vector<1x16xf32>,
      %parallel_loop3A_177 = arith.index_cast %parallel_loop3A_108 : i32 to index
      %parallel_loop3A_178 = arith.constant 64 : index
      %parallel_loop3A_179 = tpu.vector_load %arg11[%parallel_loop3A_177, %parallel_loop3A_178] {strides = array<i32>} : memref<128x128xf32, #tpu.memory_space<vmem>>, vector<1x16xf32>,
      %parallel_loop3A_180 = vector.shape_cast %parallel_loop3A_179 : vector<1x16xf32> to vector<16xf32>
      %parallel_loop3A_181 = arith.index_cast %parallel_loop3A_108 : i32 to index
      %parallel_loop3A_182 = arith.constant 64 : index
      %parallel_loop3A_183 = tpu.vector_load %arg12[%parallel_loop3A_181, %parallel_loop3A_182] {strides = array<i32>} : memref<128x128xf32, #tpu.memory_space<vmem>>, vector<1x16xf32>,
      %parallel_loop3A_184 = vector.shape_cast %parallel_loop3A_183 : vector<1x16xf32> to vector<16xf32>
      %parallel_loop3A_185 = arith.addf %parallel_loop3A_180, %parallel_loop3A_184 : vector<16xf32>
      %parallel_loop3A_186 = arith.constant 0.000000e+00 : f32
      %parallel_loop3A_187 = vector.broadcast %parallel_loop3A_186 : f32 to vector<16xf32>
      %parallel_loop3A_188 = arith.maximumf %parallel_loop3A_185, %parallel_loop3A_187 : vector<16xf32>
      %parallel_loop3A_189 = arith.index_cast %parallel_loop3A_108 : i32 to index
      %parallel_loop3A_190 = arith.constant 64 : index
      %parallel_loop3A_191 = tpu.vector_load %arg11[%parallel_loop3A_189, %parallel_loop3A_190] {strides = array<i32>} : memref<128x128xf32, #tpu.memory_space<vmem>>, vector<1x16xf32>,
      %parallel_loop3A_192 = vector.shape_cast %parallel_loop3A_191 : vector<1x16xf32> to vector<16xf32>
      %parallel_loop3A_193 = vector.shape_cast %parallel_loop3A_188 : vector<16xf32> to vector<1x16xf32>
      tpu.vector_store %arg11[%parallel_loop3A_189, %parallel_loop3A_190], %parallel_loop3A_193 {strides = array<i32>} : memref<128x128xf32, #tpu.memory_space<vmem>>, vector<1x16xf32>,
      %parallel_loop3A_194 = arith.index_cast %parallel_loop3A_108 : i32 to index
      %parallel_loop3A_195 = arith.constant 80 : index
      %parallel_loop3A_196 = tpu.vector_load %arg11[%parallel_loop3A_194, %parallel_loop3A_195] {strides = array<i32>} : memref<128x128xf32, #tpu.memory_space<vmem>>, vector<1x16xf32>,
      %parallel_loop3A_197 = vector.shape_cast %parallel_loop3A_196 : vector<1x16xf32> to vector<16xf32>
      %parallel_loop3A_198 = arith.index_cast %parallel_loop3A_108 : i32 to index
      %parallel_loop3A_199 = arith.constant 80 : index
      %parallel_loop3A_200 = tpu.vector_load %arg12[%parallel_loop3A_198, %parallel_loop3A_199] {strides = array<i32>} : memref<128x128xf32, #tpu.memory_space<vmem>>, vector<1x16xf32>,
      %parallel_loop3A_201 = vector.shape_cast %parallel_loop3A_200 : vector<1x16xf32> to vector<16xf32>
      %parallel_loop3A_202 = arith.addf %parallel_loop3A_197, %parallel_loop3A_201 : vector<16xf32>
      %parallel_loop3A_203 = arith.constant 0.000000e+00 : f32
      %parallel_loop3A_204 = vector.broadcast %parallel_loop3A_203 : f32 to vector<16xf32>
      %parallel_loop3A_205 = arith.maximumf %parallel_loop3A_202, %parallel_loop3A_204 : vector<16xf32>
      %parallel_loop3A_206 = arith.index_cast %parallel_loop3A_108 : i32 to index
      %parallel_loop3A_207 = arith.constant 80 : index
      %parallel_loop3A_208 = tpu.vector_load %arg11[%parallel_loop3A_206, %parallel_loop3A_207] {strides = array<i32>} : memref<128x128xf32, #tpu.memory_space<vmem>>, vector<1x16xf32>,
      %parallel_loop3A_209 = vector.shape_cast %parallel_loop3A_208 : vector<1x16xf32> to vector<16xf32>
      %parallel_loop3A_210 = vector.shape_cast %parallel_loop3A_205 : vector<16xf32> to vector<1x16xf32>
      tpu.vector_store %arg11[%parallel_loop3A_206, %parallel_loop3A_207], %parallel_loop3A_210 {strides = array<i32>} : memref<128x128xf32, #tpu.memory_space<vmem>>, vector<1x16xf32>,
      %parallel_loop3A_211 = arith.index_cast %parallel_loop3A_108 : i32 to index
      %parallel_loop3A_212 = arith.constant 96 : index
      %parallel_loop3A_213 = tpu.vector_load %arg11[%parallel_loop3A_211, %parallel_loop3A_212] {strides = array<i32>} : memref<128x128xf32, #tpu.memory_space<vmem>>, vector<1x16xf32>,
      %parallel_loop3A_214 = vector.shape_cast %parallel_loop3A_213 : vector<1x16xf32> to vector<16xf32>
      %parallel_loop3A_215 = arith.index_cast %parallel_loop3A_108 : i32 to index
      %parallel_loop3A_216 = arith.constant 96 : index
      %parallel_loop3A_217 = tpu.vector_load %arg12[%parallel_loop3A_215, %parallel_loop3A_216] {strides = array<i32>} : memref<128x128xf32, #tpu.memory_space<vmem>>, vector<1x16xf32>,
      %parallel_loop3A_218 = vector.shape_cast %parallel_loop3A_217 : vector<1x16xf32> to vector<16xf32>
      %parallel_loop3A_219 = arith.addf %parallel_loop3A_214, %parallel_loop3A_218 : vector<16xf32>
      %parallel_loop3A_220 = arith.constant 0.000000e+00 : f32
      %parallel_loop3A_221 = vector.broadcast %parallel_loop3A_220 : f32 to vector<16xf32>
      %parallel_loop3A_222 = arith.maximumf %parallel_loop3A_219, %parallel_loop3A_221 : vector<16xf32>
      %parallel_loop3A_223 = arith.index_cast %parallel_loop3A_108 : i32 to index
      %parallel_loop3A_224 = arith.constant 96 : index
      %parallel_loop3A_225 = tpu.vector_load %arg11[%parallel_loop3A_223, %parallel_loop3A_224] {strides = array<i32>} : memref<128x128xf32, #tpu.memory_space<vmem>>, vector<1x16xf32>,
      %parallel_loop3A_226 = vector.shape_cast %parallel_loop3A_225 : vector<1x16xf32> to vector<16xf32>
      %parallel_loop3A_227 = vector.shape_cast %parallel_loop3A_222 : vector<16xf32> to vector<1x16xf32>
      tpu.vector_store %arg11[%parallel_loop3A_223, %parallel_loop3A_224], %parallel_loop3A_227 {strides = array<i32>} : memref<128x128xf32, #tpu.memory_space<vmem>>, vector<1x16xf32>,
      %parallel_loop3A_228 = arith.index_cast %parallel_loop3A_108 : i32 to index
      %parallel_loop3A_229 = arith.constant 112 : index
      %parallel_loop3A_230 = tpu.vector_load %arg11[%parallel_loop3A_228, %parallel_loop3A_229] {strides = array<i32>} : memref<128x128xf32, #tpu.memory_space<vmem>>, vector<1x16xf32>,
      %parallel_loop3A_231 = vector.shape_cast %parallel_loop3A_230 : vector<1x16xf32> to vector<16xf32>
      %parallel_loop3A_232 = arith.index_cast %parallel_loop3A_108 : i32 to index
      %parallel_loop3A_233 = arith.constant 112 : index
      %parallel_loop3A_234 = tpu.vector_load %arg12[%parallel_loop3A_232, %parallel_loop3A_233] {strides = array<i32>} : memref<128x128xf32, #tpu.memory_space<vmem>>, vector<1x16xf32>,
      %parallel_loop3A_235 = vector.shape_cast %parallel_loop3A_234 : vector<1x16xf32> to vector<16xf32>
      %parallel_loop3A_236 = arith.addf %parallel_loop3A_231, %parallel_loop3A_235 : vector<16xf32>
      %parallel_loop3A_237 = arith.constant 0.000000e+00 : f32
      %parallel_loop3A_238 = vector.broadcast %parallel_loop3A_237 : f32 to vector<16xf32>
      %parallel_loop3A_239 = arith.maximumf %parallel_loop3A_236, %parallel_loop3A_238 : vector<16xf32>
      %parallel_loop3A_240 = arith.index_cast %parallel_loop3A_108 : i32 to index
      %parallel_loop3A_241 = arith.constant 112 : index
      %parallel_loop3A_242 = tpu.vector_load %arg11[%parallel_loop3A_240, %parallel_loop3A_241] {strides = array<i32>} : memref<128x128xf32, #tpu.memory_space<vmem>>, vector<1x16xf32>,
      %parallel_loop3A_243 = vector.shape_cast %parallel_loop3A_242 : vector<1x16xf32> to vector<16xf32>
      %parallel_loop3A_244 = vector.shape_cast %parallel_loop3A_239 : vector<16xf32> to vector<1x16xf32>
      tpu.vector_store %arg11[%parallel_loop3A_240, %parallel_loop3A_241], %parallel_loop3A_244 {strides = array<i32>} : memref<128x128xf32, #tpu.memory_space<vmem>>, vector<1x16xf32>,
    } {sc.loop_unroll_factor = 4 : i64, sc.parallel_access}
    "tpu.region"() ({
      %run_scoped3A = tpu.sem_alloc : memref<!tpu.dma_semaphore, #tpu.memory_space<semaphore_mem>>
      %dma_start3A_108 = arith.constant 0 : i32
      %dma_start3A_109 = arith.constant 0 : i32
      %dma_start3A_110 = tpu.memref_slice %arg11[%dma_start3A_108, %dma_start3A_109] : memref<128x128xf32, #tpu.memory_space<vmem>> -> memref<16x128xf32, #tpu.memory_space<vmem>>
      %dma_start3A_111 = arith.constant 0 : i32
      %dma_start3A_112 = arith.constant 0 : i32
      %dma_start3A_113 = tpu.memref_slice %arg13[%dma_start3A_111, %dma_start3A_112] : memref<10000x128xf32, #tpu.memory_space<vmem_shared>> -> memref<10000x128xf32, #tpu.memory_space<vmem_shared>>
      tpu.enqueue_indirect_dma source(%dma_start3A_110 : memref<16x128xf32, #tpu.memory_space<vmem>>) target(%dma_start3A_113 : memref<10000x128xf32, #tpu.memory_space<vmem_shared>>) offsets(%arg10 : memref<16xi32, #tpu.memory_space<vmem>>) semaphore(%run_scoped3A : memref<!tpu.dma_semaphore, #tpu.memory_space<semaphore_mem>>) {add = true}
      %dma_wait3A_114 = arith.constant 0 : i32
      %dma_wait3A_115 = arith.constant 0 : i32
      %dma_wait3A_116 = tpu.memref_slice %arg11[%dma_wait3A_114, %dma_wait3A_115] : memref<128x128xf32, #tpu.memory_space<vmem>> -> memref<16x128xf32, #tpu.memory_space<vmem>>
      %dma_wait3A_117 = arith.constant 0 : i32
      %dma_wait3A_118 = arith.constant 0 : i32
      %dma_wait3A_119 = tpu.memref_slice %arg13[%dma_wait3A_117, %dma_wait3A_118] : memref<10000x128xf32, #tpu.memory_space<vmem_shared>> -> memref<10000x128xf32, #tpu.memory_space<vmem_shared>>
      tpu.wait_indirect_dma semaphore(%run_scoped3A : memref<!tpu.dma_semaphore, #tpu.memory_space<semaphore_mem>>) src(%dma_wait3A_116 : memref<16x128xf32, #tpu.memory_space<vmem>>) dst(%dma_wait3A_119 : memref<10000x128xf32, #tpu.memory_space<vmem_shared>>)
      tpu.yield
    }) : () -> ()
    %barrier3A_98 = arith.constant 0 : index
    tpu.barrier barrier_id(%barrier3A_98)
    %mul3A_99 = arith.constant 624 : i32
    %mul3A_100 = arith.muli %arg1, %mul3A_99 : i32
    %mul3A_101 = arith.constant 624 : i32
    %mul3A_102 = arith.muli %arg1, %mul3A_101 : i32
    "tpu.region"() ({
      %run_scoped3A = tpu.sem_alloc : memref<!tpu.dma_semaphore, #tpu.memory_space<semaphore_mem>>
      %dma_start3A_108 = arith.constant 0 : i32
      %dma_start3A_109 = tpu.memref_slice %arg6[%arg0, %mul3A_102, %dma_start3A_108] : memref<2x10000x128xf32, #tpu.memory_space<hbm>> -> memref<1x624x128xf32, #tpu.memory_space<hbm>>
      %dma_start3A_110 = tpu.memref_squeeze %dma_start3A_109 : memref<1x624x128xf32, #tpu.memory_space<hbm>> -> memref<624x128xf32, #tpu.memory_space<hbm>>
      %dma_start3A_111 = arith.constant 0 : i32
      %dma_start3A_112 = tpu.memref_slice %arg13[%mul3A_100, %dma_start3A_111] : memref<10000x128xf32, #tpu.memory_space<vmem_shared>> -> memref<624x128xf32, #tpu.memory_space<vmem_shared>>
      tpu.enqueue_dma source(%dma_start3A_112 : memref<624x128xf32, #tpu.memory_space<vmem_shared>>) target(%dma_start3A_110 : memref<624x128xf32, #tpu.memory_space<hbm>>) target_semaphore(%run_scoped3A : memref<!tpu.dma_semaphore, #tpu.memory_space<semaphore_mem>>)
      %dma_wait3A_113 = arith.constant 0 : i32
      %dma_wait3A_114 = tpu.memref_slice %arg6[%arg0, %mul3A_102, %dma_wait3A_113] : memref<2x10000x128xf32, #tpu.memory_space<hbm>> -> memref<1x624x128xf32, #tpu.memory_space<hbm>>
      %dma_wait3A_115 = tpu.memref_squeeze %dma_wait3A_114 : memref<1x624x128xf32, #tpu.memory_space<hbm>> -> memref<624x128xf32, #tpu.memory_space<hbm>>
      %dma_wait3A_116 = arith.constant 0 : i32
      %dma_wait3A_117 = tpu.memref_slice %arg13[%mul3A_100, %dma_wait3A_116] : memref<10000x128xf32, #tpu.memory_space<vmem_shared>> -> memref<624x128xf32, #tpu.memory_space<vmem_shared>>
      tpu.wait_dma2 semaphore(%run_scoped3A : memref<!tpu.dma_semaphore, #tpu.memory_space<semaphore_mem>>) src(%dma_wait3A_117 : memref<624x128xf32, #tpu.memory_space<vmem_shared>>) dst(%dma_wait3A_115 : memref<624x128xf32, #tpu.memory_space<hbm>>)
      tpu.yield
    }) : () -> ()
    %eq3A_103 = arith.constant 15 : i32
    %eq3A_104 = arith.cmpi eq, %arg1, %eq3A_103 : i32
    %convert_element_type3A_105 = arith.extui %eq3A_104 : i1 to i32
    %cond3A_106 = arith.constant 0 : i32
    %cond3A_107 = arith.cmpi ne, %convert_element_type3A_105, %cond3A_106 : i32
    scf.if %cond3A_107 {
      "tpu.region"() ({
        %run_scoped3A = tpu.sem_alloc : memref<!tpu.dma_semaphore, #tpu.memory_space<semaphore_mem>>
        %dma_start3A_108 = arith.constant 9984 : i32
        %dma_start3A_109 = arith.constant 0 : i32
        %dma_start3A_110 = tpu.memref_slice %arg6[%arg0, %dma_start3A_108, %dma_start3A_109] : memref<2x10000x128xf32, #tpu.memory_space<hbm>> -> memref<1x16x128xf32, #tpu.memory_space<hbm>>
        %dma_start3A_111 = tpu.memref_squeeze %dma_start3A_110 : memref<1x16x128xf32, #tpu.memory_space<hbm>> -> memref<16x128xf32, #tpu.memory_space<hbm>>
        %dma_start3A_112 = arith.constant 9984 : i32
        %dma_start3A_113 = arith.constant 0 : i32
        %dma_start3A_114 = tpu.memref_slice %arg13[%dma_start3A_112, %dma_start3A_113] : memref<10000x128xf32, #tpu.memory_space<vmem_shared>> -> memref<16x128xf32, #tpu.memory_space<vmem_shared>>
        tpu.enqueue_dma source(%dma_start3A_114 : memref<16x128xf32, #tpu.memory_space<vmem_shared>>) target(%dma_start3A_111 : memref<16x128xf32, #tpu.memory_space<hbm>>) target_semaphore(%run_scoped3A : memref<!tpu.dma_semaphore, #tpu.memory_space<semaphore_mem>>)
        %dma_wait3A_115 = arith.constant 9984 : i32
        %dma_wait3A_116 = arith.constant 0 : i32
        %dma_wait3A_117 = tpu.memref_slice %arg6[%arg0, %dma_wait3A_115, %dma_wait3A_116] : memref<2x10000x128xf32, #tpu.memory_space<hbm>> -> memref<1x16x128xf32, #tpu.memory_space<hbm>>
        %dma_wait3A_118 = tpu.memref_squeeze %dma_wait3A_117 : memref<1x16x128xf32, #tpu.memory_space<hbm>> -> memref<16x128xf32, #tpu.memory_space<hbm>>
        %dma_wait3A_119 = arith.constant 9984 : i32
        %dma_wait3A_120 = arith.constant 0 : i32
        %dma_wait3A_121 = tpu.memref_slice %arg13[%dma_wait3A_119, %dma_wait3A_120] : memref<10000x128xf32, #tpu.memory_space<vmem_shared>> -> memref<16x128xf32, #tpu.memory_space<vmem_shared>>
        tpu.wait_dma2 semaphore(%run_scoped3A : memref<!tpu.dma_semaphore, #tpu.memory_space<semaphore_mem>>) src(%dma_wait3A_121 : memref<16x128xf32, #tpu.memory_space<vmem_shared>>) dst(%dma_wait3A_118 : memref<16x128xf32, #tpu.memory_space<hbm>>)
        tpu.yield
      }) : () -> ()
    } else {
    }
    return
  }
}

module attributes {stable_mosaic.version = 14 : i64} {
  func.func @_edge_proj_body(%arg0: i32, %arg1: memref<4000x16xf32, #tpu.memory_space<vmem>>, %arg2: memref<16x128xf32, #tpu.memory_space<vmem>>, %arg3: memref<4000x128xf32, #tpu.memory_space<vmem>>) attributes {dimension_semantics = [#tpu.dimension_semantics<arbitrary>], iteration_bounds = array<i64: 80>, scalar_prefetch = 0 : i64, scratch_operands = 0 : i64, tpu.core_type = #tpu.core_type<tc>, window_params = [{transform_indices = @transform_0, window_bounds = array<i64: 4000, 16>}, {pipeline_mode = #tpu.pipeline_mode<synchronous>, transform_indices = @transform_1, window_bounds = array<i64: 16, 128>}, {transform_indices = @transform_2, window_bounds = array<i64: 4000, 128>}]} {
    %get3A = arith.constant 0 : index
    %get3A_0 = arith.constant 0 : index
    %get3A_1 = vector.load %arg1[%get3A, %get3A_0] : memref<4000x16xf32, #tpu.memory_space<vmem>>, vector<4000x16xf32>
    %get3A_2 = arith.constant 0 : index
    %get3A_3 = arith.constant 0 : index
    %get3A_4 = vector.load %arg2[%get3A_2, %get3A_3] : memref<16x128xf32, #tpu.memory_space<vmem>>, vector<16x128xf32>
    %dot_general3A = arith.constant dense<0.000000e+00> : vector<4000x128xf32>
    %dot_general3A_5 = tpu.matmul %get3A_1, %get3A_4, %dot_general3A {dimension_numbers = #tpu.dot_dimension_numbers<[1], [0], [0], [1], [0, 0, 1, 1], [], []>, transpose_lhs_hint = false} : vector<4000x16xf32>, vector<16x128xf32>, vector<4000x128xf32> -> vector<4000x128xf32>
    %swap3A = arith.constant 0 : index
    %swap3A_6 = arith.constant 0 : index
    %swap3A_7 = vector.load %arg3[%swap3A, %swap3A_6] : memref<4000x128xf32, #tpu.memory_space<vmem>>, vector<4000x128xf32>
    tpu.vector_store %arg3[%swap3A, %swap3A_6], %dot_general3A_5 {strides = array<i32>} : memref<4000x128xf32, #tpu.memory_space<vmem>>, vector<4000x128xf32>,
    return
  }
  func.func @transform_0(%arg0: i32) -> (i32, i32) {
    %c0_i32 = arith.constant 0 : i32
    %c0_i32_0 = arith.constant 0 : i32
    return %arg0, %c0_i32 : i32, i32
  }
  func.func @transform_1(%arg0: i32) -> (i32, i32) {
    %c0_i32 = arith.constant 0 : i32
    %c0_i32_0 = arith.constant 0 : i32
    %c0_i32_1 = arith.constant 0 : i32
    return %c0_i32, %c0_i32_0 : i32, i32
  }
  func.func @transform_2(%arg0: i32) -> (i32, i32) {
    %c0_i32 = arith.constant 0 : i32
    %c0_i32_0 = arith.constant 0 : i32
    return %arg0, %c0_i32 : i32, i32
  }
}

module attributes {stable_mosaic.version = 14 : i64} {
  func.func @_node_proj_body(%arg0: i32, %arg1: memref<1000x128xf32, #tpu.memory_space<vmem>>, %arg2: memref<128x128xf32, #tpu.memory_space<vmem>>, %arg3: memref<1x128xf32, #tpu.memory_space<vmem>>, %arg4: memref<1000x128xf32, #tpu.memory_space<vmem>>) attributes {dimension_semantics = [#tpu.dimension_semantics<arbitrary>], iteration_bounds = array<i64: 10>, scalar_prefetch = 0 : i64, scratch_operands = 0 : i64, tpu.core_type = #tpu.core_type<tc>, window_params = [{transform_indices = @transform_0, window_bounds = array<i64: 1000, 128>}, {pipeline_mode = #tpu.pipeline_mode<synchronous>, transform_indices = @transform_1, window_bounds = array<i64: 128, 128>}, {pipeline_mode = #tpu.pipeline_mode<synchronous>, transform_indices = @transform_2, window_bounds = array<i64: 1, 128>}, {transform_indices = @transform_3, window_bounds = array<i64: 1000, 128>}]} {
    %get3A = arith.constant 0 : index
    %get3A_0 = arith.constant 0 : index
    %get3A_1 = vector.load %arg1[%get3A, %get3A_0] : memref<1000x128xf32, #tpu.memory_space<vmem>>, vector<1000x128xf32>
    %get3A_2 = arith.constant 0 : index
    %get3A_3 = arith.constant 0 : index
    %get3A_4 = vector.load %arg2[%get3A_2, %get3A_3] : memref<128x128xf32, #tpu.memory_space<vmem>>, vector<128x128xf32>
    %dot_general3A = arith.constant dense<0.000000e+00> : vector<1000x128xf32>
    %dot_general3A_5 = tpu.matmul %get3A_1, %get3A_4, %dot_general3A {dimension_numbers = #tpu.dot_dimension_numbers<[1], [0], [0], [1], [0, 0, 1, 1], [], []>, transpose_lhs_hint = false} : vector<1000x128xf32>, vector<128x128xf32>, vector<1000x128xf32> -> vector<1000x128xf32>
    %get3A_6 = arith.constant 0 : index
    %get3A_7 = arith.constant 0 : index
    %get3A_8 = vector.load %arg3[%get3A_6, %get3A_7] : memref<1x128xf32, #tpu.memory_space<vmem>>, vector<1x128xf32>
    %add3A = vector.broadcast %get3A_8 : vector<1x128xf32> to vector<1000x128xf32>
    %add3A_9 = arith.addf %dot_general3A_5, %add3A : vector<1000x128xf32>
    %swap3A = arith.constant 0 : index
    %swap3A_10 = arith.constant 0 : index
    %swap3A_11 = vector.load %arg4[%swap3A, %swap3A_10] : memref<1000x128xf32, #tpu.memory_space<vmem>>, vector<1000x128xf32>
    tpu.vector_store %arg4[%swap3A, %swap3A_10], %add3A_9 {strides = array<i32>} : memref<1000x128xf32, #tpu.memory_space<vmem>>, vector<1000x128xf32>,
    return
  }
  func.func @transform_0(%arg0: i32) -> (i32, i32) {
    %c0_i32 = arith.constant 0 : i32
    %c0_i32_0 = arith.constant 0 : i32
    return %arg0, %c0_i32 : i32, i32
  }
  func.func @transform_1(%arg0: i32) -> (i32, i32) {
    %c0_i32 = arith.constant 0 : i32
    %c0_i32_0 = arith.constant 0 : i32
    %c0_i32_1 = arith.constant 0 : i32
    return %c0_i32, %c0_i32_0 : i32, i32
  }
  func.func @transform_2(%arg0: i32) -> (i32, i32) {
    %c0_i32 = arith.constant 0 : i32
    %c0_i32_0 = arith.constant 0 : i32
    %c0_i32_1 = arith.constant 0 : i32
    return %c0_i32, %c0_i32_0 : i32, i32
  }
  func.func @transform_3(%arg0: i32) -> (i32, i32) {
    %c0_i32 = arith.constant 0 : i32
    %c0_i32_0 = arith.constant 0 : i32
    return %arg0, %c0_i32 : i32, i32
  }
}

module attributes {stable_mosaic.version = 14 : i64} {
  func.func @_update_body(%arg0: i32, %arg1: memref<2x1000x128xf32, #tpu.memory_space<vmem>>, %arg2: memref<1000x128xf32, #tpu.memory_space<vmem>>, %arg3: memref<128x128xf32, #tpu.memory_space<vmem>>, %arg4: memref<128x128xf32, #tpu.memory_space<vmem>>, %arg5: memref<1x128xf32, #tpu.memory_space<vmem>>, %arg6: memref<1000x128xf32, #tpu.memory_space<vmem>>) attributes {dimension_semantics = [#tpu.dimension_semantics<arbitrary>], iteration_bounds = array<i64: 10>, scalar_prefetch = 0 : i64, scratch_operands = 0 : i64, tpu.core_type = #tpu.core_type<tc>, window_params = [{transform_indices = @transform_0, window_bounds = array<i64: 2, 1000, 128>}, {transform_indices = @transform_1, window_bounds = array<i64: 1000, 128>}, {pipeline_mode = #tpu.pipeline_mode<synchronous>, transform_indices = @transform_2, window_bounds = array<i64: 128, 128>}, {pipeline_mode = #tpu.pipeline_mode<synchronous>, transform_indices = @transform_3, window_bounds = array<i64: 128, 128>}, {pipeline_mode = #tpu.pipeline_mode<synchronous>, transform_indices = @transform_4, window_bounds = array<i64: 1, 128>}, {transform_indices = @transform_5, window_bounds = array<i64: 1000, 128>}]} {
    %get3A = arith.constant 0 : index
    %get3A_0 = arith.constant 0 : index
    %get3A_1 = arith.constant 0 : index
    %get3A_2 = vector.load %arg1[%get3A, %get3A_0, %get3A_1] : memref<2x1000x128xf32, #tpu.memory_space<vmem>>, vector<1x1000x128xf32>
    %get3A_3 = vector.shape_cast %get3A_2 : vector<1x1000x128xf32> to vector<1000x128xf32>
    %get3A_4 = arith.constant 1 : index
    %get3A_5 = arith.constant 0 : index
    %get3A_6 = arith.constant 0 : index
    %get3A_7 = vector.load %arg1[%get3A_4, %get3A_5, %get3A_6] : memref<2x1000x128xf32, #tpu.memory_space<vmem>>, vector<1x1000x128xf32>
    %get3A_8 = vector.shape_cast %get3A_7 : vector<1x1000x128xf32> to vector<1000x128xf32>
    %add3A = arith.addf %get3A_3, %get3A_8 : vector<1000x128xf32>
    %get3A_9 = arith.constant 0 : index
    %get3A_10 = arith.constant 0 : index
    %get3A_11 = vector.load %arg3[%get3A_9, %get3A_10] : memref<128x128xf32, #tpu.memory_space<vmem>>, vector<128x128xf32>
    %dot_general3A = arith.constant dense<0.000000e+00> : vector<1000x128xf32>
    %dot_general3A_12 = tpu.matmul %add3A, %get3A_11, %dot_general3A {dimension_numbers = #tpu.dot_dimension_numbers<[1], [0], [0], [1], [0, 0, 1, 1], [], []>, transpose_lhs_hint = false} : vector<1000x128xf32>, vector<128x128xf32>, vector<1000x128xf32> -> vector<1000x128xf32>
    %get3A_13 = arith.constant 0 : index
    %get3A_14 = arith.constant 0 : index
    %get3A_15 = vector.load %arg2[%get3A_13, %get3A_14] : memref<1000x128xf32, #tpu.memory_space<vmem>>, vector<1000x128xf32>
    %get3A_16 = arith.constant 0 : index
    %get3A_17 = arith.constant 0 : index
    %get3A_18 = vector.load %arg4[%get3A_16, %get3A_17] : memref<128x128xf32, #tpu.memory_space<vmem>>, vector<128x128xf32>
    %dot_general3A_19 = arith.constant dense<0.000000e+00> : vector<1000x128xf32>
    %dot_general3A_20 = tpu.matmul %get3A_15, %get3A_18, %dot_general3A_19 {dimension_numbers = #tpu.dot_dimension_numbers<[1], [0], [0], [1], [0, 0, 1, 1], [], []>, transpose_lhs_hint = false} : vector<1000x128xf32>, vector<128x128xf32>, vector<1000x128xf32> -> vector<1000x128xf32>
    %add3A_21 = arith.addf %dot_general3A_12, %dot_general3A_20 : vector<1000x128xf32>
    %get3A_22 = arith.constant 0 : index
    %get3A_23 = arith.constant 0 : index
    %get3A_24 = vector.load %arg5[%get3A_22, %get3A_23] : memref<1x128xf32, #tpu.memory_space<vmem>>, vector<1x128xf32>
    %add3A_25 = vector.broadcast %get3A_24 : vector<1x128xf32> to vector<1000x128xf32>
    %add3A_26 = arith.addf %add3A_21, %add3A_25 : vector<1000x128xf32>
    %get3A_27 = arith.constant 0 : index
    %get3A_28 = arith.constant 0 : index
    %get3A_29 = vector.load %arg2[%get3A_27, %get3A_28] : memref<1000x128xf32, #tpu.memory_space<vmem>>, vector<1000x128xf32>
    %max3A = arith.constant 0.000000e+00 : f32
    %max3A_30 = vector.broadcast %max3A : f32 to vector<1000x128xf32>
    %max3A_31 = arith.maximumf %add3A_26, %max3A_30 : vector<1000x128xf32>
    %add3A_32 = arith.addf %get3A_29, %max3A_31 : vector<1000x128xf32>
    %swap3A = arith.constant 0 : index
    %swap3A_33 = arith.constant 0 : index
    %swap3A_34 = vector.load %arg6[%swap3A, %swap3A_33] : memref<1000x128xf32, #tpu.memory_space<vmem>>, vector<1000x128xf32>
    tpu.vector_store %arg6[%swap3A, %swap3A_33], %add3A_32 {strides = array<i32>} : memref<1000x128xf32, #tpu.memory_space<vmem>>, vector<1000x128xf32>,
    return
  }
  func.func @transform_0(%arg0: i32) -> (i32, i32, i32) {
    %c0_i32 = arith.constant 0 : i32
    %c0_i32_0 = arith.constant 0 : i32
    %c0_i32_1 = arith.constant 0 : i32
    return %c0_i32, %arg0, %c0_i32_0 : i32, i32, i32
  }
  func.func @transform_1(%arg0: i32) -> (i32, i32) {
    %c0_i32 = arith.constant 0 : i32
    %c0_i32_0 = arith.constant 0 : i32
    return %arg0, %c0_i32 : i32, i32
  }
  func.func @transform_2(%arg0: i32) -> (i32, i32) {
    %c0_i32 = arith.constant 0 : i32
    %c0_i32_0 = arith.constant 0 : i32
    %c0_i32_1 = arith.constant 0 : i32
    return %c0_i32, %c0_i32_0 : i32, i32
  }
  func.func @transform_3(%arg0: i32) -> (i32, i32) {
    %c0_i32 = arith.constant 0 : i32
    %c0_i32_0 = arith.constant 0 : i32
    %c0_i32_1 = arith.constant 0 : i32
    return %c0_i32, %c0_i32_0 : i32, i32
  }
  func.func @transform_4(%arg0: i32) -> (i32, i32) {
    %c0_i32 = arith.constant 0 : i32
    %c0_i32_0 = arith.constant 0 : i32
    %c0_i32_1 = arith.constant 0 : i32
    return %c0_i32, %c0_i32_0 : i32, i32
  }
  func.func @transform_5(%arg0: i32) -> (i32, i32) {
    %c0_i32 = arith.constant 0 : i32
    %c0_i32_0 = arith.constant 0 : i32
    return %arg0, %c0_i32 : i32, i32
  }
}

module attributes {stable_mosaic.version = 14 : i64} {
  func.func @_update_body(%arg0: i32, %arg1: memref<2x1000x128xf32, #tpu.memory_space<vmem>>, %arg2: memref<1000x128xf32, #tpu.memory_space<vmem>>, %arg3: memref<128x128xf32, #tpu.memory_space<vmem>>, %arg4: memref<128x128xf32, #tpu.memory_space<vmem>>, %arg5: memref<1x128xf32, #tpu.memory_space<vmem>>, %arg6: memref<1000x128xf32, #tpu.memory_space<vmem>>) attributes {dimension_semantics = [#tpu.dimension_semantics<arbitrary>], iteration_bounds = array<i64: 10>, scalar_prefetch = 0 : i64, scratch_operands = 0 : i64, tpu.core_type = #tpu.core_type<tc>, window_params = [{transform_indices = @transform_0, window_bounds = array<i64: 2, 1000, 128>}, {transform_indices = @transform_1, window_bounds = array<i64: 1000, 128>}, {pipeline_mode = #tpu.pipeline_mode<synchronous>, transform_indices = @transform_2, window_bounds = array<i64: 128, 128>}, {pipeline_mode = #tpu.pipeline_mode<synchronous>, transform_indices = @transform_3, window_bounds = array<i64: 128, 128>}, {pipeline_mode = #tpu.pipeline_mode<synchronous>, transform_indices = @transform_4, window_bounds = array<i64: 1, 128>}, {transform_indices = @transform_5, window_bounds = array<i64: 1000, 128>}]} {
    %get3A = arith.constant 0 : index
    %get3A_0 = arith.constant 0 : index
    %get3A_1 = arith.constant 0 : index
    %get3A_2 = vector.load %arg1[%get3A, %get3A_0, %get3A_1] : memref<2x1000x128xf32, #tpu.memory_space<vmem>>, vector<1x1000x128xf32>
    %get3A_3 = vector.shape_cast %get3A_2 : vector<1x1000x128xf32> to vector<1000x128xf32>
    %get3A_4 = arith.constant 1 : index
    %get3A_5 = arith.constant 0 : index
    %get3A_6 = arith.constant 0 : index
    %get3A_7 = vector.load %arg1[%get3A_4, %get3A_5, %get3A_6] : memref<2x1000x128xf32, #tpu.memory_space<vmem>>, vector<1x1000x128xf32>
    %get3A_8 = vector.shape_cast %get3A_7 : vector<1x1000x128xf32> to vector<1000x128xf32>
    %add3A = arith.addf %get3A_3, %get3A_8 : vector<1000x128xf32>
    %get3A_9 = arith.constant 0 : index
    %get3A_10 = arith.constant 0 : index
    %get3A_11 = vector.load %arg3[%get3A_9, %get3A_10] : memref<128x128xf32, #tpu.memory_space<vmem>>, vector<128x128xf32>
    %dot_general3A = arith.constant dense<0.000000e+00> : vector<1000x128xf32>
    %dot_general3A_12 = tpu.matmul %add3A, %get3A_11, %dot_general3A {dimension_numbers = #tpu.dot_dimension_numbers<[1], [0], [0], [1], [0, 0, 1, 1], [], []>, transpose_lhs_hint = false} : vector<1000x128xf32>, vector<128x128xf32>, vector<1000x128xf32> -> vector<1000x128xf32>
    %get3A_13 = arith.constant 0 : index
    %get3A_14 = arith.constant 0 : index
    %get3A_15 = vector.load %arg2[%get3A_13, %get3A_14] : memref<1000x128xf32, #tpu.memory_space<vmem>>, vector<1000x128xf32>
    %get3A_16 = arith.constant 0 : index
    %get3A_17 = arith.constant 0 : index
    %get3A_18 = vector.load %arg4[%get3A_16, %get3A_17] : memref<128x128xf32, #tpu.memory_space<vmem>>, vector<128x128xf32>
    %dot_general3A_19 = arith.constant dense<0.000000e+00> : vector<1000x128xf32>
    %dot_general3A_20 = tpu.matmul %get3A_15, %get3A_18, %dot_general3A_19 {dimension_numbers = #tpu.dot_dimension_numbers<[1], [0], [0], [1], [0, 0, 1, 1], [], []>, transpose_lhs_hint = false} : vector<1000x128xf32>, vector<128x128xf32>, vector<1000x128xf32> -> vector<1000x128xf32>
    %add3A_21 = arith.addf %dot_general3A_12, %dot_general3A_20 : vector<1000x128xf32>
    %get3A_22 = arith.constant 0 : index
    %get3A_23 = arith.constant 0 : index
    %get3A_24 = vector.load %arg5[%get3A_22, %get3A_23] : memref<1x128xf32, #tpu.memory_space<vmem>>, vector<1x128xf32>
    %add3A_25 = vector.broadcast %get3A_24 : vector<1x128xf32> to vector<1000x128xf32>
    %add3A_26 = arith.addf %add3A_21, %add3A_25 : vector<1000x128xf32>
    %get3A_27 = arith.constant 0 : index
    %get3A_28 = arith.constant 0 : index
    %get3A_29 = vector.load %arg2[%get3A_27, %get3A_28] : memref<1000x128xf32, #tpu.memory_space<vmem>>, vector<1000x128xf32>
    %max3A = arith.constant 0.000000e+00 : f32
    %max3A_30 = vector.broadcast %max3A : f32 to vector<1000x128xf32>
    %max3A_31 = arith.maximumf %add3A_26, %max3A_30 : vector<1000x128xf32>
    %add3A_32 = arith.addf %get3A_29, %max3A_31 : vector<1000x128xf32>
    %swap3A = arith.constant 0 : index
    %swap3A_33 = arith.constant 0 : index
    %swap3A_34 = vector.load %arg6[%swap3A, %swap3A_33] : memref<1000x128xf32, #tpu.memory_space<vmem>>, vector<1000x128xf32>
    tpu.vector_store %arg6[%swap3A, %swap3A_33], %add3A_32 {strides = array<i32>} : memref<1000x128xf32, #tpu.memory_space<vmem>>, vector<1000x128xf32>,
    return
  }
  func.func @transform_0(%arg0: i32) -> (i32, i32, i32) {
    %c0_i32 = arith.constant 0 : i32
    %c0_i32_0 = arith.constant 0 : i32
    %c0_i32_1 = arith.constant 0 : i32
    return %c0_i32, %arg0, %c0_i32_0 : i32, i32, i32
  }
  func.func @transform_1(%arg0: i32) -> (i32, i32) {
    %c0_i32 = arith.constant 0 : i32
    %c0_i32_0 = arith.constant 0 : i32
    return %arg0, %c0_i32 : i32, i32
  }
  func.func @transform_2(%arg0: i32) -> (i32, i32) {
    %c0_i32 = arith.constant 0 : i32
    %c0_i32_0 = arith.constant 0 : i32
    %c0_i32_1 = arith.constant 0 : i32
    return %c0_i32, %c0_i32_0 : i32, i32
  }
  func.func @transform_3(%arg0: i32) -> (i32, i32) {
    %c0_i32 = arith.constant 0 : i32
    %c0_i32_0 = arith.constant 0 : i32
    %c0_i32_1 = arith.constant 0 : i32
    return %c0_i32, %c0_i32_0 : i32, i32
  }
  func.func @transform_4(%arg0: i32) -> (i32, i32) {
    %c0_i32 = arith.constant 0 : i32
    %c0_i32_0 = arith.constant 0 : i32
    %c0_i32_1 = arith.constant 0 : i32
    return %c0_i32, %c0_i32_0 : i32, i32
  }
  func.func @transform_5(%arg0: i32) -> (i32, i32) {
    %c0_i32 = arith.constant 0 : i32
    %c0_i32_0 = arith.constant 0 : i32
    return %arg0, %c0_i32 : i32, i32
  }
}

</mosaic_0001>

<sc_bundles>
// kernel: kernel.10.cloned.1.call-start
scs
__scs_entry_jumppad:
0x0: {  	(pc) =	sbr.rel $0x88, $3  }
0x1: {  	(tag) =	ssettag $0x0;
	lr =	simm.s32 $0x1  }
0x2: {  	[smem:$0x3F98] =	sst lr;
	_ =	strace $0xD0000000  }
0x3: {  	_ = 	snop  }
0x4: {  	_ = 	snop  }
0x5: {  	_ = 	snop  }
0x6: {  	_ = 	snop  }
0x7: {  	_ = 	snop  }
__scs_overlays_trampoline_lowered:
0x8: {  	[smem:$0x3FA7] =	sst s0  }
0x9: {  	[smem:$0x3FA8] =	sst s1  }
0xa: {  	[smem:$0x3FA9] =	sst s2  }
0xb: {  	[smem:$0x3FAA] =	sst s3  }
0xc: {  	[smem:$0x3FAB] =	sst s4  }
0xd: {  	[smem:$0x3FAC] =	sst s5  }
0xe: {  	[smem:$0x3FAD] =	sst s6  }
0xf: {  	[smem:$0x3FAE] =	sst s7  }
0x10: {  	[smem:$0x3FAF] =	sst s8  }
0x11: {  	[smem:$0x3FB0] =	sst s9;
	s0 =	simm.s32 @!p0 $0x0  }
0x12: {  	s1 =	sld [smem:$0x3F96];
	s0 =	simm.s32 @p0 $0x1  }
0x13: {  	[smem:$0x3FB1] =	sst s0;
	s0 =	simm.s32 @!p1 $0x0  }
0x14: {  	s2 =	sld [smem:$0x3F95];
	s0 =	simm.s32 @p1 $0x1  }
0x15: {  	[smem:$0x3FB2] =	sst s0;
	s0 =	simm.s32 @!p2 $0x0  }
0x16: {  	s3 =	sld [smem:$0x3FDB];
	s0 =	simm.s32 @p2 $0x1  }
0x17: {  	s4 =	simm.s32 $0x1BF5;
	[smem:$0x3FB4] =	sst s0  }
0x18: {  	s0 =	sld [smem:$0x3F97];
	_ =	swait.ge [sflag:s4], $0x0  }
0x19: {  	s7 =	sld [smem:$0x3F98]  }
0x1a: {  	s8 =	sadd.s32 $0xFFFFE003, lr  }
0x1b: {  	s9 =	sadd.s32 $0xFFFFFEF7, lr;
	s5 =	simm.s32 $0xFFFFFFFF;
	p2 =	slt.u32 s8, $0xFFFFF086  }
0x1c: {  	p1 =	slt.u32 s9, $0xF7A;
	s5 =	simm.s32 @!p2 $0x0  }
0x1d: {  	s5 =	simm.s32 @p1 $0x1;
	p0 =	seq.s32 s7, s2  }
0x1e: {  	s7 =	smul.u32 @!p0 $0xF7A, s2;
	p2 =	seq.s32 @!p0 s5, $0x0  }
0x1f: {  	s9 =	smul.u32 $0xF7A, s1;
	s8 =	simm.s32 @!p0 $0x1BF5;
	p2 =	por !p2, p0  }
0x20: {  	[sflag:s8] =	ssyncset.s32 @!p0 $0xFFFFF086;
	s6 =	sadd.s32 @!p0 s3, s7;
	s7 =	simm.s32 @!p0 $0x108  }
0x21: {  	s3 =	sadd.s32 s3, s9;
	s6 =	sadd.s32 @!p0 $0x88, s6;
	s7 =	simm.s32 @p2 $0x1082  }
0x22: {  	[simem:s7], [sflag:s8] =	dma.local @!p0 [hbm:s6], $0xF7A  }
0x23: {  	s9 =	sor.u32 $0xD0000000, s2;
	s6 =	simm.s32 $0x108;
	_ =	swait.ge @!p0 [sflag:s8], $0x0  }
0x24: {  	s3 =	sadd.s32 $0x88, s3;
	s6 =	simm.s32 @!p1 $0x1082;
	[sflag:s4] =	ssyncset.s32 $0xFFFFF086  }
0x25: {  	[simem:s6], [sflag:s4] =	dma.local [hbm:s3], $0xF7A  }
0x26: {  	[smem:$0x3F98] =	sst s1;
	(tag) =	ssettag s2;
	_ =	strace s9  }
0x27: {  	s1 =	sld [smem:$0x3FA8]  }
0x28: {  	s2 =	sld [smem:$0x3FA9]  }
0x29: {  	s4 =	sld [smem:$0x3FAB]  }
0x2a: {  	p0 =	seq.s32 s5, $0x0;
	s5 =	sld [smem:$0x3FAC]  }
0x2b: {  	s6 =	sld [smem:$0x3FAD]  }
0x2c: {  	s7 =	sld [smem:$0x3FAE]  }
0x2d: {  	s3 =	simm.s32 $0x108;
	s8 =	sld [smem:$0x3FAF]  }
0x2e: {  	s3 =	simm.s32 @!p0 $0x1082;
	s9 =	sld [smem:$0x3FB0]  }
0x2f: {  	lr =	sadd.s32 s0, s3;
	s0 =	sld [smem:$0x3FA7]  }
0x30: {  	s3 =	sld [smem:$0x3FAA]  }
0x31: {  	[smem:$0x3FB3] =	sst s10  }
0x32: {  	s10 =	sld [smem:$0x3FB1];
	_ =	sdelay $0x3  }
0x33: {  	p0 =	seq.s32 s10, $0x1;
	s10 =	sld [smem:$0x3FB3];
	_ =	sdelay $0x3  }
0x34: {  	[smem:$0x3FB3] =	sst s10  }
0x35: {  	s10 =	sld [smem:$0x3FB2];
	_ =	sdelay $0x3  }
0x36: {  	p1 =	seq.s32 s10, $0x1;
	s10 =	sld [smem:$0x3FB3];
	_ =	sdelay $0x3  }
0x37: {  	[smem:$0x3FB3] =	sst s10  }
0x38: {  	s10 =	sld [smem:$0x3FB4]  }
0x39: {  	_ = 	snop;
	(pc) =	sbr.ind lr, $3  }
0x3a: {  	_ = 	snop  }
0x3b: {  	_ = 	snop  }
0x3c: {  	p2 =	seq.s32 s10, $0x1;
	s10 =	sld [smem:$0x3FB3]  }
0x3d: {  	_ =	shalt  }
0x3e: {  	_ =	shalt  }
0x3f: {  	_ =	shalt  }
0x40: {  	_ =	shalt  }
0x41: {  	_ =	shalt  }
0x42: {  	_ =	shalt  }
0x43: {  	_ =	shalt  }
0x44: {  	_ =	shalt  }
0x45: {  	_ =	shalt  }
0x46: {  	_ =	shalt  }
0x47: {  	_ =	shalt  }
0x48: {  	_ =	shalt  }
0x49: {  	_ =	shalt  }
0x4a: {  	_ =	shalt  }
0x4b: {  	_ =	shalt  }
0x4c: {  	_ =	shalt  }
0x4d: {  	_ =	shalt  }
0x4e: {  	_ =	shalt  }
0x4f: {  	_ =	shalt  }
0x50: {  	_ =	shalt  }
0x51: {  	_ =	shalt  }
0x52: {  	_ =	shalt  }
0x53: {  	_ =	shalt  }
0x54: {  	_ =	shalt  }
0x55: {  	_ =	shalt  }
0x56: {  	_ =	shalt  }
0x57: {  	_ =	shalt  }
0x58: {  	_ =	shalt  }
0x59: {  	_ =	shalt  }
0x5a: {  	_ =	shalt  }
0x5b: {  	_ =	shalt  }
0x5c: {  	_ =	shalt  }
0x5d: {  	_ =	shalt  }
0x5e: {  	_ =	shalt  }
0x5f: {  	_ =	shalt  }
0x60: {  	_ =	shalt  }
0x61: {  	_ =	shalt  }
0x62: {  	_ =	shalt  }
0x63: {  	_ =	shalt  }
0x64: {  	_ =	shalt  }
0x65: {  	_ =	shalt  }
0x66: {  	_ =	shalt  }
0x67: {  	_ =	shalt  }
0x68: {  	_ =	shalt  }
0x69: {  	_ =	shalt  }
0x6a: {  	_ =	shalt  }
0x6b: {  	_ =	shalt  }
0x6c: {  	_ =	shalt  }
0x6d: {  	_ =	shalt  }
0x6e: {  	_ =	shalt  }
0x6f: {  	_ =	shalt  }
0x70: {  	_ =	shalt  }
0x71: {  	_ =	shalt  }
0x72: {  	_ =	shalt  }
0x73: {  	_ =	shalt  }
0x74: {  	_ =	shalt  }
0x75: {  	_ =	shalt  }
0x76: {  	_ =	shalt  }
0x77: {  	_ =	shalt  }
0x78: {  	_ =	shalt  }
0x79: {  	_ =	shalt  }
0x7a: {  	_ =	shalt  }
0x7b: {  	_ =	shalt  }
0x7c: {  	_ =	shalt  }
0x7d: {  	_ =	shalt  }
0x7e: {  	_ =	shalt  }
0x7f: {  	_ =	shalt  }
0x80: {  	_ =	shalt  }
0x81: {  	_ =	shalt  }
0x82: {  	_ =	shalt  }
0x83: {  	_ =	shalt  }
0x84: {  	_ =	shalt  }
0x85: {  	_ =	shalt  }
0x86: {  	_ =	shalt  }
0x87: {  	_ =	shalt  }
.Lfunc_end0:
.L_simem_size_0:
called_computation_lowered:
.L_overlay_start_0:
0x88: {  	s2 =	sld [smem:$0x3FD9]  }
0x89: {  	s3 =	sld [smem:$0x3FFE];
	_ =	sdelay $0x1  }
0x8a: {  	s1 =	srdreg.scid  }
0x8b: {  	s0 =	sand.u32 $0x1, s1  }
0x8c: {  	s17 =	sshll.u32 s0, $0xA;
	s2 =	sadd.s32 s3, s2  }
0x8d: {  	s2 =	sadd.s32 s2, s17  }
0x8e: {  	[smem:$0x3FBF] =	sst s2  }
0x8f: {  	_ = 	snop  }
0x90: {  	s2 =	sld [smem:$0x3FD0];
	(tm) =	ssettm $0x1  }
0x91: {  	s18 =	sld [smem:$0x3FFB];
	_ =	sdelay $0x3  }
0x92: {  	_ =	strace s18  }
0x93: {  	s3 =	sld [smem:$0x3FFC];
	_ =	sdelay $0x3  }
0x94: {  	_ =	strace s3  }
0x95: {  	s3 =	sld [smem:$0x3FFD];
	_ =	sdelay $0x3  }
0x96: {  	_ =	strace s3  }
0x97: {  	_ =	strace $0x8FFFFFFF  }
0x98: {  	s19 =	sld [smem:$0x3FDB];
	_ =	sdelay $0x1  }
0x99: {  	s4 =	simm.s32 $_scs_section_size  }
0x9a: {  	s5 =	simm.s32 $_size__tile_overlayer_lowered;
	s6 =	simm.s32 $_tile_overlayer_lowered  }
0x9b: {  	s22 =	simm.s32 $0x1BFF;
	s21 =	sshll.u32 s6, $0x1;
	s3 =	sadd.s32 s4, s19  }
0x9c: {  	s7 =	simm.s32 $0x0;
	s20 =	sshll.u32 s5, $0x1;
	s5 =	sadd.s32 s21, s3  }
0x9d: {  	[timem:s7], [sflag:s22] =	dma.local [hbm:s5], s20  }
0x9e: {  	_ =	swait.ge [sflag:s22], s20  }
0x9f: {  	s4 =	ssub.s32 $0x0, s20;
	[sflag:s22] =	ssyncset.done $0x0  }
0xa0: {  	[sflag:s22] =	ssyncadd.s32 s4;
	_ =	sdelay $0x1  }
0xa1: {  	s23 =	simm.s32 $0x1B8B  }
0xa2: {  	_ =	swait.ge [sflag:s23], $0x1  }
0xa3: {  	[sflag:s23] =	ssyncset.done $0x0  }
0xa4: {  	s25 =	simm.s32 $0x1B8E;
	s24 =	sld [smem:$0x3FFE];
	[sflag:s23] =	ssyncadd.s32 $0xFFFFFFFF  }
0xa5: {  	s26 =	simm.s32 $execute0_lowered;
	[smem:$0x3FD2] =	sst s25  }
0xa6: {  	s5 =	sshll.u32 s26, $0x1;
	_ =	strace $0x80000046;
	[dreg:$0x1] =	wrdreg $0xFFFFFFFF  }
0xa7: {  	s28 =	simm.s32 $_size_execute0_lowered;
	s3 =	sadd.s32 s3, s5;
	[dreg:$0x0] =	wrdreg $0x0  }
0xa8: {  	s5 =	sshll.u32 s28, $0x1;
	[dreg:$0x2] =	wrdreg s3  }
0xa9: {  	[dreg:$0x3] =	wrdreg s5  }
0xaa: {  	[dreg:$0x4] =	wrdreg $0xC0  }
0xab: {  	_ =	task [dreg:s7], $0x5FFFF  }
0xac: {  	[dreg:$0x1] =	wrdreg $0xFFFFFFFF  }
0xad: {  	[dreg:$0x0] =	wrdreg $0x60  }
0xae: {  	[dreg:$0x2] =	wrdreg s2  }
0xaf: {  	[dreg:$0x3] =	wrdreg s24  }
0xb0: {  	[dreg:$0x4] =	wrdreg $0x83000  }
0xb1: {  	[dreg:$0x5] =	wrdreg $0x9  }
0xb2: {  	_ =	task.clear_ibuf [dreg:s7], $0x6FFFF;
	_ =	strace $0x90000046  }
0xb3: {  	s29 =	simm.s32 $0x9;
	_ =	strace $0x80000048  }
0xb4: {  	_ =	swait.ge [sflag:s29], $0x1  }
0xb5: {  	[sflag:s29] =	ssyncadd.s32 $0xFFFFFFFF  }
0xb6: {  	_ =	strace $0x90000048  }
0xb7: {  	_ =	sfence  }
0xb8: {  	s30 =	sld [smem:$0x0];
	_ =	sdelay $0x2  }
0xb9: {  	s31 =	sshll.u32 s1, $0xD;
	s1 =	sshrl.u32 s1, $0x2  }
0xba: {  	s3 =	sand.u32 $0x4000, s31;
	s1 =	sadd.s32 s1, s30  }
0xbb: {  	s0 =	sor.u32 s3, s0;
	s1 =	sshll.u32 s1, $0x11  }
0xbc: {  	s0 =	sor.u32 s1, s0  }
0xbd: {  	s0 =	sadd.s32 $0x8F2B, s0  }
0xbe: {  	[sflag:s0] =	ssyncadd.remote.s32 $0x1  }
0xbf: {  	_ =	sfence.sel $0xFFFF  }
0xc0: {  	[dreg:$0x0] =	wrdreg $0xFFFFFFFF;
	(pc) =	sbr.abs _section_cstart, $3  }
0xc1: {  	[dreg:$0x1] =	wrdreg $0xFFFFFFFF  }
0xc2: {  	_ =	task.clear_ibuf [dreg:s7], $0x2FFFF;
	_ =	strace $0x9FFFFFFF  }
0xc3: {  	(tm) =	ssettm $0x7FFFFFFF  }
tec
execute0_lowered:
.L_overlay_start_1:
0x0: {  	(tag) =	ssettag $0x1  }
0x1: {  	s1 =	rddreg [dreg:$0x0]  }
0x2: {  	s0 =	rddreg [dreg:$0x1]  }
0x3: {  	s2 =	rddreg [dreg:$0x2];
	s3 =	simm.s32 $0x0  }
0x4: {  	s4 =	srdreg.scid;
	s16 =	stileid.u32;
	s28 =	simm.s32 $0x80  }
0x5: {  	s29 =	simm.s32 $0x4300;
	s30 =	simm.s32 $0x6;
	s31 =	simm.s32 $0x5  }
0x6: {  	[smem:$0x7FF] =	sst s3;
	s4 =	sand.u32 $0x1, s4;
	s8 =	smul.u32 $0x4E000, s16  }
0x7: {  	s5 =	sadd.s32 $0x4FA200, s0;
	s6 =	sadd.s32 $0x4F0400, s0;
	s9 =	ssub.s32 $0x2, s4  }
0x8: {  	s7 =	sadd.s32 $0x4E6600, s0;
	s11 =	sshrl.u32 s9, $0x1;
	s12 =	sshrl.u32 s8, $0x2  }
0x9: {  	s0 =	sadd.s32 $0x9DC200, s0;
	s11 =	ssub.s32 s9, s11;
	s9 =	sadd.s32 s12, s2  }
0xa: {  	s14 =	sadd.s32 $0x138000, s2;
	_ =	strace $0x80000047;
	s12 =	sadd.s32 $0x4000, s9  }
0xb: {  	s10 =	sshll.u32 s4, $0x4;
	s15 =	sadd.s32 $0x8000, s9;
	[dreg:$0x4] =	wrdreg s12  }
0xc: {  	s10 =	sor.u32 s16, s10;
	s17 =	sadd.s32 $0xC000, s9;
	[dreg:$0x5] =	wrdreg s15  }
0xd: {  	s8 =	smul.u32 $0x2710, s10;
	s18 =	sadd.s32 $0x10000, s9;
	[dreg:$0x6] =	wrdreg s17  }
0xe: {  	p0 =	sne.s32 s16, $0xF;
	s4 =	smul.u32 $0x138800, s4;
	[dreg:$0x7] =	wrdreg s18  }
0xf: {  	s19 =	sshrl.u32 s8, $0x3;
	s20 =	sadd.s32 $0x2700, s8;
	s15 =	smul.u32 $0x13800, s16  }
0x10: {  	s17 =	smul.u32 $0x138800, s10;
	s10 =	simm.s32 $0x0;
	s13 =	sadd.s32 s6, s19  }
0x11: {  	s12 =	sadd.s32 s7, s19;
	s21 =	sshrl.u32 s20, $0x3;
	[dreg:$0x8] =	wrdreg s13  }
0x12: {  	s24 =	sshll.u32 s20, $0x4;
	[dreg:$0x9] =	wrdreg s12;
	s22 =	sadd.s32 s6, s21  }
0x13: {  	s23 =	sadd.s32 s7, s21;
	s25 =	sadd.s32 s15, s4;
	s4 =	sshrl.u32 s4, $0x3  }
0x14: {  	s20 =	sadd.s32 s5, s24;
	s24 =	simm.s32 $0x300;
	[dreg:$0xa] =	wrdreg s22  }
0x15: {  	[dreg:$0xb] =	wrdreg s23;
	s26 =	sshrl.u32 s25, $0x3;
	s4 =	sadd.s32 s0, s4  }
0x16: {  	s23 =	smax.u32 s11, $0x1;
	s25 =	simm.s32 $0x7;
	s21 =	sadd.s32 s0, s26  }
0x17: {  	v0 =	vimm.f32 $0.0e+00;
	s22 =	sadd.s32 $0x27000, s4;
	s26 =	simm.s32 $0x280;
	s4 =	simm.s32 $0x10  }
.LBB2_1:
0x18: {  	s11 =	simm.s32 $0x0;
	s12 =	simm.s32 $0x200  }
.LBB2_2:
0x19: {  	p1 =	sne.s32 s12, $0xFE00;
	[tilespmem:s11+$0x370] =	vst v0  }
0x1a: {  	[tilespmem:s11+$0x300] =	vst v0  }
0x1b: {  	[tilespmem:s11+$0x310] =	vst v0  }
.Ltmp0:
0x1c: {  	[tilespmem:s11+$0x320] =	vst v0;
	(pc) =	sbr.rel @p1 .LBB2_2-.Ltmp0, $4  }
0x1d: {  	[tilespmem:s11+$0x330] =	vst v0  }
0x1e: {  	[tilespmem:s11+$0x340] =	vst v0  }
0x1f: {  	[tilespmem:s11+$0x350] =	vst v0  }
0x20: {  	[tilespmem:s11+$0x360] =	vst v0;
	s11 =	sshra.s32 s12, $0x2;
	s12 =	sadd.s32 $0x200, s12  }
0x21: {  	[tilespmem:s11+$0x370] =	vst v0  }
0x22: {  	[tilespmem:s11+$0x300] =	vst v0  }
0x23: {  	[tilespmem:s11+$0x310] =	vst v0  }
0x24: {  	[tilespmem:s11+$0x320] =	vst v0  }
0x25: {  	[tilespmem:s11+$0x330] =	vst v0  }
0x26: {  	[tilespmem:s11+$0x340] =	vst v0  }
0x27: {  	[tilespmem:s11+$0x350] =	vst v0  }
0x28: {  	[tilespmem:s11+$0x360] =	vst v0  }
0x29: {  	[spmem:s9] =	stream.linear.scatter [tilespmem:s24], [sflag:$0x7], $0x4000, $0x38;
	[tilespmem:$0x1BB80] =	vst v63  }
0x2a: {  	_ =	swait.ge [sflag:s25], $0x4000  }
0x2b: {  	[sflag:s25] =	ssyncset.done $0x0  }
0x2c: {  	s0 =	rddreg [dreg:$0x4];
	[sflag:s25] =	ssyncadd.s32 $0xFFFFC000  }
0x2d: {  	[spmem:s0] =	stream.linear.scatter [tilespmem:s24], [sflag:$0x7], $0x4000, $0x38;
	[tilespmem:$0x1BB80] =	vst v63  }
0x2e: {  	_ =	swait.ge [sflag:s25], $0x4000  }
0x2f: {  	[sflag:s25] =	ssyncset.done $0x0  }
0x30: {  	s13 =	rddreg [dreg:$0x5];
	[sflag:s25] =	ssyncadd.s32 $0xFFFFC000  }
0x31: {  	[spmem:s13] =	stream.linear.scatter [tilespmem:s24], [sflag:$0x7], $0x4000, $0x38;
	[tilespmem:$0x1BB80] =	vst v63  }
0x32: {  	_ =	swait.ge [sflag:s25], $0x4000  }
0x33: {  	[sflag:s25] =	ssyncset.done $0x0  }
0x34: {  	s15 =	rddreg [dreg:$0x6];
	[sflag:s25] =	ssyncadd.s32 $0xFFFFC000  }
0x35: {  	[spmem:s15] =	stream.linear.scatter [tilespmem:s24], [sflag:$0x7], $0x4000, $0x38;
	[tilespmem:$0x1BB80] =	vst v63  }
0x36: {  	_ =	swait.ge [sflag:s25], $0x4000  }
0x37: {  	[sflag:s25] =	ssyncset.done $0x0  }
0x38: {  	s16 =	rddreg [dreg:$0x7];
	[sflag:s25] =	ssyncadd.s32 $0xFFFFC000  }
0x39: {  	[spmem:s16] =	stream.linear.scatter [tilespmem:s24], [sflag:$0x7], $0x3800, $0x38;
	[tilespmem:$0x1BB80] =	vst v63  }
0x3a: {  	_ =	swait.ge [sflag:s25], $0x3800  }
0x3b: {  	[sflag:s25] =	ssyncset.done $0x0  }
0x3c: {  	s11 =	simm.s32 @!p0 $0x300;
	[sflag:s25] =	ssyncadd.s32 $0xFFFFC800  }
0x3d: {  	[spmem:s14] =	stream.linear.scatter @!p0 [tilespmem:s11], [sflag:$0x7], $0x800, $0x38;
	[tilespmem:$0x1BB80] =	vst v63  }
0x3e: {  	s11 =	simm.s32 @!p0 $0x7  }
0x3f: {  	_ =	swait.ge @!p0 [sflag:s11], $0x800  }
0x40: {  	[sflag:s11] =	ssyncset.done @!p0 $0x0  }
0x41: {  	[sflag:s11] =	ssyncadd.s32 @!p0 $0xFFFFF800  }
0x42: {  	[bflag:$0x0] =	sbarrier.arrive $0xFFFF  }
0x43: {  	s11 =	simm.s32 $0x0;
	s18 =	rddreg [dreg:$0x8]  }
0x44: {  	[tilespmem:s11], [sflag:$0x1] =	stream.linear.gather [hbm4b:s18+s11], $0x80, $0x38;
	[tilespmem:$0x1BB80] =	vst v63  }
0x45: {  	s12 =	simm.s32 $0x100;
	s19 =	rddreg [dreg:$0x9]  }
0x46: {  	[tilespmem:s12], [sflag:$0x3] =	stream.linear.gather [hbm4b:s19+s11], $0x80, $0x38;
	[tilespmem:$0x1BB80] =	vst v63  }
.LBB2_4:
0x47: {  	s16 =	sand.u32 $0x1, s11  }
0x48: {  	s13 =	sadd.s32 $0x1, s16  }
0x49: {  	_ =	swait.ge [sflag:s13], $0x80  }
0x4a: {  	[sflag:s13] =	ssyncset.done $0x0  }
0x4b: {  	s12 =	smov.u32 s11;
	s18 =	sadd.s32 $0x3, s16;
	[sflag:s13] =	ssyncadd.s32 $0xFFFFFF80  }
0x4c: {  	s19 =	sshll.u32 s12, $0xE;
	_ =	swait.ge [sflag:s18], $0x80  }
0x4d: {  	s11 =	sadd.s32 s17, s19;
	[sflag:s18] =	ssyncset.done $0x0  }
0x4e: {  	s15 =	sshll.u32 s16, $0x7;
	s11 =	sshrl.u32 s11, $0x3;
	[sflag:s18] =	ssyncadd.s32 $0xFFFFFF80  }
0x4f: {  	[tilespmem:s24], [sflag:$0x5] =	stream.indirect.gather [hbm4b:s1+s28], $0x80, s15, s28, $0xb8;
	[tilespmem:$0x1BB80] =	vst v63  }
0x50: {  	s11 =	sadd.s32 s5, s11  }
0x51: {  	[tilespmem:s29], [sflag:$0x6] =	stream.linear.gather [hbm4b:s11+s3], $0x4000, $0x38;
	[tilespmem:$0x1BB80] =	vst v63  }
0x52: {  	p1 =	seq.s32 s12, $0x4D;
	s11 =	sadd.s32 $0x1, s12  }
0x53: {  	s12 =	sshll.u32 @!p1 s11, $0x7  }
0x54: {  	s12 =	sadd.s32 @!p1 s8, s12  }
0x55: {  	s0 =	simm.s32 @!p1 $0x0;
	s13 =	sand.u32 @!p1 $0x1, s11;
	s12 =	sshrl.u32 @!p1 s12, $0x3  }
0x56: {  	s16 =	sshll.u32 @!p1 s13, $0x7;
	s18 =	sadd.s32 @!p1 $0x1, s13;
	s19 =	sadd.s32 @!p1 s6, s12  }
0x57: {  	[tilespmem:s16], [sflag:s18] =	stream.linear.gather @!p1 [hbm4b:s19+s0], $0x80, $0x38;
	[tilespmem:$0x1BB80] =	vst v63  }
0x58: {  	s13 =	sadd.s32 @!p1 $0x3, s13;
	s12 =	sadd.s32 @!p1 s7, s12;
	s16 =	sor.u32 @!p1 $0x100, s16  }
0x59: {  	[tilespmem:s16], [sflag:s13] =	stream.linear.gather @!p1 [hbm4b:s12+s0], $0x80, $0x38;
	[tilespmem:$0x1BB80] =	vst v63  }
0x5a: {  	_ =	swait.ge [sflag:s30], $0x4000  }
0x5b: {  	[sflag:s30] =	ssyncset.done $0x0  }
0x5c: {  	[sflag:s30] =	ssyncadd.s32 $0xFFFFC000  }
0x5d: {  	_ =	swait.ge [sflag:s31], $0x4000  }
0x5e: {  	[sflag:s31] =	ssyncset.done $0x0  }
0x5f: {  	s12 =	simm.s32 $0x400;
	[sflag:s31] =	ssyncadd.s32 $0xFFFFC000  }
0x60: {  	s13 =	simm.s32 $0x4400;
	v1 =	vld [tilespmem:s12+$0x80]  }
0x61: {  	v2 =	vld [tilespmem:s13+$0x80]  }
0x62: {  	v3 =	vld [tilespmem:s13+$0xFFFFFF00]  }
0x63: {  	v4 =	vld [tilespmem:s12+$0xFFFFFF80]  }
0x64: {  	v5 =	vld [tilespmem:s13+$0xFFFFFF80]  }
0x65: {  	v6 =	vld [tilespmem:s13+$0x0]  }
0x66: {  	v1 =	vadd.f32 v2, v1;
	v2 =	vld [tilespmem:s12+$0x0]  }
0x67: {  	v7 =	vld [tilespmem:s12+$0xFFFFFF00]  }
0x68: {  	v1 =	vmax.f32 v1, $0.0e+00  }
0x69: {  	v4 =	vadd.f32 v5, v4;
	[tilespmem:s12+$0x80] =	vst v1;
	v1 =	vld [tilespmem:s12+$0x90]  }
0x6a: {  	v8 =	vld [tilespmem:s13+$0x90]  }
0x6b: {  	v9 =	vld [tilespmem:s12+$0xFFFFFF90];
	v4 =	vmax.f32 v4, $0.0e+00;
	v2 =	vadd.f32 v6, v2  }
0x6c: {  	v5 =	vld [tilespmem:s12+$0xFFFFFF10];
	v3 =	vadd.f32 v3, v7;
	[tilespmem:s12+$0xFFFFFF80] =	vst v4  }
0x6d: {  	v6 =	vld [tilespmem:s13+$0xFFFFFF90];
	v2 =	vmax.f32 v2, $0.0e+00  }
0x6e: {  	v3 =	vmax.f32 v3, $0.0e+00;
	v4 =	vld [tilespmem:s12+$0x10];
	[tilespmem:s12+$0x0] =	vst v2  }
0x6f: {  	[tilespmem:s12+$0xFFFFFF00] =	vst v3;
	v1 =	vadd.f32 v8, v1;
	v2 =	vld [tilespmem:s13+$0x10]  }
0x70: {  	v3 =	vld [tilespmem:s13+$0xFFFFFF10]  }
0x71: {  	v1 =	vmax.f32 v1, $0.0e+00  }
0x72: {  	v6 =	vadd.f32 v6, v9;
	[tilespmem:s12+$0x90] =	vst v1;
	v1 =	vld [tilespmem:s12+$0xA0]  }
0x73: {  	v8 =	vld [tilespmem:s13+$0xA0]  }
0x74: {  	v7 =	vld [tilespmem:s12+$0xFFFFFF20];
	v6 =	vmax.f32 v6, $0.0e+00;
	v2 =	vadd.f32 v2, v4  }
0x75: {  	v3 =	vadd.f32 v3, v5;
	v9 =	vld [tilespmem:s12+$0xFFFFFFA0];
	[tilespmem:s12+$0xFFFFFF90] =	vst v6  }
0x76: {  	v5 =	vld [tilespmem:s13+$0xFFFFFFA0];
	v2 =	vmax.f32 v2, $0.0e+00  }
0x77: {  	v3 =	vmax.f32 v3, $0.0e+00;
	v4 =	vld [tilespmem:s12+$0x20];
	[tilespmem:s12+$0x10] =	vst v2  }
0x78: {  	[tilespmem:s12+$0xFFFFFF10] =	vst v3;
	v1 =	vadd.f32 v8, v1;
	v2 =	vld [tilespmem:s13+$0x20]  }
0x79: {  	v3 =	vld [tilespmem:s13+$0xFFFFFF20]  }
0x7a: {  	v1 =	vmax.f32 v1, $0.0e+00  }
0x7b: {  	v5 =	vadd.f32 v5, v9;
	[tilespmem:s12+$0xA0] =	vst v1;
	v1 =	vld [tilespmem:s12+$0xB0]  }
0x7c: {  	v8 =	vld [tilespmem:s13+$0xB0]  }
0x7d: {  	v10 =	vld [tilespmem:s12+$0x30];
	v5 =	vmax.f32 v5, $0.0e+00;
	v2 =	vadd.f32 v2, v4  }
0x7e: {  	v3 =	vadd.f32 v3, v7;
	v9 =	vld [tilespmem:s12+$0xFFFFFFB0];
	[tilespmem:s12+$0xFFFFFFA0] =	vst v5  }
0x7f: {  	v4 =	vld [tilespmem:s13+$0xFFFFFFB0];
	v2 =	vmax.f32 v2, $0.0e+00  }
0x80: {  	v6 =	vld [tilespmem:s12+$0xFFFFFF30];
	[tilespmem:s12+$0x20] =	vst v2;
	v2 =	vmax.f32 v3, $0.0e+00  }
0x81: {  	v1 =	vadd.f32 v8, v1;
	[tilespmem:s12+$0xFFFFFF20] =	vst v2;
	v2 =	vld [tilespmem:s13+$0x30]  }
0x82: {  	v7 =	vld [tilespmem:s13+$0xFFFFFF30]  }
0x83: {  	v11 =	vld [tilespmem:s12+$0xFFFFFF40];
	v1 =	vmax.f32 v1, $0.0e+00  }
0x84: {  	v4 =	vadd.f32 v4, v9;
	[tilespmem:s12+$0xB0] =	vst v1;
	v1 =	vld [tilespmem:s12+$0xC0]  }
0x85: {  	v8 =	vld [tilespmem:s13+$0xC0]  }
0x86: {  	v12 =	vld [tilespmem:s12+$0xFFFFFFD0];
	v4 =	vmax.f32 v4, $0.0e+00;
	v2 =	vadd.f32 v2, v10  }
0x87: {  	v5 =	vld [tilespmem:s12+$0xFFFFFFC0];
	[tilespmem:s12+$0xFFFFFFB0] =	vst v4;
	v6 =	vadd.f32 v7, v6  }
0x88: {  	v7 =	vld [tilespmem:s13+$0xFFFFFFC0];
	v2 =	vmax.f32 v2, $0.0e+00  }
0x89: {  	v3 =	vld [tilespmem:s12+$0x40];
	[tilespmem:s12+$0x30] =	vst v2;
	v2 =	vmax.f32 v6, $0.0e+00  }
0x8a: {  	v1 =	vadd.f32 v8, v1;
	v6 =	vld [tilespmem:s13+$0x40];
	[tilespmem:s12+$0xFFFFFF30] =	vst v2  }
0x8b: {  	v2 =	vld [tilespmem:s13+$0xFFFFFF40]  }
0x8c: {  	v9 =	vld [tilespmem:s12+$0xFFFFFF50];
	v1 =	vmax.f32 v1, $0.0e+00  }
0x8d: {  	[tilespmem:s12+$0xC0] =	vst v1;
	v1 =	vadd.f32 v7, v5;
	v7 =	vld [tilespmem:s12+$0xD0]  }
0x8e: {  	v8 =	vld [tilespmem:s13+$0xD0]  }
0x8f: {  	v4 =	vld [tilespmem:s12+$0xFFFFFF60];
	v1 =	vmax.f32 v1, $0.0e+00;
	v3 =	vadd.f32 v6, v3  }
0x90: {  	v10 =	vld [tilespmem:s12+$0x50];
	[tilespmem:s12+$0xFFFFFFC0] =	vst v1;
	v1 =	vadd.f32 v2, v11  }
0x91: {  	v2 =	vld [tilespmem:s13+$0xFFFFFFD0];
	v3 =	vmax.f32 v3, $0.0e+00  }
0x92: {  	v5 =	vld [tilespmem:s12+$0xFFFFFFE0];
	[tilespmem:s12+$0x40] =	vst v3;
	v1 =	vmax.f32 v1, $0.0e+00  }
0x93: {  	v3 =	vld [tilespmem:s13+$0x50];
	v7 =	vadd.f32 v8, v7;
	[tilespmem:s12+$0xFFFFFF40] =	vst v1  }
0x94: {  	v1 =	vld [tilespmem:s13+$0xFFFFFF50]  }
0x95: {  	v6 =	vld [tilespmem:s12+$0x60];
	v7 =	vmax.f32 v7, $0.0e+00  }
0x96: {  	v2 =	vadd.f32 v2, v12;
	[tilespmem:s12+$0xD0] =	vst v7;
	v7 =	vld [tilespmem:s12+$0xE0]  }
0x97: {  	v11 =	vld [tilespmem:s13+$0xE0]  }
0x98: {  	v2 =	vmax.f32 v2, $0.0e+00;
	v8 =	vadd.f32 v3, v10;
	v3 =	vld [tilespmem:s12+$0xFFFFFF70]  }
0x99: {  	[tilespmem:s12+$0xFFFFFFD0] =	vst v2;
	v1 =	vadd.f32 v1, v9;
	v2 =	vld [tilespmem:s12+$0xFFFFFFF0]  }
0x9a: {  	v9 =	vmax.f32 v8, $0.0e+00;
	v8 =	vld [tilespmem:s13+$0xFFFFFFE0]  }
0x9b: {  	[tilespmem:s12+$0x50] =	vst v9;
	v9 =	vmax.f32 v1, $0.0e+00;
	v1 =	vld [tilespmem:s12+$0x70]  }
0x9c: {  	[tilespmem:s12+$0xFFFFFF50] =	vst v9;
	v9 =	vld [tilespmem:s13+$0x60];
	v7 =	vadd.f32 v11, v7  }
0x9d: {  	s15 =	sor.u32 $0x100, s15;
	v10 =	vld [tilespmem:s13+$0xFFFFFF60]  }
0x9e: {  	s18 =	simm.s32 $0x600;
	s19 =	simm.s32 $0x4400;
	s16 =	simm.s32 $0x0;
	v11 =	vmax.f32 v7, $0.0e+00;
	v7 =	vld [tilespmem:s12+$0xF0]  }
.LBB2_5:
0x9f: {  	v12 =	vld [tilespmem:s18+$0x80];
	v5 =	vadd.f32 v8, v5;
	[tilespmem:s12+$0xE0] =	vst v11  }
0xa0: {  	s19 =	sadd.s32 $0x200, s19;
	v8 =	vld [tilespmem:s13+$0xF0]  }
0xa1: {  	s16 =	sadd.s32 $0x4, s16;
	v11 =	vld [tilespmem:s19+$0x80];
	v5 =	vmax.f32 v5, $0.0e+00;
	v6 =	vadd.f32 v9, v6  }
0xa2: {  	p1 =	slt.u32 s16, $0x7C;
	v9 =	vld [tilespmem:s19+$0xFFFFFF00];
	v4 =	vadd.f32 v10, v4;
	[tilespmem:s12+$0xFFFFFFE0] =	vst v5  }
0xa3: {  	v5 =	vld [tilespmem:s18+$0xFFFFFF80];
	v6 =	vmax.f32 v6, $0.0e+00  }
0xa4: {  	v10 =	vld [tilespmem:s19+$0xFFFFFF80];
	v4 =	vmax.f32 v4, $0.0e+00;
	[tilespmem:s12+$0x60] =	vst v6  }
0xa5: {  	v6 =	vld [tilespmem:s18+$0x0];
	[tilespmem:s12+$0xFFFFFF60] =	vst v4;
	v4 =	vadd.f32 v8, v7  }
0xa6: {  	v7 =	vld [tilespmem:s19+$0x0];
	v8 =	vadd.f32 v11, v12  }
0xa7: {  	v11 =	vld [tilespmem:s18+$0xFFFFFF00];
	v4 =	vmax.f32 v4, $0.0e+00  }
0xa8: {  	v12 =	vld [tilespmem:s18+$0xFFFFFF10];
	v8 =	vmax.f32 v8, $0.0e+00;
	[tilespmem:s12+$0xF0] =	vst v4  }
0xa9: {  	v4 =	vadd.f32 v10, v5;
	[tilespmem:s18+$0x80] =	vst v8;
	v5 =	vld [tilespmem:s18+$0x90]  }
0xaa: {  	v8 =	vld [tilespmem:s19+$0x90]  }
0xab: {  	v4 =	vmax.f32 v4, $0.0e+00;
	v10 =	vld [tilespmem:s18+$0xFFFFFF90];
	v6 =	vadd.f32 v7, v6  }
0xac: {  	v7 =	vadd.f32 v9, v11;
	[tilespmem:s18+$0xFFFFFF80] =	vst v4;
	v4 =	vld [tilespmem:s18+$0x10]  }
0xad: {  	v9 =	vld [tilespmem:s19+$0xFFFFFF90];
	v6 =	vmax.f32 v6, $0.0e+00  }
0xae: {  	v7 =	vmax.f32 v7, $0.0e+00;
	v11 =	vld [tilespmem:s18+$0xFFFFFF20];
	[tilespmem:s18+$0x0] =	vst v6  }
0xaf: {  	[tilespmem:s18+$0xFFFFFF00] =	vst v7;
	v6 =	vld [tilespmem:s19+$0x10];
	v5 =	vadd.f32 v8, v5  }
0xb0: {  	v7 =	vld [tilespmem:s19+$0xFFFFFF10]  }
0xb1: {  	v8 =	vld [tilespmem:s18+$0xFFFFFFA0];
	v5 =	vmax.f32 v5, $0.0e+00  }
0xb2: {  	v9 =	vadd.f32 v9, v10;
	[tilespmem:s18+$0x90] =	vst v5;
	v5 =	vld [tilespmem:s18+$0xA0]  }
0xb3: {  	v10 =	vld [tilespmem:s19+$0xA0]  }
0xb4: {  	v9 =	vmax.f32 v9, $0.0e+00;
	v4 =	vadd.f32 v6, v4;
	v6 =	vld [tilespmem:s18+$0x20]  }
0xb5: {  	v7 =	vadd.f32 v7, v12;
	v12 =	vld [tilespmem:s18+$0xFFFFFF30];
	[tilespmem:s18+$0xFFFFFF90] =	vst v9  }
0xb6: {  	v9 =	vld [tilespmem:s19+$0xFFFFFFA0];
	v4 =	vmax.f32 v4, $0.0e+00  }
0xb7: {  	v7 =	vmax.f32 v7, $0.0e+00;
	v13 =	vld [tilespmem:s18+$0xFFFFFFB0];
	[tilespmem:s18+$0x10] =	vst v4  }
0xb8: {  	[tilespmem:s18+$0xFFFFFF10] =	vst v7;
	v4 =	vld [tilespmem:s19+$0x20];
	v5 =	vadd.f32 v10, v5  }
0xb9: {  	v7 =	vld [tilespmem:s19+$0xFFFFFF20]  }
0xba: {  	v10 =	vld [tilespmem:s18+$0x30];
	v5 =	vmax.f32 v5, $0.0e+00  }
0xbb: {  	v8 =	vadd.f32 v9, v8;
	[tilespmem:s18+$0xA0] =	vst v5;
	v5 =	vld [tilespmem:s18+$0xB0]  }
0xbc: {  	v9 =	vld [tilespmem:s19+$0xB0]  }
0xbd: {  	v14 =	vld [tilespmem:s18+$0xFFFFFF40];
	v8 =	vmax.f32 v8, $0.0e+00;
	v4 =	vadd.f32 v4, v6  }
0xbe: {  	v6 =	vadd.f32 v7, v11;
	[tilespmem:s18+$0xFFFFFFA0] =	vst v8;
	v7 =	vld [tilespmem:s18+$0xFFFFFFC0]  }
0xbf: {  	v8 =	vld [tilespmem:s19+$0xFFFFFFB0];
	v4 =	vmax.f32 v4, $0.0e+00  }
0xc0: {  	v6 =	vmax.f32 v6, $0.0e+00;
	[tilespmem:s18+$0x20] =	vst v4;
	v11 =	vld [tilespmem:s18+$0x40]  }
0xc1: {  	[tilespmem:s18+$0xFFFFFF20] =	vst v6;
	v4 =	vld [tilespmem:s19+$0x30];
	v5 =	vadd.f32 v9, v5  }
0xc2: {  	v6 =	vld [tilespmem:s19+$0xFFFFFF30]  }
0xc3: {  	v9 =	vld [tilespmem:s18+$0xFFFFFF50];
	v5 =	vmax.f32 v5, $0.0e+00  }
0xc4: {  	v8 =	vadd.f32 v8, v13;
	[tilespmem:s18+$0xB0] =	vst v5;
	v5 =	vld [tilespmem:s18+$0xC0]  }
0xc5: {  	v13 =	vld [tilespmem:s19+$0xC0]  }
0xc6: {  	v8 =	vmax.f32 v8, $0.0e+00;
	v15 =	vld [tilespmem:s18+$0xFFFFFFD0];
	v4 =	vadd.f32 v4, v10  }
0xc7: {  	v6 =	vadd.f32 v6, v12;
	[tilespmem:s18+$0xFFFFFFB0] =	vst v8;
	v8 =	vld [tilespmem:s18+$0x50]  }
0xc8: {  	v10 =	vld [tilespmem:s19+$0xFFFFFFC0];
	v12 =	vmax.f32 v4, $0.0e+00  }
0xc9: {  	v6 =	vmax.f32 v6, $0.0e+00;
	v4 =	vld [tilespmem:s18+$0xFFFFFF60];
	[tilespmem:s18+$0x30] =	vst v12  }
0xca: {  	[tilespmem:s18+$0xFFFFFF30] =	vst v6;
	v6 =	vld [tilespmem:s19+$0x40];
	v12 =	vadd.f32 v13, v5  }
0xcb: {  	v13 =	vld [tilespmem:s19+$0xFFFFFF40]  }
0xcc: {  	v5 =	vld [tilespmem:s18+$0xFFFFFFE0];
	v12 =	vmax.f32 v12, $0.0e+00  }
0xcd: {  	v7 =	vadd.f32 v10, v7;
	[tilespmem:s18+$0xC0] =	vst v12;
	v10 =	vld [tilespmem:s18+$0xD0]  }
0xce: {  	v12 =	vld [tilespmem:s19+$0xD0]  }
0xcf: {  	v7 =	vmax.f32 v7, $0.0e+00;
	v11 =	vadd.f32 v6, v11;
	v6 =	vld [tilespmem:s18+$0x60]  }
0xd0: {  	v13 =	vadd.f32 v13, v14;
	[tilespmem:s18+$0xFFFFFFC0] =	vst v7;
	v7 =	vld [tilespmem:s13+$0xFFFFFF70]  }
0xd1: {  	v14 =	vld [tilespmem:s19+$0xFFFFFFD0];
	v11 =	vmax.f32 v11, $0.0e+00  }
0xd2: {  	v13 =	vmax.f32 v13, $0.0e+00;
	[tilespmem:s18+$0x40] =	vst v11;
	v11 =	vld [tilespmem:s13+$0xFFFFFFF0]  }
0xd3: {  	[tilespmem:s18+$0xFFFFFF40] =	vst v13;
	v13 =	vld [tilespmem:s19+$0x50];
	v10 =	vadd.f32 v12, v10  }
0xd4: {  	v12 =	vld [tilespmem:s19+$0xFFFFFF50]  }
0xd5: {  	v10 =	vmax.f32 v10, $0.0e+00;
	v3 =	vadd.f32 v7, v3;
	v7 =	vld [tilespmem:s13+$0x70];
	s13 =	smov.u32 s19  }
0xd6: {  	v14 =	vadd.f32 v14, v15;
	[tilespmem:s18+$0xD0] =	vst v10;
	v10 =	vld [tilespmem:s18+$0xE0]  }
0xd7: {  	v15 =	vld [tilespmem:s19+$0xE0];
	v16 =	vmax.f32 v3, $0.0e+00;
	v11 =	vadd.f32 v11, v2  }
0xd8: {  	v3 =	vld [tilespmem:s18+$0xFFFFFF70];
	v2 =	vmax.f32 v14, $0.0e+00;
	v13 =	vadd.f32 v13, v8;
	[tilespmem:s12+$0xFFFFFF70] =	vst v16  }
0xd9: {  	v9 =	vadd.f32 v12, v9;
	[tilespmem:s18+$0xFFFFFFD0] =	vst v2;
	v2 =	vld [tilespmem:s18+$0xFFFFFFF0];
	v11 =	vmax.f32 v11, $0.0e+00  }
.Ltmp1:
0xda: {  	v8 =	vld [tilespmem:s19+$0xFFFFFFE0];
	v12 =	vmax.f32 v13, $0.0e+00;
	[tilespmem:s12+$0xFFFFFFF0] =	vst v11;
	v7 =	vadd.f32 v7, v1;
	(pc) =	sbr.rel @p1 .LBB2_5-.Ltmp1, $4  }
0xdb: {  	v9 =	vmax.f32 v9, $0.0e+00;
	[tilespmem:s18+$0x50] =	vst v12;
	v1 =	vld [tilespmem:s18+$0x70]  }
0xdc: {  	[tilespmem:s18+$0xFFFFFF50] =	vst v9;
	v9 =	vld [tilespmem:s19+$0x60];
	v11 =	vadd.f32 v15, v10;
	v7 =	vmax.f32 v7, $0.0e+00  }
0xdd: {  	v10 =	vld [tilespmem:s19+$0xFFFFFF60];
	[tilespmem:s12+$0x70] =	vst v7;
	s12 =	smov.u32 s18  }
0xde: {  	s18 =	sadd.s32 $0x200, s18;
	v11 =	vmax.f32 v11, $0.0e+00;
	v7 =	vld [tilespmem:s12+$0xF0]  }
0xdf: {  	_ = 	snop  }
0xe0: {  	v5 =	vadd.f32 v8, v5  }
0xe1: {  	v6 =	vadd.f32 v9, v6  }
0xe2: {  	[tilespmem:s12+$0xE0] =	vst v11;
	v5 =	vmax.f32 v5, $0.0e+00;
	v4 =	vadd.f32 v10, v4  }
0xe3: {  	v58 =	vld [tilespmem:s13+$0xF0];
	[tilespmem:s12+$0xFFFFFFE0] =	vst v5;
	v59 =	vmax.f32 v6, $0.0e+00  }
0xe4: {  	v61 =	vld [tilespmem:s13+$0xFFFFFFF0];
	v4 =	vmax.f32 v4, $0.0e+00;
	[tilespmem:s12+$0x60] =	vst v59  }
0xe5: {  	[tilespmem:s12+$0xFFFFFF60] =	vst v4;
	v62 =	vld [tilespmem:s13+$0x70]  }
0xe6: {  	v60 =	vld [tilespmem:s13+$0xFFFFFF70];
	_ =	sdelay $0x1  }
0xe7: {  	v7 =	vadd.f32 v58, v7  }
0xe8: {  	v2 =	vadd.f32 v61, v2  }
0xe9: {  	v63 =	vmax.f32 v7, $0.0e+00;
	v1 =	vadd.f32 v62, v1  }
0xea: {  	[tilespmem:s12+$0xF0] =	vst v63;
	v2 =	vmax.f32 v2, $0.0e+00;
	v3 =	vadd.f32 v60, v3  }
0xeb: {  	[tilespmem:s12+$0xFFFFFFF0] =	vst v2;
	v1 =	vmax.f32 v1, $0.0e+00  }
0xec: {  	p1 =	sne.s32 s11, $0x4E;
	v3 =	vmax.f32 v3, $0.0e+00;
	[tilespmem:s12+$0x70] =	vst v1  }
.Ltmp2:
0xed: {  	[tilespmem:s12+$0xFFFFFF70] =	vst v3;
	(pc) =	sbr.rel @p1 .LBB2_4-.Ltmp2, $4  }
0xee: {  	[spmem:s2] =	stream.indirect.scatter.add.f32 [tilespmem:s24], [sflag:$0x7], $0x80, s15, s28, $0xb8;
	[tilespmem:$0x1BB80] =	vst v63  }
0xef: {  	_ =	swait.ge [sflag:s25], $0x4000  }
0xf0: {  	[sflag:s25] =	ssyncset.done $0x0  }
0xf1: {  	[sflag:s25] =	ssyncadd.s32 $0xFFFFC000  }
0xf2: {  	s0 =	rddreg [dreg:$0xa];
	s11 =	simm.s32 $0x200  }
0xf3: {  	[tilespmem:s11], [sflag:$0x7] =	stream.linear.gather [hbm4b:s0+s3], $0x10, $0x38;
	[tilespmem:$0x1BB80] =	vst v63  }
0xf4: {  	_ =	swait.ge [sflag:s25], $0x10  }
0xf5: {  	[sflag:s25] =	ssyncset.done $0x0  }
0xf6: {  	s19 =	rddreg [dreg:$0xb];
	[sflag:s25] =	ssyncadd.s32 $0xFFFFFFF0  }
0xf7: {  	[tilespmem:s26], [sflag:$0x7] =	stream.linear.gather [hbm4b:s19+s3], $0x10, $0x38;
	[tilespmem:$0x1BB80] =	vst v63  }
0xf8: {  	_ =	swait.ge [sflag:s25], $0x10  }
0xf9: {  	[sflag:s25] =	ssyncset.done $0x0  }
0xfa: {  	[sflag:s25] =	ssyncadd.s32 $0xFFFFFFF0  }
0xfb: {  	[tilespmem:s24], [sflag:$0x5] =	stream.indirect.gather [hbm4b:s1+s4], $0x80, s11, s4, $0xb8;
	[tilespmem:$0x1BB80] =	vst v63  }
0xfc: {  	_ = 	snop  }
0xfd: {  	[tilespmem:s29], [sflag:$0x6] =	stream.linear.gather [hbm4b:s20+s3], $0x800, $0x38;
	[tilespmem:$0x1BB80] =	vst v63  }
0xfe: {  	_ =	swait.ge [sflag:s30], $0x800  }
0xff: {  	[sflag:s30] =	ssyncset.done $0x0  }
0x100: {  	[sflag:s30] =	ssyncadd.s32 $0xFFFFF800  }
0x101: {  	_ =	swait.ge [sflag:s31], $0x800  }
0x102: {  	[sflag:s31] =	ssyncset.done $0x0  }
0x103: {  	s11 =	simm.s32 $0x400;
	[sflag:s31] =	ssyncadd.s32 $0xFFFFF800  }
0x104: {  	s12 =	simm.s32 $0x4400;
	v1 =	vld [tilespmem:s11+$0x80]  }
0x105: {  	v2 =	vld [tilespmem:s12+$0x80]  }
0x106: {  	v3 =	vld [tilespmem:s12+$0xFFFFFF00]  }
0x107: {  	v4 =	vld [tilespmem:s11+$0xFFFFFF80]  }
0x108: {  	v5 =	vld [tilespmem:s12+$0xFFFFFF80]  }
0x109: {  	v6 =	vld [tilespmem:s12+$0x0]  }
0x10a: {  	v1 =	vadd.f32 v2, v1;
	v2 =	vld [tilespmem:s11+$0x0]  }
0x10b: {  	v7 =	vld [tilespmem:s11+$0xFFFFFF00]  }
0x10c: {  	v1 =	vmax.f32 v1, $0.0e+00  }
0x10d: {  	v4 =	vadd.f32 v5, v4;
	[tilespmem:s11+$0x80] =	vst v1;
	v1 =	vld [tilespmem:s11+$0x90]  }
0x10e: {  	v8 =	vld [tilespmem:s12+$0x90]  }
0x10f: {  	v9 =	vld [tilespmem:s11+$0xFFFFFF90];
	v4 =	vmax.f32 v4, $0.0e+00;
	v2 =	vadd.f32 v6, v2  }
0x110: {  	v5 =	vld [tilespmem:s11+$0xFFFFFF10];
	v3 =	vadd.f32 v3, v7;
	[tilespmem:s11+$0xFFFFFF80] =	vst v4  }
0x111: {  	v6 =	vld [tilespmem:s12+$0xFFFFFF90];
	v2 =	vmax.f32 v2, $0.0e+00  }
0x112: {  	v3 =	vmax.f32 v3, $0.0e+00;
	v4 =	vld [tilespmem:s11+$0x10];
	[tilespmem:s11+$0x0] =	vst v2  }
0x113: {  	[tilespmem:s11+$0xFFFFFF00] =	vst v3;
	v1 =	vadd.f32 v8, v1;
	v2 =	vld [tilespmem:s12+$0x10]  }
0x114: {  	v3 =	vld [tilespmem:s12+$0xFFFFFF10]  }
0x115: {  	v1 =	vmax.f32 v1, $0.0e+00  }
0x116: {  	v6 =	vadd.f32 v6, v9;
	[tilespmem:s11+$0x90] =	vst v1;
	v1 =	vld [tilespmem:s11+$0xA0]  }
0x117: {  	v8 =	vld [tilespmem:s12+$0xA0]  }
0x118: {  	v7 =	vld [tilespmem:s11+$0xFFFFFF20];
	v6 =	vmax.f32 v6, $0.0e+00;
	v2 =	vadd.f32 v2, v4  }
0x119: {  	v3 =	vadd.f32 v3, v5;
	v9 =	vld [tilespmem:s11+$0xFFFFFFA0];
	[tilespmem:s11+$0xFFFFFF90] =	vst v6  }
0x11a: {  	v5 =	vld [tilespmem:s12+$0xFFFFFFA0];
	v2 =	vmax.f32 v2, $0.0e+00  }
0x11b: {  	v3 =	vmax.f32 v3, $0.0e+00;
	v4 =	vld [tilespmem:s11+$0x20];
	[tilespmem:s11+$0x10] =	vst v2  }
0x11c: {  	[tilespmem:s11+$0xFFFFFF10] =	vst v3;
	v1 =	vadd.f32 v8, v1;
	v2 =	vld [tilespmem:s12+$0x20]  }
0x11d: {  	v3 =	vld [tilespmem:s12+$0xFFFFFF20]  }
0x11e: {  	v1 =	vmax.f32 v1, $0.0e+00  }
0x11f: {  	v5 =	vadd.f32 v5, v9;
	[tilespmem:s11+$0xA0] =	vst v1;
	v1 =	vld [tilespmem:s11+$0xB0]  }
0x120: {  	v8 =	vld [tilespmem:s12+$0xB0]  }
0x121: {  	v10 =	vld [tilespmem:s11+$0x30];
	v5 =	vmax.f32 v5, $0.0e+00;
	v2 =	vadd.f32 v2, v4  }
0x122: {  	v3 =	vadd.f32 v3, v7;
	v9 =	vld [tilespmem:s11+$0xFFFFFFB0];
	[tilespmem:s11+$0xFFFFFFA0] =	vst v5  }
0x123: {  	v4 =	vld [tilespmem:s12+$0xFFFFFFB0];
	v2 =	vmax.f32 v2, $0.0e+00  }
0x124: {  	v6 =	vld [tilespmem:s11+$0xFFFFFF30];
	[tilespmem:s11+$0x20] =	vst v2;
	v2 =	vmax.f32 v3, $0.0e+00  }
0x125: {  	v1 =	vadd.f32 v8, v1;
	[tilespmem:s11+$0xFFFFFF20] =	vst v2;
	v2 =	vld [tilespmem:s12+$0x30]  }
0x126: {  	v7 =	vld [tilespmem:s12+$0xFFFFFF30]  }
0x127: {  	v11 =	vld [tilespmem:s11+$0xFFFFFF40];
	v1 =	vmax.f32 v1, $0.0e+00  }
0x128: {  	v4 =	vadd.f32 v4, v9;
	[tilespmem:s11+$0xB0] =	vst v1;
	v1 =	vld [tilespmem:s11+$0xC0]  }
0x129: {  	v8 =	vld [tilespmem:s12+$0xC0]  }
0x12a: {  	v12 =	vld [tilespmem:s11+$0xFFFFFFD0];
	v4 =	vmax.f32 v4, $0.0e+00;
	v2 =	vadd.f32 v2, v10  }
0x12b: {  	v5 =	vld [tilespmem:s11+$0xFFFFFFC0];
	[tilespmem:s11+$0xFFFFFFB0] =	vst v4;
	v6 =	vadd.f32 v7, v6  }
0x12c: {  	v7 =	vld [tilespmem:s12+$0xFFFFFFC0];
	v2 =	vmax.f32 v2, $0.0e+00  }
0x12d: {  	v3 =	vld [tilespmem:s11+$0x40];
	[tilespmem:s11+$0x30] =	vst v2;
	v2 =	vmax.f32 v6, $0.0e+00  }
0x12e: {  	v1 =	vadd.f32 v8, v1;
	v6 =	vld [tilespmem:s12+$0x40];
	[tilespmem:s11+$0xFFFFFF30] =	vst v2  }
0x12f: {  	v2 =	vld [tilespmem:s12+$0xFFFFFF40]  }
0x130: {  	v9 =	vld [tilespmem:s11+$0xFFFFFF50];
	v1 =	vmax.f32 v1, $0.0e+00  }
0x131: {  	[tilespmem:s11+$0xC0] =	vst v1;
	v1 =	vadd.f32 v7, v5;
	v7 =	vld [tilespmem:s11+$0xD0]  }
0x132: {  	v8 =	vld [tilespmem:s12+$0xD0]  }
0x133: {  	v4 =	vld [tilespmem:s11+$0xFFFFFF60];
	v1 =	vmax.f32 v1, $0.0e+00;
	v3 =	vadd.f32 v6, v3  }
0x134: {  	v10 =	vld [tilespmem:s11+$0x50];
	[tilespmem:s11+$0xFFFFFFC0] =	vst v1;
	v1 =	vadd.f32 v2, v11  }
0x135: {  	v2 =	vld [tilespmem:s12+$0xFFFFFFD0];
	v3 =	vmax.f32 v3, $0.0e+00  }
0x136: {  	v5 =	vld [tilespmem:s11+$0xFFFFFFE0];
	[tilespmem:s11+$0x40] =	vst v3;
	v1 =	vmax.f32 v1, $0.0e+00  }
0x137: {  	v3 =	vld [tilespmem:s12+$0x50];
	v7 =	vadd.f32 v8, v7;
	[tilespmem:s11+$0xFFFFFF40] =	vst v1  }
0x138: {  	v1 =	vld [tilespmem:s12+$0xFFFFFF50]  }
0x139: {  	v6 =	vld [tilespmem:s11+$0x60];
	v7 =	vmax.f32 v7, $0.0e+00  }
0x13a: {  	v2 =	vadd.f32 v2, v12;
	[tilespmem:s11+$0xD0] =	vst v7;
	v7 =	vld [tilespmem:s11+$0xE0]  }
0x13b: {  	v11 =	vld [tilespmem:s12+$0xE0]  }
0x13c: {  	v2 =	vmax.f32 v2, $0.0e+00;
	v8 =	vadd.f32 v3, v10;
	v3 =	vld [tilespmem:s11+$0xFFFFFF70]  }
0x13d: {  	[tilespmem:s11+$0xFFFFFFD0] =	vst v2;
	v1 =	vadd.f32 v1, v9;
	v2 =	vld [tilespmem:s11+$0xFFFFFFF0]  }
0x13e: {  	v9 =	vmax.f32 v8, $0.0e+00;
	v8 =	vld [tilespmem:s12+$0xFFFFFFE0]  }
0x13f: {  	[tilespmem:s11+$0x50] =	vst v9;
	v9 =	vmax.f32 v1, $0.0e+00;
	v1 =	vld [tilespmem:s11+$0x70]  }
0x140: {  	[tilespmem:s11+$0xFFFFFF50] =	vst v9;
	v9 =	vld [tilespmem:s12+$0x60];
	v7 =	vadd.f32 v11, v7  }
0x141: {  	v10 =	vld [tilespmem:s12+$0xFFFFFF60]  }
0x142: {  	s13 =	simm.s32 $0x0;
	s15 =	simm.s32 $0x600;
	s16 =	simm.s32 $0x4400;
	v11 =	vmax.f32 v7, $0.0e+00;
	v7 =	vld [tilespmem:s11+$0xF0]  }
.LBB2_8:
0x143: {  	v12 =	vld [tilespmem:s15+$0x80];
	v5 =	vadd.f32 v8, v5;
	[tilespmem:s11+$0xE0] =	vst v11  }
0x144: {  	s16 =	sadd.s32 $0x200, s16;
	v8 =	vld [tilespmem:s12+$0xF0]  }
0x145: {  	s13 =	sadd.s32 $0x4, s13;
	v11 =	vld [tilespmem:s16+$0x80];
	v5 =	vmax.f32 v5, $0.0e+00;
	v6 =	vadd.f32 v9, v6  }
0x146: {  	p1 =	slt.u32 s13, $0xC;
	v9 =	vld [tilespmem:s16+$0xFFFFFF00];
	v4 =	vadd.f32 v10, v4;
	[tilespmem:s11+$0xFFFFFFE0] =	vst v5  }
0x147: {  	v5 =	vld [tilespmem:s15+$0xFFFFFF80];
	v6 =	vmax.f32 v6, $0.0e+00  }
0x148: {  	v10 =	vld [tilespmem:s16+$0xFFFFFF80];
	v4 =	vmax.f32 v4, $0.0e+00;
	[tilespmem:s11+$0x60] =	vst v6  }
0x149: {  	v6 =	vld [tilespmem:s15+$0x0];
	[tilespmem:s11+$0xFFFFFF60] =	vst v4;
	v4 =	vadd.f32 v8, v7  }
0x14a: {  	v7 =	vld [tilespmem:s16+$0x0];
	v8 =	vadd.f32 v11, v12  }
0x14b: {  	v11 =	vld [tilespmem:s15+$0xFFFFFF00];
	v4 =	vmax.f32 v4, $0.0e+00  }
0x14c: {  	v12 =	vld [tilespmem:s15+$0xFFFFFF10];
	v8 =	vmax.f32 v8, $0.0e+00;
	[tilespmem:s11+$0xF0] =	vst v4  }
0x14d: {  	v4 =	vadd.f32 v10, v5;
	[tilespmem:s15+$0x80] =	vst v8;
	v5 =	vld [tilespmem:s15+$0x90]  }
0x14e: {  	v8 =	vld [tilespmem:s16+$0x90]  }
0x14f: {  	v4 =	vmax.f32 v4, $0.0e+00;
	v10 =	vld [tilespmem:s15+$0xFFFFFF90];
	v6 =	vadd.f32 v7, v6  }
0x150: {  	v7 =	vadd.f32 v9, v11;
	[tilespmem:s15+$0xFFFFFF80] =	vst v4;
	v4 =	vld [tilespmem:s15+$0x10]  }
0x151: {  	v9 =	vld [tilespmem:s16+$0xFFFFFF90];
	v6 =	vmax.f32 v6, $0.0e+00  }
0x152: {  	v7 =	vmax.f32 v7, $0.0e+00;
	v11 =	vld [tilespmem:s15+$0xFFFFFF20];
	[tilespmem:s15+$0x0] =	vst v6  }
0x153: {  	[tilespmem:s15+$0xFFFFFF00] =	vst v7;
	v6 =	vld [tilespmem:s16+$0x10];
	v5 =	vadd.f32 v8, v5  }
0x154: {  	v7 =	vld [tilespmem:s16+$0xFFFFFF10]  }
0x155: {  	v8 =	vld [tilespmem:s15+$0xFFFFFFA0];
	v5 =	vmax.f32 v5, $0.0e+00  }
0x156: {  	v9 =	vadd.f32 v9, v10;
	[tilespmem:s15+$0x90] =	vst v5;
	v5 =	vld [tilespmem:s15+$0xA0]  }
0x157: {  	v10 =	vld [tilespmem:s16+$0xA0]  }
0x158: {  	v9 =	vmax.f32 v9, $0.0e+00;
	v4 =	vadd.f32 v6, v4;
	v6 =	vld [tilespmem:s15+$0x20]  }
0x159: {  	v7 =	vadd.f32 v7, v12;
	v12 =	vld [tilespmem:s15+$0xFFFFFF30];
	[tilespmem:s15+$0xFFFFFF90] =	vst v9  }
0x15a: {  	v9 =	vld [tilespmem:s16+$0xFFFFFFA0];
	v4 =	vmax.f32 v4, $0.0e+00  }
0x15b: {  	v7 =	vmax.f32 v7, $0.0e+00;
	v13 =	vld [tilespmem:s15+$0xFFFFFFB0];
	[tilespmem:s15+$0x10] =	vst v4  }
0x15c: {  	[tilespmem:s15+$0xFFFFFF10] =	vst v7;
	v4 =	vld [tilespmem:s16+$0x20];
	v5 =	vadd.f32 v10, v5  }
0x15d: {  	v7 =	vld [tilespmem:s16+$0xFFFFFF20]  }
0x15e: {  	v10 =	vld [tilespmem:s15+$0x30];
	v5 =	vmax.f32 v5, $0.0e+00  }
0x15f: {  	v8 =	vadd.f32 v9, v8;
	[tilespmem:s15+$0xA0] =	vst v5;
	v5 =	vld [tilespmem:s15+$0xB0]  }
0x160: {  	v9 =	vld [tilespmem:s16+$0xB0]  }
0x161: {  	v14 =	vld [tilespmem:s15+$0xFFFFFF40];
	v8 =	vmax.f32 v8, $0.0e+00;
	v4 =	vadd.f32 v4, v6  }
0x162: {  	v6 =	vadd.f32 v7, v11;
	[tilespmem:s15+$0xFFFFFFA0] =	vst v8;
	v7 =	vld [tilespmem:s15+$0xFFFFFFC0]  }
0x163: {  	v8 =	vld [tilespmem:s16+$0xFFFFFFB0];
	v4 =	vmax.f32 v4, $0.0e+00  }
0x164: {  	v6 =	vmax.f32 v6, $0.0e+00;
	[tilespmem:s15+$0x20] =	vst v4;
	v11 =	vld [tilespmem:s15+$0x40]  }
0x165: {  	[tilespmem:s15+$0xFFFFFF20] =	vst v6;
	v4 =	vld [tilespmem:s16+$0x30];
	v5 =	vadd.f32 v9, v5  }
0x166: {  	v6 =	vld [tilespmem:s16+$0xFFFFFF30]  }
0x167: {  	v9 =	vld [tilespmem:s15+$0xFFFFFF50];
	v5 =	vmax.f32 v5, $0.0e+00  }
0x168: {  	v8 =	vadd.f32 v8, v13;
	[tilespmem:s15+$0xB0] =	vst v5;
	v5 =	vld [tilespmem:s15+$0xC0]  }
0x169: {  	v13 =	vld [tilespmem:s16+$0xC0]  }
0x16a: {  	v8 =	vmax.f32 v8, $0.0e+00;
	v15 =	vld [tilespmem:s15+$0xFFFFFFD0];
	v4 =	vadd.f32 v4, v10  }
0x16b: {  	v6 =	vadd.f32 v6, v12;
	[tilespmem:s15+$0xFFFFFFB0] =	vst v8;
	v8 =	vld [tilespmem:s15+$0x50]  }
0x16c: {  	v10 =	vld [tilespmem:s16+$0xFFFFFFC0];
	v12 =	vmax.f32 v4, $0.0e+00  }
0x16d: {  	v6 =	vmax.f32 v6, $0.0e+00;
	v4 =	vld [tilespmem:s15+$0xFFFFFF60];
	[tilespmem:s15+$0x30] =	vst v12  }
0x16e: {  	[tilespmem:s15+$0xFFFFFF30] =	vst v6;
	v6 =	vld [tilespmem:s16+$0x40];
	v12 =	vadd.f32 v13, v5  }
0x16f: {  	v13 =	vld [tilespmem:s16+$0xFFFFFF40]  }
0x170: {  	v5 =	vld [tilespmem:s15+$0xFFFFFFE0];
	v12 =	vmax.f32 v12, $0.0e+00  }
0x171: {  	v7 =	vadd.f32 v10, v7;
	[tilespmem:s15+$0xC0] =	vst v12;
	v10 =	vld [tilespmem:s15+$0xD0]  }
0x172: {  	v12 =	vld [tilespmem:s16+$0xD0]  }
0x173: {  	v7 =	vmax.f32 v7, $0.0e+00;
	v11 =	vadd.f32 v6, v11;
	v6 =	vld [tilespmem:s15+$0x60]  }
0x174: {  	v13 =	vadd.f32 v13, v14;
	[tilespmem:s15+$0xFFFFFFC0] =	vst v7;
	v7 =	vld [tilespmem:s12+$0xFFFFFF70]  }
0x175: {  	v14 =	vld [tilespmem:s16+$0xFFFFFFD0];
	v11 =	vmax.f32 v11, $0.0e+00  }
0x176: {  	v13 =	vmax.f32 v13, $0.0e+00;
	[tilespmem:s15+$0x40] =	vst v11;
	v11 =	vld [tilespmem:s12+$0xFFFFFFF0]  }
0x177: {  	[tilespmem:s15+$0xFFFFFF40] =	vst v13;
	v13 =	vld [tilespmem:s16+$0x50];
	v10 =	vadd.f32 v12, v10  }
0x178: {  	v12 =	vld [tilespmem:s16+$0xFFFFFF50]  }
0x179: {  	v10 =	vmax.f32 v10, $0.0e+00;
	v3 =	vadd.f32 v7, v3;
	v7 =	vld [tilespmem:s12+$0x70];
	s12 =	smov.u32 s16  }
0x17a: {  	v14 =	vadd.f32 v14, v15;
	[tilespmem:s15+$0xD0] =	vst v10;
	v10 =	vld [tilespmem:s15+$0xE0]  }
0x17b: {  	v15 =	vld [tilespmem:s16+$0xE0];
	v16 =	vmax.f32 v3, $0.0e+00;
	v11 =	vadd.f32 v11, v2  }
0x17c: {  	v3 =	vld [tilespmem:s15+$0xFFFFFF70];
	v2 =	vmax.f32 v14, $0.0e+00;
	v13 =	vadd.f32 v13, v8;
	[tilespmem:s11+$0xFFFFFF70] =	vst v16  }
0x17d: {  	v9 =	vadd.f32 v12, v9;
	[tilespmem:s15+$0xFFFFFFD0] =	vst v2;
	v2 =	vld [tilespmem:s15+$0xFFFFFFF0];
	v11 =	vmax.f32 v11, $0.0e+00  }
.Ltmp3:
0x17e: {  	v8 =	vld [tilespmem:s16+$0xFFFFFFE0];
	v12 =	vmax.f32 v13, $0.0e+00;
	[tilespmem:s11+$0xFFFFFFF0] =	vst v11;
	v7 =	vadd.f32 v7, v1;
	(pc) =	sbr.rel @p1 .LBB2_8-.Ltmp3, $4  }
0x17f: {  	v9 =	vmax.f32 v9, $0.0e+00;
	[tilespmem:s15+$0x50] =	vst v12;
	v1 =	vld [tilespmem:s15+$0x70]  }
0x180: {  	[tilespmem:s15+$0xFFFFFF50] =	vst v9;
	v9 =	vld [tilespmem:s16+$0x60];
	v11 =	vadd.f32 v15, v10;
	v7 =	vmax.f32 v7, $0.0e+00  }
0x181: {  	v10 =	vld [tilespmem:s16+$0xFFFFFF60];
	[tilespmem:s11+$0x70] =	vst v7;
	s11 =	smov.u32 s15  }
0x182: {  	s15 =	sadd.s32 $0x200, s15;
	v11 =	vmax.f32 v11, $0.0e+00;
	v7 =	vld [tilespmem:s11+$0xF0]  }
0x183: {  	_ = 	snop  }
0x184: {  	v5 =	vadd.f32 v8, v5  }
0x185: {  	v6 =	vadd.f32 v9, v6  }
0x186: {  	[tilespmem:s11+$0xE0] =	vst v11;
	v5 =	vmax.f32 v5, $0.0e+00;
	v4 =	vadd.f32 v10, v4  }
0x187: {  	v58 =	vld [tilespmem:s12+$0xF0];
	[tilespmem:s11+$0xFFFFFFE0] =	vst v5;
	v59 =	vmax.f32 v6, $0.0e+00  }
0x188: {  	v61 =	vld [tilespmem:s12+$0xFFFFFFF0];
	v4 =	vmax.f32 v4, $0.0e+00;
	[tilespmem:s11+$0x60] =	vst v59  }
0x189: {  	[tilespmem:s11+$0xFFFFFF60] =	vst v4;
	v62 =	vld [tilespmem:s12+$0x70]  }
0x18a: {  	v60 =	vld [tilespmem:s12+$0xFFFFFF70];
	_ =	sdelay $0x1  }
0x18b: {  	v7 =	vadd.f32 v58, v7  }
0x18c: {  	v2 =	vadd.f32 v61, v2  }
0x18d: {  	v63 =	vmax.f32 v7, $0.0e+00;
	v1 =	vadd.f32 v62, v1  }
0x18e: {  	[tilespmem:s11+$0xF0] =	vst v63;
	v2 =	vmax.f32 v2, $0.0e+00;
	v3 =	vadd.f32 v60, v3  }
0x18f: {  	[tilespmem:s11+$0xFFFFFFF0] =	vst v2;
	v1 =	vmax.f32 v1, $0.0e+00  }
0x190: {  	v3 =	vmax.f32 v3, $0.0e+00;
	[tilespmem:s11+$0x70] =	vst v1  }
0x191: {  	[tilespmem:s11+$0xFFFFFF70] =	vst v3  }
0x192: {  	[spmem:s2] =	stream.indirect.scatter.add.f32 [tilespmem:s24], [sflag:$0x7], $0x80, s26, s4, $0xb8;
	[tilespmem:$0x1BB80] =	vst v63  }
0x193: {  	_ =	swait.ge [sflag:s25], $0x800  }
0x194: {  	s0 =	stileid.u32;
	[sflag:s25] =	ssyncset.done $0x0  }
0x195: {  	s0 =	sshll.u32 s0, $0x6;
	[sflag:s25] =	ssyncadd.s32 $0xFFFFF800  }
0x196: {  	s19 =	sshrl.u32 s9, $0x3;
	s0 =	sor.u32 $0x1C07, s0;
	[bflag:$0x0] =	sbarrier.arrive $0xFFFF  }
0x197: {  	[hbm:s21], [sflag:s0] =	dma.local [spmem:s19], $0x2700  }
0x198: {  	_ =	swait.ge [sflag:s25], $0x2700  }
0x199: {  	s10 =	sadd.s32 $0x1, s10;
	[sflag:s25] =	ssyncset.done $0x0  }
0x19a: {  	p1 =	sne.s32 s10, s23;
	s11 =	sshrl.u32 @!p0 s14, $0x3;
	[sflag:s25] =	ssyncadd.s32 $0xFFFFD900  }
0x19b: {  	[hbm:s22], [sflag:s0] =	dma.local @!p0 [spmem:s11], $0x100  }
.Ltmp4:
0x19c: {  	_ = 	snop;
	(pc) =	sbr.rel @p1 .LBB2_1-.Ltmp4, $4  }
0x19d: {  	s0 =	simm.s32 @!p0 $0x7  }
0x19e: {  	_ =	swait.ge @!p0 [sflag:s0], $0x100  }
0x19f: {  	[sflag:s0] =	ssyncset.done @!p0 $0x0  }
0x1a0: {  	[sflag:s0] =	ssyncadd.s32 @!p0 $0xFFFFFF00  }
0x1a1: {  	_ =	sfence.sel $0x180000  }
0x1a2: {  	[bflag:$0x0] =	sbarrier.arrive $0xFFFF  }
0x1a3: {  	_ =	strace $0x90000047  }
0x1a4: {  	s0 =	stileid.u32;
	[bflag:$0x2] =	sbarrier.arrive $0xFFFF  }
0x1a5: {  	p0 =	sne.s32 s0, $0x0;
	s0 =	rddreg [dreg:$0x3]  }
0x1a6: {  	s0 =	sadd.s32 @!p0 $0x100000, s0  }
0x1a7: {  	[sflag:s0] =	ssyncadd.tile.s32 @!p0 $0x1;
	_ =	shalt  }
.Lfunc_end2:
_tile_overlayer_lowered:
.L_overlay_start_2:
0x1a8: {  	(tag) =	ssettag $0x2  }
0x1a9: {  	s0 =	rddreg [dreg:$0x0];
	s2 =	stileid.u32  }
0x1aa: {  	s1 =	rddreg [dreg:$0x1];
	p0 =	sne.s32 s2, $0x0  }
0x1ab: {  	s3 =	rddreg [dreg:$0x2];
	[bflag:$0x3] =	sbarrier.arrive $0xFFFF;
	s2 =	simm.s32 @!p0 $0x1C07  }
0x1ac: {  	[timem:s3], [sflag:s2] =	dma.local @!p0 [hbm:s0], s1  }
0x1ad: {  	s0 =	simm.s32 @!p0 $0x7  }
0x1ae: {  	_ =	swait.ge @!p0 [sflag:s0], s1  }
0x1af: {  	s1 =	ssub.s32 @!p0 $0x0, s1;
	[sflag:s0] =	ssyncset.done @!p0 $0x0  }
0x1b0: {  	[sflag:s0] =	ssyncadd.s32 @!p0 s1  }
0x1b1: {  	[bflag:$0x3] =	sbarrier.arrive $0xFFFF  }
0x1b2: {  	_ =	shalt  }

// kernel: kernel.13.cloned.1.call-start
scs
__scs_entry_jumppad:
0x0: {  	(pc) =	sbr.rel $0x88, $3  }
0x1: {  	(tag) =	ssettag $0x0;
	lr =	simm.s32 $0x1  }
0x2: {  	[smem:$0x3F98] =	sst lr;
	_ =	strace $0xD0000000  }
0x3: {  	_ = 	snop  }
0x4: {  	_ = 	snop  }
0x5: {  	_ = 	snop  }
0x6: {  	_ = 	snop  }
0x7: {  	_ = 	snop  }
__scs_overlays_trampoline_lowered:
0x8: {  	[smem:$0x3FA7] =	sst s0  }
0x9: {  	[smem:$0x3FA8] =	sst s1  }
0xa: {  	[smem:$0x3FA9] =	sst s2  }
0xb: {  	[smem:$0x3FAA] =	sst s3  }
0xc: {  	[smem:$0x3FAB] =	sst s4  }
0xd: {  	[smem:$0x3FAC] =	sst s5  }
0xe: {  	[smem:$0x3FAD] =	sst s6  }
0xf: {  	[smem:$0x3FAE] =	sst s7  }
0x10: {  	[smem:$0x3FAF] =	sst s8  }
0x11: {  	[smem:$0x3FB0] =	sst s9;
	s0 =	simm.s32 @!p0 $0x0  }
0x12: {  	s1 =	sld [smem:$0x3F96];
	s0 =	simm.s32 @p0 $0x1  }
0x13: {  	[smem:$0x3FB1] =	sst s0;
	s0 =	simm.s32 @!p1 $0x0  }
0x14: {  	s2 =	sld [smem:$0x3F95];
	s0 =	simm.s32 @p1 $0x1  }
0x15: {  	[smem:$0x3FB2] =	sst s0;
	s0 =	simm.s32 @!p2 $0x0  }
0x16: {  	s3 =	sld [smem:$0x3FDB];
	s0 =	simm.s32 @p2 $0x1  }
0x17: {  	s4 =	simm.s32 $0x1BF5;
	[smem:$0x3FB4] =	sst s0  }
0x18: {  	s0 =	sld [smem:$0x3F97];
	_ =	swait.ge [sflag:s4], $0x0  }
0x19: {  	s7 =	sld [smem:$0x3F98]  }
0x1a: {  	s8 =	sadd.s32 $0xFFFFE003, lr  }
0x1b: {  	s9 =	sadd.s32 $0xFFFFFEF7, lr;
	s5 =	simm.s32 $0xFFFFFFFF;
	p2 =	slt.u32 s8, $0xFFFFF086  }
0x1c: {  	p1 =	slt.u32 s9, $0xF7A;
	s5 =	simm.s32 @!p2 $0x0  }
0x1d: {  	s5 =	simm.s32 @p1 $0x1;
	p0 =	seq.s32 s7, s2  }
0x1e: {  	s7 =	smul.u32 @!p0 $0xF7A, s2;
	p2 =	seq.s32 @!p0 s5, $0x0  }
0x1f: {  	s9 =	smul.u32 $0xF7A, s1;
	s8 =	simm.s32 @!p0 $0x1BF5;
	p2 =	por !p2, p0  }
0x20: {  	[sflag:s8] =	ssyncset.s32 @!p0 $0xFFFFF086;
	s6 =	sadd.s32 @!p0 s3, s7;
	s7 =	simm.s32 @!p0 $0x108  }
0x21: {  	s3 =	sadd.s32 s3, s9;
	s6 =	sadd.s32 @!p0 $0x88, s6;
	s7 =	simm.s32 @p2 $0x1082  }
0x22: {  	[simem:s7], [sflag:s8] =	dma.local @!p0 [hbm:s6], $0xF7A  }
0x23: {  	s9 =	sor.u32 $0xD0000000, s2;
	s6 =	simm.s32 $0x108;
	_ =	swait.ge @!p0 [sflag:s8], $0x0  }
0x24: {  	s3 =	sadd.s32 $0x88, s3;
	s6 =	simm.s32 @!p1 $0x1082;
	[sflag:s4] =	ssyncset.s32 $0xFFFFF086  }
0x25: {  	[simem:s6], [sflag:s4] =	dma.local [hbm:s3], $0xF7A  }
0x26: {  	[smem:$0x3F98] =	sst s1;
	(tag) =	ssettag s2;
	_ =	strace s9  }
0x27: {  	s1 =	sld [smem:$0x3FA8]  }
0x28: {  	s2 =	sld [smem:$0x3FA9]  }
0x29: {  	s4 =	sld [smem:$0x3FAB]  }
0x2a: {  	p0 =	seq.s32 s5, $0x0;
	s5 =	sld [smem:$0x3FAC]  }
0x2b: {  	s6 =	sld [smem:$0x3FAD]  }
0x2c: {  	s7 =	sld [smem:$0x3FAE]  }
0x2d: {  	s3 =	simm.s32 $0x108;
	s8 =	sld [smem:$0x3FAF]  }
0x2e: {  	s3 =	simm.s32 @!p0 $0x1082;
	s9 =	sld [smem:$0x3FB0]  }
0x2f: {  	lr =	sadd.s32 s0, s3;
	s0 =	sld [smem:$0x3FA7]  }
0x30: {  	s3 =	sld [smem:$0x3FAA]  }
0x31: {  	[smem:$0x3FB3] =	sst s10  }
0x32: {  	s10 =	sld [smem:$0x3FB1];
	_ =	sdelay $0x3  }
0x33: {  	p0 =	seq.s32 s10, $0x1;
	s10 =	sld [smem:$0x3FB3];
	_ =	sdelay $0x3  }
0x34: {  	[smem:$0x3FB3] =	sst s10  }
0x35: {  	s10 =	sld [smem:$0x3FB2];
	_ =	sdelay $0x3  }
0x36: {  	p1 =	seq.s32 s10, $0x1;
	s10 =	sld [smem:$0x3FB3];
	_ =	sdelay $0x3  }
0x37: {  	[smem:$0x3FB3] =	sst s10  }
0x38: {  	s10 =	sld [smem:$0x3FB4]  }
0x39: {  	_ = 	snop;
	(pc) =	sbr.ind lr, $3  }
0x3a: {  	_ = 	snop  }
0x3b: {  	_ = 	snop  }
0x3c: {  	p2 =	seq.s32 s10, $0x1;
	s10 =	sld [smem:$0x3FB3]  }
0x3d: {  	_ =	shalt  }
0x3e: {  	_ =	shalt  }
0x3f: {  	_ =	shalt  }
0x40: {  	_ =	shalt  }
0x41: {  	_ =	shalt  }
0x42: {  	_ =	shalt  }
0x43: {  	_ =	shalt  }
0x44: {  	_ =	shalt  }
0x45: {  	_ =	shalt  }
0x46: {  	_ =	shalt  }
0x47: {  	_ =	shalt  }
0x48: {  	_ =	shalt  }
0x49: {  	_ =	shalt  }
0x4a: {  	_ =	shalt  }
0x4b: {  	_ =	shalt  }
0x4c: {  	_ =	shalt  }
0x4d: {  	_ =	shalt  }
0x4e: {  	_ =	shalt  }
0x4f: {  	_ =	shalt  }
0x50: {  	_ =	shalt  }
0x51: {  	_ =	shalt  }
0x52: {  	_ =	shalt  }
0x53: {  	_ =	shalt  }
0x54: {  	_ =	shalt  }
0x55: {  	_ =	shalt  }
0x56: {  	_ =	shalt  }
0x57: {  	_ =	shalt  }
0x58: {  	_ =	shalt  }
0x59: {  	_ =	shalt  }
0x5a: {  	_ =	shalt  }
0x5b: {  	_ =	shalt  }
0x5c: {  	_ =	shalt  }
0x5d: {  	_ =	shalt  }
0x5e: {  	_ =	shalt  }
0x5f: {  	_ =	shalt  }
0x60: {  	_ =	shalt  }
0x61: {  	_ =	shalt  }
0x62: {  	_ =	shalt  }
0x63: {  	_ =	shalt  }
0x64: {  	_ =	shalt  }
0x65: {  	_ =	shalt  }
0x66: {  	_ =	shalt  }
0x67: {  	_ =	shalt  }
0x68: {  	_ =	shalt  }
0x69: {  	_ =	shalt  }
0x6a: {  	_ =	shalt  }
0x6b: {  	_ =	shalt  }
0x6c: {  	_ =	shalt  }
0x6d: {  	_ =	shalt  }
0x6e: {  	_ =	shalt  }
0x6f: {  	_ =	shalt  }
0x70: {  	_ =	shalt  }
0x71: {  	_ =	shalt  }
0x72: {  	_ =	shalt  }
0x73: {  	_ =	shalt  }
0x74: {  	_ =	shalt  }
0x75: {  	_ =	shalt  }
0x76: {  	_ =	shalt  }
0x77: {  	_ =	shalt  }
0x78: {  	_ =	shalt  }
0x79: {  	_ =	shalt  }
0x7a: {  	_ =	shalt  }
0x7b: {  	_ =	shalt  }
0x7c: {  	_ =	shalt  }
0x7d: {  	_ =	shalt  }
0x7e: {  	_ =	shalt  }
0x7f: {  	_ =	shalt  }
0x80: {  	_ =	shalt  }
0x81: {  	_ =	shalt  }
0x82: {  	_ =	shalt  }
0x83: {  	_ =	shalt  }
0x84: {  	_ =	shalt  }
0x85: {  	_ =	shalt  }
0x86: {  	_ =	shalt  }
0x87: {  	_ =	shalt  }
.Lfunc_end0:
.L_simem_size_0:
called_computation.1_lowered:
.L_overlay_start_0:
0x88: {  	s2 =	sld [smem:$0x3FD9]  }
0x89: {  	s3 =	sld [smem:$0x3FFE];
	_ =	sdelay $0x1  }
0x8a: {  	s1 =	srdreg.scid  }
0x8b: {  	s0 =	sand.u32 $0x1, s1  }
0x8c: {  	s17 =	sshll.u32 s0, $0xA;
	s2 =	sadd.s32 s3, s2  }
0x8d: {  	s2 =	sadd.s32 s2, s17  }
0x8e: {  	[smem:$0x3FBF] =	sst s2  }
0x8f: {  	_ = 	snop  }
0x90: {  	s2 =	sld [smem:$0x3FD0];
	(tm) =	ssettm $0x1  }
0x91: {  	s18 =	sld [smem:$0x3FFB];
	_ =	sdelay $0x3  }
0x92: {  	_ =	strace s18  }
0x93: {  	s3 =	sld [smem:$0x3FFC];
	_ =	sdelay $0x3  }
0x94: {  	_ =	strace s3  }
0x95: {  	s3 =	sld [smem:$0x3FFD];
	_ =	sdelay $0x3  }
0x96: {  	_ =	strace s3  }
0x97: {  	_ =	strace $0x8FFFFFFF  }
0x98: {  	s19 =	sld [smem:$0x3FDB];
	_ =	sdelay $0x1  }
0x99: {  	s4 =	simm.s32 $_scs_section_size  }
0x9a: {  	s5 =	simm.s32 $_size__tile_overlayer_lowered;
	s6 =	simm.s32 $_tile_overlayer_lowered  }
0x9b: {  	s22 =	simm.s32 $0x1BFF;
	s21 =	sshll.u32 s6, $0x1;
	s3 =	sadd.s32 s4, s19  }
0x9c: {  	s7 =	simm.s32 $0x0;
	s20 =	sshll.u32 s5, $0x1;
	s5 =	sadd.s32 s21, s3  }
0x9d: {  	[timem:s7], [sflag:s22] =	dma.local [hbm:s5], s20  }
0x9e: {  	_ =	swait.ge [sflag:s22], s20  }
0x9f: {  	s4 =	ssub.s32 $0x0, s20;
	[sflag:s22] =	ssyncset.done $0x0  }
0xa0: {  	[sflag:s22] =	ssyncadd.s32 s4;
	_ =	sdelay $0x1  }
0xa1: {  	s23 =	simm.s32 $0x1B8B  }
0xa2: {  	_ =	swait.ge [sflag:s23], $0x1  }
0xa3: {  	[sflag:s23] =	ssyncset.done $0x0  }
0xa4: {  	s25 =	simm.s32 $0x1B8E;
	s24 =	sld [smem:$0x3FFE];
	[sflag:s23] =	ssyncadd.s32 $0xFFFFFFFF  }
0xa5: {  	s26 =	simm.s32 $execute0_lowered;
	[smem:$0x3FD2] =	sst s25  }
0xa6: {  	s5 =	sshll.u32 s26, $0x1;
	_ =	strace $0x80000049;
	[dreg:$0x1] =	wrdreg $0xFFFFFFFF  }
0xa7: {  	s28 =	simm.s32 $_size_execute0_lowered;
	s3 =	sadd.s32 s3, s5;
	[dreg:$0x0] =	wrdreg $0x0  }
0xa8: {  	s5 =	sshll.u32 s28, $0x1;
	[dreg:$0x2] =	wrdreg s3  }
0xa9: {  	[dreg:$0x3] =	wrdreg s5  }
0xaa: {  	[dreg:$0x4] =	wrdreg $0xC0  }
0xab: {  	_ =	task [dreg:s7], $0x5FFFF  }
0xac: {  	[dreg:$0x1] =	wrdreg $0xFFFFFFFF  }
0xad: {  	[dreg:$0x0] =	wrdreg $0x60  }
0xae: {  	[dreg:$0x2] =	wrdreg s2  }
0xaf: {  	[dreg:$0x3] =	wrdreg s24  }
0xb0: {  	[dreg:$0x4] =	wrdreg $0x83000  }
0xb1: {  	[dreg:$0x5] =	wrdreg $0x9  }
0xb2: {  	_ =	task.clear_ibuf [dreg:s7], $0x6FFFF;
	_ =	strace $0x90000049  }
0xb3: {  	s29 =	simm.s32 $0x9;
	_ =	strace $0x8000004B  }
0xb4: {  	_ =	swait.ge [sflag:s29], $0x1  }
0xb5: {  	[sflag:s29] =	ssyncadd.s32 $0xFFFFFFFF  }
0xb6: {  	_ =	strace $0x9000004B  }
0xb7: {  	_ =	sfence  }
0xb8: {  	s30 =	sld [smem:$0x0];
	_ =	sdelay $0x2  }
0xb9: {  	s31 =	sshll.u32 s1, $0xD;
	s1 =	sshrl.u32 s1, $0x2  }
0xba: {  	s3 =	sand.u32 $0x4000, s31;
	s1 =	sadd.s32 s1, s30  }
0xbb: {  	s0 =	sor.u32 s3, s0;
	s1 =	sshll.u32 s1, $0x11  }
0xbc: {  	s0 =	sor.u32 s1, s0  }
0xbd: {  	s0 =	sadd.s32 $0x8F2B, s0  }
0xbe: {  	[sflag:s0] =	ssyncadd.remote.s32 $0x1  }
0xbf: {  	_ =	sfence.sel $0xFFFF  }
0xc0: {  	[dreg:$0x0] =	wrdreg $0xFFFFFFFF;
	(pc) =	sbr.abs _section_cstart, $3  }
0xc1: {  	[dreg:$0x1] =	wrdreg $0xFFFFFFFF  }
0xc2: {  	_ =	task.clear_ibuf [dreg:s7], $0x2FFFF;
	_ =	strace $0x9FFFFFFF  }
0xc3: {  	(tm) =	ssettm $0x7FFFFFFF  }
tec
execute0_lowered:
.L_overlay_start_1:
0x0: {  	(tag) =	ssettag $0x1  }
0x1: {  	s1 =	rddreg [dreg:$0x0]  }
0x2: {  	s0 =	rddreg [dreg:$0x1]  }
0x3: {  	s2 =	rddreg [dreg:$0x2];
	s3 =	simm.s32 $0x0  }
0x4: {  	s4 =	srdreg.scid;
	s16 =	stileid.u32;
	s28 =	simm.s32 $0x80  }
0x5: {  	s29 =	simm.s32 $0x4300;
	s30 =	simm.s32 $0x6;
	s31 =	simm.s32 $0x5  }
0x6: {  	[smem:$0x7FF] =	sst s3;
	s4 =	sand.u32 $0x1, s4;
	s8 =	smul.u32 $0x4E000, s16  }
0x7: {  	s5 =	sadd.s32 $0xA2A400, s0;
	s6 =	sadd.s32 $0x4F0400, s0;
	s9 =	ssub.s32 $0x2, s4  }
0x8: {  	s7 =	sadd.s32 $0x4E6600, s0;
	s11 =	sshrl.u32 s9, $0x1;
	s12 =	sshrl.u32 s8, $0x2  }
0x9: {  	s0 =	sadd.s32 $0x2BE00, s0;
	s11 =	ssub.s32 s9, s11;
	s9 =	sadd.s32 s12, s2  }
0xa: {  	s14 =	sadd.s32 $0x138000, s2;
	_ =	strace $0x8000004A;
	s12 =	sadd.s32 $0x4000, s9  }
0xb: {  	s10 =	sshll.u32 s4, $0x4;
	s15 =	sadd.s32 $0x8000, s9;
	[dreg:$0x4] =	wrdreg s12  }
0xc: {  	s10 =	sor.u32 s16, s10;
	s17 =	sadd.s32 $0xC000, s9;
	[dreg:$0x5] =	wrdreg s15  }
0xd: {  	s8 =	smul.u32 $0x2710, s10;
	s18 =	sadd.s32 $0x10000, s9;
	[dreg:$0x6] =	wrdreg s17  }
0xe: {  	p0 =	sne.s32 s16, $0xF;
	s4 =	smul.u32 $0x138800, s4;
	[dreg:$0x7] =	wrdreg s18  }
0xf: {  	s19 =	sshrl.u32 s8, $0x3;
	s20 =	sadd.s32 $0x2700, s8;
	s15 =	smul.u32 $0x13800, s16  }
0x10: {  	s17 =	smul.u32 $0x138800, s10;
	s10 =	simm.s32 $0x0;
	s13 =	sadd.s32 s6, s19  }
0x11: {  	s12 =	sadd.s32 s7, s19;
	s21 =	sshrl.u32 s20, $0x3;
	[dreg:$0x8] =	wrdreg s13  }
0x12: {  	s24 =	sshll.u32 s20, $0x4;
	[dreg:$0x9] =	wrdreg s12;
	s22 =	sadd.s32 s6, s21  }
0x13: {  	s23 =	sadd.s32 s7, s21;
	s25 =	sadd.s32 s15, s4;
	s4 =	sshrl.u32 s4, $0x3  }
0x14: {  	s20 =	sadd.s32 s5, s24;
	s24 =	simm.s32 $0x300;
	[dreg:$0xa] =	wrdreg s22  }
0x15: {  	[dreg:$0xb] =	wrdreg s23;
	s26 =	sshrl.u32 s25, $0x3;
	s4 =	sadd.s32 s0, s4  }
0x16: {  	s23 =	smax.u32 s11, $0x1;
	s25 =	simm.s32 $0x7;
	s21 =	sadd.s32 s0, s26  }
0x17: {  	v0 =	vimm.f32 $0.0e+00;
	s22 =	sadd.s32 $0x27000, s4;
	s26 =	simm.s32 $0x280;
	s4 =	simm.s32 $0x10  }
.LBB2_1:
0x18: {  	s11 =	simm.s32 $0x0;
	s12 =	simm.s32 $0x200  }
.LBB2_2:
0x19: {  	p1 =	sne.s32 s12, $0xFE00;
	[tilespmem:s11+$0x370] =	vst v0  }
0x1a: {  	[tilespmem:s11+$0x300] =	vst v0  }
0x1b: {  	[tilespmem:s11+$0x310] =	vst v0  }
.Ltmp0:
0x1c: {  	[tilespmem:s11+$0x320] =	vst v0;
	(pc) =	sbr.rel @p1 .LBB2_2-.Ltmp0, $4  }
0x1d: {  	[tilespmem:s11+$0x330] =	vst v0  }
0x1e: {  	[tilespmem:s11+$0x340] =	vst v0  }
0x1f: {  	[tilespmem:s11+$0x350] =	vst v0  }
0x20: {  	[tilespmem:s11+$0x360] =	vst v0;
	s11 =	sshra.s32 s12, $0x2;
	s12 =	sadd.s32 $0x200, s12  }
0x21: {  	[tilespmem:s11+$0x370] =	vst v0  }
0x22: {  	[tilespmem:s11+$0x300] =	vst v0  }
0x23: {  	[tilespmem:s11+$0x310] =	vst v0  }
0x24: {  	[tilespmem:s11+$0x320] =	vst v0  }
0x25: {  	[tilespmem:s11+$0x330] =	vst v0  }
0x26: {  	[tilespmem:s11+$0x340] =	vst v0  }
0x27: {  	[tilespmem:s11+$0x350] =	vst v0  }
0x28: {  	[tilespmem:s11+$0x360] =	vst v0  }
0x29: {  	[spmem:s9] =	stream.linear.scatter [tilespmem:s24], [sflag:$0x7], $0x4000, $0x38;
	[tilespmem:$0x1BB80] =	vst v63  }
0x2a: {  	_ =	swait.ge [sflag:s25], $0x4000  }
0x2b: {  	[sflag:s25] =	ssyncset.done $0x0  }
0x2c: {  	s0 =	rddreg [dreg:$0x4];
	[sflag:s25] =	ssyncadd.s32 $0xFFFFC000  }
0x2d: {  	[spmem:s0] =	stream.linear.scatter [tilespmem:s24], [sflag:$0x7], $0x4000, $0x38;
	[tilespmem:$0x1BB80] =	vst v63  }
0x2e: {  	_ =	swait.ge [sflag:s25], $0x4000  }
0x2f: {  	[sflag:s25] =	ssyncset.done $0x0  }
0x30: {  	s13 =	rddreg [dreg:$0x5];
	[sflag:s25] =	ssyncadd.s32 $0xFFFFC000  }
0x31: {  	[spmem:s13] =	stream.linear.scatter [tilespmem:s24], [sflag:$0x7], $0x4000, $0x38;
	[tilespmem:$0x1BB80] =	vst v63  }
0x32: {  	_ =	swait.ge [sflag:s25], $0x4000  }
0x33: {  	[sflag:s25] =	ssyncset.done $0x0  }
0x34: {  	s15 =	rddreg [dreg:$0x6];
	[sflag:s25] =	ssyncadd.s32 $0xFFFFC000  }
0x35: {  	[spmem:s15] =	stream.linear.scatter [tilespmem:s24], [sflag:$0x7], $0x4000, $0x38;
	[tilespmem:$0x1BB80] =	vst v63  }
0x36: {  	_ =	swait.ge [sflag:s25], $0x4000  }
0x37: {  	[sflag:s25] =	ssyncset.done $0x0  }
0x38: {  	s16 =	rddreg [dreg:$0x7];
	[sflag:s25] =	ssyncadd.s32 $0xFFFFC000  }
0x39: {  	[spmem:s16] =	stream.linear.scatter [tilespmem:s24], [sflag:$0x7], $0x3800, $0x38;
	[tilespmem:$0x1BB80] =	vst v63  }
0x3a: {  	_ =	swait.ge [sflag:s25], $0x3800  }
0x3b: {  	[sflag:s25] =	ssyncset.done $0x0  }
0x3c: {  	s11 =	simm.s32 @!p0 $0x300;
	[sflag:s25] =	ssyncadd.s32 $0xFFFFC800  }
0x3d: {  	[spmem:s14] =	stream.linear.scatter @!p0 [tilespmem:s11], [sflag:$0x7], $0x800, $0x38;
	[tilespmem:$0x1BB80] =	vst v63  }
0x3e: {  	s11 =	simm.s32 @!p0 $0x7  }
0x3f: {  	_ =	swait.ge @!p0 [sflag:s11], $0x800  }
0x40: {  	[sflag:s11] =	ssyncset.done @!p0 $0x0  }
0x41: {  	[sflag:s11] =	ssyncadd.s32 @!p0 $0xFFFFF800  }
0x42: {  	[bflag:$0x0] =	sbarrier.arrive $0xFFFF  }
0x43: {  	s11 =	simm.s32 $0x0;
	s18 =	rddreg [dreg:$0x8]  }
0x44: {  	[tilespmem:s11], [sflag:$0x1] =	stream.linear.gather [hbm4b:s18+s11], $0x80, $0x38;
	[tilespmem:$0x1BB80] =	vst v63  }
0x45: {  	s12 =	simm.s32 $0x100;
	s19 =	rddreg [dreg:$0x9]  }
0x46: {  	[tilespmem:s12], [sflag:$0x3] =	stream.linear.gather [hbm4b:s19+s11], $0x80, $0x38;
	[tilespmem:$0x1BB80] =	vst v63  }
.LBB2_4:
0x47: {  	s16 =	sand.u32 $0x1, s11  }
0x48: {  	s13 =	sadd.s32 $0x1, s16  }
0x49: {  	_ =	swait.ge [sflag:s13], $0x80  }
0x4a: {  	[sflag:s13] =	ssyncset.done $0x0  }
0x4b: {  	s12 =	smov.u32 s11;
	s18 =	sadd.s32 $0x3, s16;
	[sflag:s13] =	ssyncadd.s32 $0xFFFFFF80  }
0x4c: {  	s19 =	sshll.u32 s12, $0xE;
	_ =	swait.ge [sflag:s18], $0x80  }
0x4d: {  	s11 =	sadd.s32 s17, s19;
	[sflag:s18] =	ssyncset.done $0x0  }
0x4e: {  	s15 =	sshll.u32 s16, $0x7;
	s11 =	sshrl.u32 s11, $0x3;
	[sflag:s18] =	ssyncadd.s32 $0xFFFFFF80  }
0x4f: {  	[tilespmem:s24], [sflag:$0x5] =	stream.indirect.gather [hbm4b:s1+s28], $0x80, s15, s28, $0xb8;
	[tilespmem:$0x1BB80] =	vst v63  }
0x50: {  	s11 =	sadd.s32 s5, s11  }
0x51: {  	[tilespmem:s29], [sflag:$0x6] =	stream.linear.gather [hbm4b:s11+s3], $0x4000, $0x38;
	[tilespmem:$0x1BB80] =	vst v63  }
0x52: {  	p1 =	seq.s32 s12, $0x4D;
	s11 =	sadd.s32 $0x1, s12  }
0x53: {  	s12 =	sshll.u32 @!p1 s11, $0x7  }
0x54: {  	s12 =	sadd.s32 @!p1 s8, s12  }
0x55: {  	s0 =	simm.s32 @!p1 $0x0;
	s13 =	sand.u32 @!p1 $0x1, s11;
	s12 =	sshrl.u32 @!p1 s12, $0x3  }
0x56: {  	s16 =	sshll.u32 @!p1 s13, $0x7;
	s18 =	sadd.s32 @!p1 $0x1, s13;
	s19 =	sadd.s32 @!p1 s6, s12  }
0x57: {  	[tilespmem:s16], [sflag:s18] =	stream.linear.gather @!p1 [hbm4b:s19+s0], $0x80, $0x38;
	[tilespmem:$0x1BB80] =	vst v63  }
0x58: {  	s13 =	sadd.s32 @!p1 $0x3, s13;
	s12 =	sadd.s32 @!p1 s7, s12;
	s16 =	sor.u32 @!p1 $0x100, s16  }
0x59: {  	[tilespmem:s16], [sflag:s13] =	stream.linear.gather @!p1 [hbm4b:s12+s0], $0x80, $0x38;
	[tilespmem:$0x1BB80] =	vst v63  }
0x5a: {  	_ =	swait.ge [sflag:s30], $0x4000  }
0x5b: {  	[sflag:s30] =	ssyncset.done $0x0  }
0x5c: {  	[sflag:s30] =	ssyncadd.s32 $0xFFFFC000  }
0x5d: {  	_ =	swait.ge [sflag:s31], $0x4000  }
0x5e: {  	[sflag:s31] =	ssyncset.done $0x0  }
0x5f: {  	s12 =	simm.s32 $0x400;
	[sflag:s31] =	ssyncadd.s32 $0xFFFFC000  }
0x60: {  	s13 =	simm.s32 $0x4400;
	v1 =	vld [tilespmem:s12+$0x80]  }
0x61: {  	v2 =	vld [tilespmem:s13+$0x80]  }
0x62: {  	v3 =	vld [tilespmem:s13+$0xFFFFFF00]  }
0x63: {  	v4 =	vld [tilespmem:s12+$0xFFFFFF80]  }
0x64: {  	v5 =	vld [tilespmem:s13+$0xFFFFFF80]  }
0x65: {  	v6 =	vld [tilespmem:s13+$0x0]  }
0x66: {  	v1 =	vadd.f32 v2, v1;
	v2 =	vld [tilespmem:s12+$0x0]  }
0x67: {  	v7 =	vld [tilespmem:s12+$0xFFFFFF00]  }
0x68: {  	v1 =	vmax.f32 v1, $0.0e+00  }
0x69: {  	v4 =	vadd.f32 v5, v4;
	[tilespmem:s12+$0x80] =	vst v1;
	v1 =	vld [tilespmem:s12+$0x90]  }
0x6a: {  	v8 =	vld [tilespmem:s13+$0x90]  }
0x6b: {  	v9 =	vld [tilespmem:s12+$0xFFFFFF90];
	v4 =	vmax.f32 v4, $0.0e+00;
	v2 =	vadd.f32 v6, v2  }
0x6c: {  	v5 =	vld [tilespmem:s12+$0xFFFFFF10];
	v3 =	vadd.f32 v3, v7;
	[tilespmem:s12+$0xFFFFFF80] =	vst v4  }
0x6d: {  	v6 =	vld [tilespmem:s13+$0xFFFFFF90];
	v2 =	vmax.f32 v2, $0.0e+00  }
0x6e: {  	v3 =	vmax.f32 v3, $0.0e+00;
	v4 =	vld [tilespmem:s12+$0x10];
	[tilespmem:s12+$0x0] =	vst v2  }
0x6f: {  	[tilespmem:s12+$0xFFFFFF00] =	vst v3;
	v1 =	vadd.f32 v8, v1;
	v2 =	vld [tilespmem:s13+$0x10]  }
0x70: {  	v3 =	vld [tilespmem:s13+$0xFFFFFF10]  }
0x71: {  	v1 =	vmax.f32 v1, $0.0e+00  }
0x72: {  	v6 =	vadd.f32 v6, v9;
	[tilespmem:s12+$0x90] =	vst v1;
	v1 =	vld [tilespmem:s12+$0xA0]  }
0x73: {  	v8 =	vld [tilespmem:s13+$0xA0]  }
0x74: {  	v7 =	vld [tilespmem:s12+$0xFFFFFF20];
	v6 =	vmax.f32 v6, $0.0e+00;
	v2 =	vadd.f32 v2, v4  }
0x75: {  	v3 =	vadd.f32 v3, v5;
	v9 =	vld [tilespmem:s12+$0xFFFFFFA0];
	[tilespmem:s12+$0xFFFFFF90] =	vst v6  }
0x76: {  	v5 =	vld [tilespmem:s13+$0xFFFFFFA0];
	v2 =	vmax.f32 v2, $0.0e+00  }
0x77: {  	v3 =	vmax.f32 v3, $0.0e+00;
	v4 =	vld [tilespmem:s12+$0x20];
	[tilespmem:s12+$0x10] =	vst v2  }
0x78: {  	[tilespmem:s12+$0xFFFFFF10] =	vst v3;
	v1 =	vadd.f32 v8, v1;
	v2 =	vld [tilespmem:s13+$0x20]  }
0x79: {  	v3 =	vld [tilespmem:s13+$0xFFFFFF20]  }
0x7a: {  	v1 =	vmax.f32 v1, $0.0e+00  }
0x7b: {  	v5 =	vadd.f32 v5, v9;
	[tilespmem:s12+$0xA0] =	vst v1;
	v1 =	vld [tilespmem:s12+$0xB0]  }
0x7c: {  	v8 =	vld [tilespmem:s13+$0xB0]  }
0x7d: {  	v10 =	vld [tilespmem:s12+$0x30];
	v5 =	vmax.f32 v5, $0.0e+00;
	v2 =	vadd.f32 v2, v4  }
0x7e: {  	v3 =	vadd.f32 v3, v7;
	v9 =	vld [tilespmem:s12+$0xFFFFFFB0];
	[tilespmem:s12+$0xFFFFFFA0] =	vst v5  }
0x7f: {  	v4 =	vld [tilespmem:s13+$0xFFFFFFB0];
	v2 =	vmax.f32 v2, $0.0e+00  }
0x80: {  	v6 =	vld [tilespmem:s12+$0xFFFFFF30];
	[tilespmem:s12+$0x20] =	vst v2;
	v2 =	vmax.f32 v3, $0.0e+00  }
0x81: {  	v1 =	vadd.f32 v8, v1;
	[tilespmem:s12+$0xFFFFFF20] =	vst v2;
	v2 =	vld [tilespmem:s13+$0x30]  }
0x82: {  	v7 =	vld [tilespmem:s13+$0xFFFFFF30]  }
0x83: {  	v11 =	vld [tilespmem:s12+$0xFFFFFF40];
	v1 =	vmax.f32 v1, $0.0e+00  }
0x84: {  	v4 =	vadd.f32 v4, v9;
	[tilespmem:s12+$0xB0] =	vst v1;
	v1 =	vld [tilespmem:s12+$0xC0]  }
0x85: {  	v8 =	vld [tilespmem:s13+$0xC0]  }
0x86: {  	v12 =	vld [tilespmem:s12+$0xFFFFFFD0];
	v4 =	vmax.f32 v4, $0.0e+00;
	v2 =	vadd.f32 v2, v10  }
0x87: {  	v5 =	vld [tilespmem:s12+$0xFFFFFFC0];
	[tilespmem:s12+$0xFFFFFFB0] =	vst v4;
	v6 =	vadd.f32 v7, v6  }
0x88: {  	v7 =	vld [tilespmem:s13+$0xFFFFFFC0];
	v2 =	vmax.f32 v2, $0.0e+00  }
0x89: {  	v3 =	vld [tilespmem:s12+$0x40];
	[tilespmem:s12+$0x30] =	vst v2;
	v2 =	vmax.f32 v6, $0.0e+00  }
0x8a: {  	v1 =	vadd.f32 v8, v1;
	v6 =	vld [tilespmem:s13+$0x40];
	[tilespmem:s12+$0xFFFFFF30] =	vst v2  }
0x8b: {  	v2 =	vld [tilespmem:s13+$0xFFFFFF40]  }
0x8c: {  	v9 =	vld [tilespmem:s12+$0xFFFFFF50];
	v1 =	vmax.f32 v1, $0.0e+00  }
0x8d: {  	[tilespmem:s12+$0xC0] =	vst v1;
	v1 =	vadd.f32 v7, v5;
	v7 =	vld [tilespmem:s12+$0xD0]  }
0x8e: {  	v8 =	vld [tilespmem:s13+$0xD0]  }
0x8f: {  	v4 =	vld [tilespmem:s12+$0xFFFFFF60];
	v1 =	vmax.f32 v1, $0.0e+00;
	v3 =	vadd.f32 v6, v3  }
0x90: {  	v10 =	vld [tilespmem:s12+$0x50];
	[tilespmem:s12+$0xFFFFFFC0] =	vst v1;
	v1 =	vadd.f32 v2, v11  }
0x91: {  	v2 =	vld [tilespmem:s13+$0xFFFFFFD0];
	v3 =	vmax.f32 v3, $0.0e+00  }
0x92: {  	v5 =	vld [tilespmem:s12+$0xFFFFFFE0];
	[tilespmem:s12+$0x40] =	vst v3;
	v1 =	vmax.f32 v1, $0.0e+00  }
0x93: {  	v3 =	vld [tilespmem:s13+$0x50];
	v7 =	vadd.f32 v8, v7;
	[tilespmem:s12+$0xFFFFFF40] =	vst v1  }
0x94: {  	v1 =	vld [tilespmem:s13+$0xFFFFFF50]  }
0x95: {  	v6 =	vld [tilespmem:s12+$0x60];
	v7 =	vmax.f32 v7, $0.0e+00  }
0x96: {  	v2 =	vadd.f32 v2, v12;
	[tilespmem:s12+$0xD0] =	vst v7;
	v7 =	vld [tilespmem:s12+$0xE0]  }
0x97: {  	v11 =	vld [tilespmem:s13+$0xE0]  }
0x98: {  	v2 =	vmax.f32 v2, $0.0e+00;
	v8 =	vadd.f32 v3, v10;
	v3 =	vld [tilespmem:s12+$0xFFFFFF70]  }
0x99: {  	[tilespmem:s12+$0xFFFFFFD0] =	vst v2;
	v1 =	vadd.f32 v1, v9;
	v2 =	vld [tilespmem:s12+$0xFFFFFFF0]  }
0x9a: {  	v9 =	vmax.f32 v8, $0.0e+00;
	v8 =	vld [tilespmem:s13+$0xFFFFFFE0]  }
0x9b: {  	[tilespmem:s12+$0x50] =	vst v9;
	v9 =	vmax.f32 v1, $0.0e+00;
	v1 =	vld [tilespmem:s12+$0x70]  }
0x9c: {  	[tilespmem:s12+$0xFFFFFF50] =	vst v9;
	v9 =	vld [tilespmem:s13+$0x60];
	v7 =	vadd.f32 v11, v7  }
0x9d: {  	s15 =	sor.u32 $0x100, s15;
	v10 =	vld [tilespmem:s13+$0xFFFFFF60]  }
0x9e: {  	s18 =	simm.s32 $0x600;
	s19 =	simm.s32 $0x4400;
	s16 =	simm.s32 $0x0;
	v11 =	vmax.f32 v7, $0.0e+00;
	v7 =	vld [tilespmem:s12+$0xF0]  }
.LBB2_5:
0x9f: {  	v12 =	vld [tilespmem:s18+$0x80];
	v5 =	vadd.f32 v8, v5;
	[tilespmem:s12+$0xE0] =	vst v11  }
0xa0: {  	s19 =	sadd.s32 $0x200, s19;
	v8 =	vld [tilespmem:s13+$0xF0]  }
0xa1: {  	s16 =	sadd.s32 $0x4, s16;
	v11 =	vld [tilespmem:s19+$0x80];
	v5 =	vmax.f32 v5, $0.0e+00;
	v6 =	vadd.f32 v9, v6  }
0xa2: {  	p1 =	slt.u32 s16, $0x7C;
	v9 =	vld [tilespmem:s19+$0xFFFFFF00];
	v4 =	vadd.f32 v10, v4;
	[tilespmem:s12+$0xFFFFFFE0] =	vst v5  }
0xa3: {  	v5 =	vld [tilespmem:s18+$0xFFFFFF80];
	v6 =	vmax.f32 v6, $0.0e+00  }
0xa4: {  	v10 =	vld [tilespmem:s19+$0xFFFFFF80];
	v4 =	vmax.f32 v4, $0.0e+00;
	[tilespmem:s12+$0x60] =	vst v6  }
0xa5: {  	v6 =	vld [tilespmem:s18+$0x0];
	[tilespmem:s12+$0xFFFFFF60] =	vst v4;
	v4 =	vadd.f32 v8, v7  }
0xa6: {  	v7 =	vld [tilespmem:s19+$0x0];
	v8 =	vadd.f32 v11, v12  }
0xa7: {  	v11 =	vld [tilespmem:s18+$0xFFFFFF00];
	v4 =	vmax.f32 v4, $0.0e+00  }
0xa8: {  	v12 =	vld [tilespmem:s18+$0xFFFFFF10];
	v8 =	vmax.f32 v8, $0.0e+00;
	[tilespmem:s12+$0xF0] =	vst v4  }
0xa9: {  	v4 =	vadd.f32 v10, v5;
	[tilespmem:s18+$0x80] =	vst v8;
	v5 =	vld [tilespmem:s18+$0x90]  }
0xaa: {  	v8 =	vld [tilespmem:s19+$0x90]  }
0xab: {  	v4 =	vmax.f32 v4, $0.0e+00;
	v10 =	vld [tilespmem:s18+$0xFFFFFF90];
	v6 =	vadd.f32 v7, v6  }
0xac: {  	v7 =	vadd.f32 v9, v11;
	[tilespmem:s18+$0xFFFFFF80] =	vst v4;
	v4 =	vld [tilespmem:s18+$0x10]  }
0xad: {  	v9 =	vld [tilespmem:s19+$0xFFFFFF90];
	v6 =	vmax.f32 v6, $0.0e+00  }
0xae: {  	v7 =	vmax.f32 v7, $0.0e+00;
	v11 =	vld [tilespmem:s18+$0xFFFFFF20];
	[tilespmem:s18+$0x0] =	vst v6  }
0xaf: {  	[tilespmem:s18+$0xFFFFFF00] =	vst v7;
	v6 =	vld [tilespmem:s19+$0x10];
	v5 =	vadd.f32 v8, v5  }
0xb0: {  	v7 =	vld [tilespmem:s19+$0xFFFFFF10]  }
0xb1: {  	v8 =	vld [tilespmem:s18+$0xFFFFFFA0];
	v5 =	vmax.f32 v5, $0.0e+00  }
0xb2: {  	v9 =	vadd.f32 v9, v10;
	[tilespmem:s18+$0x90] =	vst v5;
	v5 =	vld [tilespmem:s18+$0xA0]  }
0xb3: {  	v10 =	vld [tilespmem:s19+$0xA0]  }
0xb4: {  	v9 =	vmax.f32 v9, $0.0e+00;
	v4 =	vadd.f32 v6, v4;
	v6 =	vld [tilespmem:s18+$0x20]  }
0xb5: {  	v7 =	vadd.f32 v7, v12;
	v12 =	vld [tilespmem:s18+$0xFFFFFF30];
	[tilespmem:s18+$0xFFFFFF90] =	vst v9  }
0xb6: {  	v9 =	vld [tilespmem:s19+$0xFFFFFFA0];
	v4 =	vmax.f32 v4, $0.0e+00  }
0xb7: {  	v7 =	vmax.f32 v7, $0.0e+00;
	v13 =	vld [tilespmem:s18+$0xFFFFFFB0];
	[tilespmem:s18+$0x10] =	vst v4  }
0xb8: {  	[tilespmem:s18+$0xFFFFFF10] =	vst v7;
	v4 =	vld [tilespmem:s19+$0x20];
	v5 =	vadd.f32 v10, v5  }
0xb9: {  	v7 =	vld [tilespmem:s19+$0xFFFFFF20]  }
0xba: {  	v10 =	vld [tilespmem:s18+$0x30];
	v5 =	vmax.f32 v5, $0.0e+00  }
0xbb: {  	v8 =	vadd.f32 v9, v8;
	[tilespmem:s18+$0xA0] =	vst v5;
	v5 =	vld [tilespmem:s18+$0xB0]  }
0xbc: {  	v9 =	vld [tilespmem:s19+$0xB0]  }
0xbd: {  	v14 =	vld [tilespmem:s18+$0xFFFFFF40];
	v8 =	vmax.f32 v8, $0.0e+00;
	v4 =	vadd.f32 v4, v6  }
0xbe: {  	v6 =	vadd.f32 v7, v11;
	[tilespmem:s18+$0xFFFFFFA0] =	vst v8;
	v7 =	vld [tilespmem:s18+$0xFFFFFFC0]  }
0xbf: {  	v8 =	vld [tilespmem:s19+$0xFFFFFFB0];
	v4 =	vmax.f32 v4, $0.0e+00  }
0xc0: {  	v6 =	vmax.f32 v6, $0.0e+00;
	[tilespmem:s18+$0x20] =	vst v4;
	v11 =	vld [tilespmem:s18+$0x40]  }
0xc1: {  	[tilespmem:s18+$0xFFFFFF20] =	vst v6;
	v4 =	vld [tilespmem:s19+$0x30];
	v5 =	vadd.f32 v9, v5  }
0xc2: {  	v6 =	vld [tilespmem:s19+$0xFFFFFF30]  }
0xc3: {  	v9 =	vld [tilespmem:s18+$0xFFFFFF50];
	v5 =	vmax.f32 v5, $0.0e+00  }
0xc4: {  	v8 =	vadd.f32 v8, v13;
	[tilespmem:s18+$0xB0] =	vst v5;
	v5 =	vld [tilespmem:s18+$0xC0]  }
0xc5: {  	v13 =	vld [tilespmem:s19+$0xC0]  }
0xc6: {  	v8 =	vmax.f32 v8, $0.0e+00;
	v15 =	vld [tilespmem:s18+$0xFFFFFFD0];
	v4 =	vadd.f32 v4, v10  }
0xc7: {  	v6 =	vadd.f32 v6, v12;
	[tilespmem:s18+$0xFFFFFFB0] =	vst v8;
	v8 =	vld [tilespmem:s18+$0x50]  }
0xc8: {  	v10 =	vld [tilespmem:s19+$0xFFFFFFC0];
	v12 =	vmax.f32 v4, $0.0e+00  }
0xc9: {  	v6 =	vmax.f32 v6, $0.0e+00;
	v4 =	vld [tilespmem:s18+$0xFFFFFF60];
	[tilespmem:s18+$0x30] =	vst v12  }
0xca: {  	[tilespmem:s18+$0xFFFFFF30] =	vst v6;
	v6 =	vld [tilespmem:s19+$0x40];
	v12 =	vadd.f32 v13, v5  }
0xcb: {  	v13 =	vld [tilespmem:s19+$0xFFFFFF40]  }
0xcc: {  	v5 =	vld [tilespmem:s18+$0xFFFFFFE0];
	v12 =	vmax.f32 v12, $0.0e+00  }
0xcd: {  	v7 =	vadd.f32 v10, v7;
	[tilespmem:s18+$0xC0] =	vst v12;
	v10 =	vld [tilespmem:s18+$0xD0]  }
0xce: {  	v12 =	vld [tilespmem:s19+$0xD0]  }
0xcf: {  	v7 =	vmax.f32 v7, $0.0e+00;
	v11 =	vadd.f32 v6, v11;
	v6 =	vld [tilespmem:s18+$0x60]  }
0xd0: {  	v13 =	vadd.f32 v13, v14;
	[tilespmem:s18+$0xFFFFFFC0] =	vst v7;
	v7 =	vld [tilespmem:s13+$0xFFFFFF70]  }
0xd1: {  	v14 =	vld [tilespmem:s19+$0xFFFFFFD0];
	v11 =	vmax.f32 v11, $0.0e+00  }
0xd2: {  	v13 =	vmax.f32 v13, $0.0e+00;
	[tilespmem:s18+$0x40] =	vst v11;
	v11 =	vld [tilespmem:s13+$0xFFFFFFF0]  }
0xd3: {  	[tilespmem:s18+$0xFFFFFF40] =	vst v13;
	v13 =	vld [tilespmem:s19+$0x50];
	v10 =	vadd.f32 v12, v10  }
0xd4: {  	v12 =	vld [tilespmem:s19+$0xFFFFFF50]  }
0xd5: {  	v10 =	vmax.f32 v10, $0.0e+00;
	v3 =	vadd.f32 v7, v3;
	v7 =	vld [tilespmem:s13+$0x70];
	s13 =	smov.u32 s19  }
0xd6: {  	v14 =	vadd.f32 v14, v15;
	[tilespmem:s18+$0xD0] =	vst v10;
	v10 =	vld [tilespmem:s18+$0xE0]  }
0xd7: {  	v15 =	vld [tilespmem:s19+$0xE0];
	v16 =	vmax.f32 v3, $0.0e+00;
	v11 =	vadd.f32 v11, v2  }
0xd8: {  	v3 =	vld [tilespmem:s18+$0xFFFFFF70];
	v2 =	vmax.f32 v14, $0.0e+00;
	v13 =	vadd.f32 v13, v8;
	[tilespmem:s12+$0xFFFFFF70] =	vst v16  }
0xd9: {  	v9 =	vadd.f32 v12, v9;
	[tilespmem:s18+$0xFFFFFFD0] =	vst v2;
	v2 =	vld [tilespmem:s18+$0xFFFFFFF0];
	v11 =	vmax.f32 v11, $0.0e+00  }
.Ltmp1:
0xda: {  	v8 =	vld [tilespmem:s19+$0xFFFFFFE0];
	v12 =	vmax.f32 v13, $0.0e+00;
	[tilespmem:s12+$0xFFFFFFF0] =	vst v11;
	v7 =	vadd.f32 v7, v1;
	(pc) =	sbr.rel @p1 .LBB2_5-.Ltmp1, $4  }
0xdb: {  	v9 =	vmax.f32 v9, $0.0e+00;
	[tilespmem:s18+$0x50] =	vst v12;
	v1 =	vld [tilespmem:s18+$0x70]  }
0xdc: {  	[tilespmem:s18+$0xFFFFFF50] =	vst v9;
	v9 =	vld [tilespmem:s19+$0x60];
	v11 =	vadd.f32 v15, v10;
	v7 =	vmax.f32 v7, $0.0e+00  }
0xdd: {  	v10 =	vld [tilespmem:s19+$0xFFFFFF60];
	[tilespmem:s12+$0x70] =	vst v7;
	s12 =	smov.u32 s18  }
0xde: {  	s18 =	sadd.s32 $0x200, s18;
	v11 =	vmax.f32 v11, $0.0e+00;
	v7 =	vld [tilespmem:s12+$0xF0]  }
0xdf: {  	_ = 	snop  }
0xe0: {  	v5 =	vadd.f32 v8, v5  }
0xe1: {  	v6 =	vadd.f32 v9, v6  }
0xe2: {  	[tilespmem:s12+$0xE0] =	vst v11;
	v5 =	vmax.f32 v5, $0.0e+00;
	v4 =	vadd.f32 v10, v4  }
0xe3: {  	v58 =	vld [tilespmem:s13+$0xF0];
	[tilespmem:s12+$0xFFFFFFE0] =	vst v5;
	v59 =	vmax.f32 v6, $0.0e+00  }
0xe4: {  	v61 =	vld [tilespmem:s13+$0xFFFFFFF0];
	v4 =	vmax.f32 v4, $0.0e+00;
	[tilespmem:s12+$0x60] =	vst v59  }
0xe5: {  	[tilespmem:s12+$0xFFFFFF60] =	vst v4;
	v62 =	vld [tilespmem:s13+$0x70]  }
0xe6: {  	v60 =	vld [tilespmem:s13+$0xFFFFFF70];
	_ =	sdelay $0x1  }
0xe7: {  	v7 =	vadd.f32 v58, v7  }
0xe8: {  	v2 =	vadd.f32 v61, v2  }
0xe9: {  	v63 =	vmax.f32 v7, $0.0e+00;
	v1 =	vadd.f32 v62, v1  }
0xea: {  	[tilespmem:s12+$0xF0] =	vst v63;
	v2 =	vmax.f32 v2, $0.0e+00;
	v3 =	vadd.f32 v60, v3  }
0xeb: {  	[tilespmem:s12+$0xFFFFFFF0] =	vst v2;
	v1 =	vmax.f32 v1, $0.0e+00  }
0xec: {  	p1 =	sne.s32 s11, $0x4E;
	v3 =	vmax.f32 v3, $0.0e+00;
	[tilespmem:s12+$0x70] =	vst v1  }
.Ltmp2:
0xed: {  	[tilespmem:s12+$0xFFFFFF70] =	vst v3;
	(pc) =	sbr.rel @p1 .LBB2_4-.Ltmp2, $4  }
0xee: {  	[spmem:s2] =	stream.indirect.scatter.add.f32 [tilespmem:s24], [sflag:$0x7], $0x80, s15, s28, $0xb8;
	[tilespmem:$0x1BB80] =	vst v63  }
0xef: {  	_ =	swait.ge [sflag:s25], $0x4000  }
0xf0: {  	[sflag:s25] =	ssyncset.done $0x0  }
0xf1: {  	[sflag:s25] =	ssyncadd.s32 $0xFFFFC000  }
0xf2: {  	s0 =	rddreg [dreg:$0xa];
	s11 =	simm.s32 $0x200  }
0xf3: {  	[tilespmem:s11], [sflag:$0x7] =	stream.linear.gather [hbm4b:s0+s3], $0x10, $0x38;
	[tilespmem:$0x1BB80] =	vst v63  }
0xf4: {  	_ =	swait.ge [sflag:s25], $0x10  }
0xf5: {  	[sflag:s25] =	ssyncset.done $0x0  }
0xf6: {  	s19 =	rddreg [dreg:$0xb];
	[sflag:s25] =	ssyncadd.s32 $0xFFFFFFF0  }
0xf7: {  	[tilespmem:s26], [sflag:$0x7] =	stream.linear.gather [hbm4b:s19+s3], $0x10, $0x38;
	[tilespmem:$0x1BB80] =	vst v63  }
0xf8: {  	_ =	swait.ge [sflag:s25], $0x10  }
0xf9: {  	[sflag:s25] =	ssyncset.done $0x0  }
0xfa: {  	[sflag:s25] =	ssyncadd.s32 $0xFFFFFFF0  }
0xfb: {  	[tilespmem:s24], [sflag:$0x5] =	stream.indirect.gather [hbm4b:s1+s4], $0x80, s11, s4, $0xb8;
	[tilespmem:$0x1BB80] =	vst v63  }
0xfc: {  	_ = 	snop  }
0xfd: {  	[tilespmem:s29], [sflag:$0x6] =	stream.linear.gather [hbm4b:s20+s3], $0x800, $0x38;
	[tilespmem:$0x1BB80] =	vst v63  }
0xfe: {  	_ =	swait.ge [sflag:s30], $0x800  }
0xff: {  	[sflag:s30] =	ssyncset.done $0x0  }
0x100: {  	[sflag:s30] =	ssyncadd.s32 $0xFFFFF800  }
0x101: {  	_ =	swait.ge [sflag:s31], $0x800  }
0x102: {  	[sflag:s31] =	ssyncset.done $0x0  }
0x103: {  	s11 =	simm.s32 $0x400;
	[sflag:s31] =	ssyncadd.s32 $0xFFFFF800  }
0x104: {  	s12 =	simm.s32 $0x4400;
	v1 =	vld [tilespmem:s11+$0x80]  }
0x105: {  	v2 =	vld [tilespmem:s12+$0x80]  }
0x106: {  	v3 =	vld [tilespmem:s12+$0xFFFFFF00]  }
0x107: {  	v4 =	vld [tilespmem:s11+$0xFFFFFF80]  }
0x108: {  	v5 =	vld [tilespmem:s12+$0xFFFFFF80]  }
0x109: {  	v6 =	vld [tilespmem:s12+$0x0]  }
0x10a: {  	v1 =	vadd.f32 v2, v1;
	v2 =	vld [tilespmem:s11+$0x0]  }
0x10b: {  	v7 =	vld [tilespmem:s11+$0xFFFFFF00]  }
0x10c: {  	v1 =	vmax.f32 v1, $0.0e+00  }
0x10d: {  	v4 =	vadd.f32 v5, v4;
	[tilespmem:s11+$0x80] =	vst v1;
	v1 =	vld [tilespmem:s11+$0x90]  }
0x10e: {  	v8 =	vld [tilespmem:s12+$0x90]  }
0x10f: {  	v9 =	vld [tilespmem:s11+$0xFFFFFF90];
	v4 =	vmax.f32 v4, $0.0e+00;
	v2 =	vadd.f32 v6, v2  }
0x110: {  	v5 =	vld [tilespmem:s11+$0xFFFFFF10];
	v3 =	vadd.f32 v3, v7;
	[tilespmem:s11+$0xFFFFFF80] =	vst v4  }
0x111: {  	v6 =	vld [tilespmem:s12+$0xFFFFFF90];
	v2 =	vmax.f32 v2, $0.0e+00  }
0x112: {  	v3 =	vmax.f32 v3, $0.0e+00;
	v4 =	vld [tilespmem:s11+$0x10];
	[tilespmem:s11+$0x0] =	vst v2  }
0x113: {  	[tilespmem:s11+$0xFFFFFF00] =	vst v3;
	v1 =	vadd.f32 v8, v1;
	v2 =	vld [tilespmem:s12+$0x10]  }
0x114: {  	v3 =	vld [tilespmem:s12+$0xFFFFFF10]  }
0x115: {  	v1 =	vmax.f32 v1, $0.0e+00  }
0x116: {  	v6 =	vadd.f32 v6, v9;
	[tilespmem:s11+$0x90] =	vst v1;
	v1 =	vld [tilespmem:s11+$0xA0]  }
0x117: {  	v8 =	vld [tilespmem:s12+$0xA0]  }
0x118: {  	v7 =	vld [tilespmem:s11+$0xFFFFFF20];
	v6 =	vmax.f32 v6, $0.0e+00;
	v2 =	vadd.f32 v2, v4  }
0x119: {  	v3 =	vadd.f32 v3, v5;
	v9 =	vld [tilespmem:s11+$0xFFFFFFA0];
	[tilespmem:s11+$0xFFFFFF90] =	vst v6  }
0x11a: {  	v5 =	vld [tilespmem:s12+$0xFFFFFFA0];
	v2 =	vmax.f32 v2, $0.0e+00  }
0x11b: {  	v3 =	vmax.f32 v3, $0.0e+00;
	v4 =	vld [tilespmem:s11+$0x20];
	[tilespmem:s11+$0x10] =	vst v2  }
0x11c: {  	[tilespmem:s11+$0xFFFFFF10] =	vst v3;
	v1 =	vadd.f32 v8, v1;
	v2 =	vld [tilespmem:s12+$0x20]  }
0x11d: {  	v3 =	vld [tilespmem:s12+$0xFFFFFF20]  }
0x11e: {  	v1 =	vmax.f32 v1, $0.0e+00  }
0x11f: {  	v5 =	vadd.f32 v5, v9;
	[tilespmem:s11+$0xA0] =	vst v1;
	v1 =	vld [tilespmem:s11+$0xB0]  }
0x120: {  	v8 =	vld [tilespmem:s12+$0xB0]  }
0x121: {  	v10 =	vld [tilespmem:s11+$0x30];
	v5 =	vmax.f32 v5, $0.0e+00;
	v2 =	vadd.f32 v2, v4  }
0x122: {  	v3 =	vadd.f32 v3, v7;
	v9 =	vld [tilespmem:s11+$0xFFFFFFB0];
	[tilespmem:s11+$0xFFFFFFA0] =	vst v5  }
0x123: {  	v4 =	vld [tilespmem:s12+$0xFFFFFFB0];
	v2 =	vmax.f32 v2, $0.0e+00  }
0x124: {  	v6 =	vld [tilespmem:s11+$0xFFFFFF30];
	[tilespmem:s11+$0x20] =	vst v2;
	v2 =	vmax.f32 v3, $0.0e+00  }
0x125: {  	v1 =	vadd.f32 v8, v1;
	[tilespmem:s11+$0xFFFFFF20] =	vst v2;
	v2 =	vld [tilespmem:s12+$0x30]  }
0x126: {  	v7 =	vld [tilespmem:s12+$0xFFFFFF30]  }
0x127: {  	v11 =	vld [tilespmem:s11+$0xFFFFFF40];
	v1 =	vmax.f32 v1, $0.0e+00  }
0x128: {  	v4 =	vadd.f32 v4, v9;
	[tilespmem:s11+$0xB0] =	vst v1;
	v1 =	vld [tilespmem:s11+$0xC0]  }
0x129: {  	v8 =	vld [tilespmem:s12+$0xC0]  }
0x12a: {  	v12 =	vld [tilespmem:s11+$0xFFFFFFD0];
	v4 =	vmax.f32 v4, $0.0e+00;
	v2 =	vadd.f32 v2, v10  }
0x12b: {  	v5 =	vld [tilespmem:s11+$0xFFFFFFC0];
	[tilespmem:s11+$0xFFFFFFB0] =	vst v4;
	v6 =	vadd.f32 v7, v6  }
0x12c: {  	v7 =	vld [tilespmem:s12+$0xFFFFFFC0];
	v2 =	vmax.f32 v2, $0.0e+00  }
0x12d: {  	v3 =	vld [tilespmem:s11+$0x40];
	[tilespmem:s11+$0x30] =	vst v2;
	v2 =	vmax.f32 v6, $0.0e+00  }
0x12e: {  	v1 =	vadd.f32 v8, v1;
	v6 =	vld [tilespmem:s12+$0x40];
	[tilespmem:s11+$0xFFFFFF30] =	vst v2  }
0x12f: {  	v2 =	vld [tilespmem:s12+$0xFFFFFF40]  }
0x130: {  	v9 =	vld [tilespmem:s11+$0xFFFFFF50];
	v1 =	vmax.f32 v1, $0.0e+00  }
0x131: {  	[tilespmem:s11+$0xC0] =	vst v1;
	v1 =	vadd.f32 v7, v5;
	v7 =	vld [tilespmem:s11+$0xD0]  }
0x132: {  	v8 =	vld [tilespmem:s12+$0xD0]  }
0x133: {  	v4 =	vld [tilespmem:s11+$0xFFFFFF60];
	v1 =	vmax.f32 v1, $0.0e+00;
	v3 =	vadd.f32 v6, v3  }
0x134: {  	v10 =	vld [tilespmem:s11+$0x50];
	[tilespmem:s11+$0xFFFFFFC0] =	vst v1;
	v1 =	vadd.f32 v2, v11  }
0x135: {  	v2 =	vld [tilespmem:s12+$0xFFFFFFD0];
	v3 =	vmax.f32 v3, $0.0e+00  }
0x136: {  	v5 =	vld [tilespmem:s11+$0xFFFFFFE0];
	[tilespmem:s11+$0x40] =	vst v3;
	v1 =	vmax.f32 v1, $0.0e+00  }
0x137: {  	v3 =	vld [tilespmem:s12+$0x50];
	v7 =	vadd.f32 v8, v7;
	[tilespmem:s11+$0xFFFFFF40] =	vst v1  }
0x138: {  	v1 =	vld [tilespmem:s12+$0xFFFFFF50]  }
0x139: {  	v6 =	vld [tilespmem:s11+$0x60];
	v7 =	vmax.f32 v7, $0.0e+00  }
0x13a: {  	v2 =	vadd.f32 v2, v12;
	[tilespmem:s11+$0xD0] =	vst v7;
	v7 =	vld [tilespmem:s11+$0xE0]  }
0x13b: {  	v11 =	vld [tilespmem:s12+$0xE0]  }
0x13c: {  	v2 =	vmax.f32 v2, $0.0e+00;
	v8 =	vadd.f32 v3, v10;
	v3 =	vld [tilespmem:s11+$0xFFFFFF70]  }
0x13d: {  	[tilespmem:s11+$0xFFFFFFD0] =	vst v2;
	v1 =	vadd.f32 v1, v9;
	v2 =	vld [tilespmem:s11+$0xFFFFFFF0]  }
0x13e: {  	v9 =	vmax.f32 v8, $0.0e+00;
	v8 =	vld [tilespmem:s12+$0xFFFFFFE0]  }
0x13f: {  	[tilespmem:s11+$0x50] =	vst v9;
	v9 =	vmax.f32 v1, $0.0e+00;
	v1 =	vld [tilespmem:s11+$0x70]  }
0x140: {  	[tilespmem:s11+$0xFFFFFF50] =	vst v9;
	v9 =	vld [tilespmem:s12+$0x60];
	v7 =	vadd.f32 v11, v7  }
0x141: {  	v10 =	vld [tilespmem:s12+$0xFFFFFF60]  }
0x142: {  	s13 =	simm.s32 $0x0;
	s15 =	simm.s32 $0x600;
	s16 =	simm.s32 $0x4400;
	v11 =	vmax.f32 v7, $0.0e+00;
	v7 =	vld [tilespmem:s11+$0xF0]  }
.LBB2_8:
0x143: {  	v12 =	vld [tilespmem:s15+$0x80];
	v5 =	vadd.f32 v8, v5;
	[tilespmem:s11+$0xE0] =	vst v11  }
0x144: {  	s16 =	sadd.s32 $0x200, s16;
	v8 =	vld [tilespmem:s12+$0xF0]  }
0x145: {  	s13 =	sadd.s32 $0x4, s13;
	v11 =	vld [tilespmem:s16+$0x80];
	v5 =	vmax.f32 v5, $0.0e+00;
	v6 =	vadd.f32 v9, v6  }
0x146: {  	p1 =	slt.u32 s13, $0xC;
	v9 =	vld [tilespmem:s16+$0xFFFFFF00];
	v4 =	vadd.f32 v10, v4;
	[tilespmem:s11+$0xFFFFFFE0] =	vst v5  }
0x147: {  	v5 =	vld [tilespmem:s15+$0xFFFFFF80];
	v6 =	vmax.f32 v6, $0.0e+00  }
0x148: {  	v10 =	vld [tilespmem:s16+$0xFFFFFF80];
	v4 =	vmax.f32 v4, $0.0e+00;
	[tilespmem:s11+$0x60] =	vst v6  }
0x149: {  	v6 =	vld [tilespmem:s15+$0x0];
	[tilespmem:s11+$0xFFFFFF60] =	vst v4;
	v4 =	vadd.f32 v8, v7  }
0x14a: {  	v7 =	vld [tilespmem:s16+$0x0];
	v8 =	vadd.f32 v11, v12  }
0x14b: {  	v11 =	vld [tilespmem:s15+$0xFFFFFF00];
	v4 =	vmax.f32 v4, $0.0e+00  }
0x14c: {  	v12 =	vld [tilespmem:s15+$0xFFFFFF10];
	v8 =	vmax.f32 v8, $0.0e+00;
	[tilespmem:s11+$0xF0] =	vst v4  }
0x14d: {  	v4 =	vadd.f32 v10, v5;
	[tilespmem:s15+$0x80] =	vst v8;
	v5 =	vld [tilespmem:s15+$0x90]  }
0x14e: {  	v8 =	vld [tilespmem:s16+$0x90]  }
0x14f: {  	v4 =	vmax.f32 v4, $0.0e+00;
	v10 =	vld [tilespmem:s15+$0xFFFFFF90];
	v6 =	vadd.f32 v7, v6  }
0x150: {  	v7 =	vadd.f32 v9, v11;
	[tilespmem:s15+$0xFFFFFF80] =	vst v4;
	v4 =	vld [tilespmem:s15+$0x10]  }
0x151: {  	v9 =	vld [tilespmem:s16+$0xFFFFFF90];
	v6 =	vmax.f32 v6, $0.0e+00  }
0x152: {  	v7 =	vmax.f32 v7, $0.0e+00;
	v11 =	vld [tilespmem:s15+$0xFFFFFF20];
	[tilespmem:s15+$0x0] =	vst v6  }
0x153: {  	[tilespmem:s15+$0xFFFFFF00] =	vst v7;
	v6 =	vld [tilespmem:s16+$0x10];
	v5 =	vadd.f32 v8, v5  }
0x154: {  	v7 =	vld [tilespmem:s16+$0xFFFFFF10]  }
0x155: {  	v8 =	vld [tilespmem:s15+$0xFFFFFFA0];
	v5 =	vmax.f32 v5, $0.0e+00  }
0x156: {  	v9 =	vadd.f32 v9, v10;
	[tilespmem:s15+$0x90] =	vst v5;
	v5 =	vld [tilespmem:s15+$0xA0]  }
0x157: {  	v10 =	vld [tilespmem:s16+$0xA0]  }
0x158: {  	v9 =	vmax.f32 v9, $0.0e+00;
	v4 =	vadd.f32 v6, v4;
	v6 =	vld [tilespmem:s15+$0x20]  }
0x159: {  	v7 =	vadd.f32 v7, v12;
	v12 =	vld [tilespmem:s15+$0xFFFFFF30];
	[tilespmem:s15+$0xFFFFFF90] =	vst v9  }
0x15a: {  	v9 =	vld [tilespmem:s16+$0xFFFFFFA0];
	v4 =	vmax.f32 v4, $0.0e+00  }
0x15b: {  	v7 =	vmax.f32 v7, $0.0e+00;
	v13 =	vld [tilespmem:s15+$0xFFFFFFB0];
	[tilespmem:s15+$0x10] =	vst v4  }
0x15c: {  	[tilespmem:s15+$0xFFFFFF10] =	vst v7;
	v4 =	vld [tilespmem:s16+$0x20];
	v5 =	vadd.f32 v10, v5  }
0x15d: {  	v7 =	vld [tilespmem:s16+$0xFFFFFF20]  }
0x15e: {  	v10 =	vld [tilespmem:s15+$0x30];
	v5 =	vmax.f32 v5, $0.0e+00  }
0x15f: {  	v8 =	vadd.f32 v9, v8;
	[tilespmem:s15+$0xA0] =	vst v5;
	v5 =	vld [tilespmem:s15+$0xB0]  }
0x160: {  	v9 =	vld [tilespmem:s16+$0xB0]  }
0x161: {  	v14 =	vld [tilespmem:s15+$0xFFFFFF40];
	v8 =	vmax.f32 v8, $0.0e+00;
	v4 =	vadd.f32 v4, v6  }
0x162: {  	v6 =	vadd.f32 v7, v11;
	[tilespmem:s15+$0xFFFFFFA0] =	vst v8;
	v7 =	vld [tilespmem:s15+$0xFFFFFFC0]  }
0x163: {  	v8 =	vld [tilespmem:s16+$0xFFFFFFB0];
	v4 =	vmax.f32 v4, $0.0e+00  }
0x164: {  	v6 =	vmax.f32 v6, $0.0e+00;
	[tilespmem:s15+$0x20] =	vst v4;
	v11 =	vld [tilespmem:s15+$0x40]  }
0x165: {  	[tilespmem:s15+$0xFFFFFF20] =	vst v6;
	v4 =	vld [tilespmem:s16+$0x30];
	v5 =	vadd.f32 v9, v5  }
0x166: {  	v6 =	vld [tilespmem:s16+$0xFFFFFF30]  }
0x167: {  	v9 =	vld [tilespmem:s15+$0xFFFFFF50];
	v5 =	vmax.f32 v5, $0.0e+00  }
0x168: {  	v8 =	vadd.f32 v8, v13;
	[tilespmem:s15+$0xB0] =	vst v5;
	v5 =	vld [tilespmem:s15+$0xC0]  }
0x169: {  	v13 =	vld [tilespmem:s16+$0xC0]  }
0x16a: {  	v8 =	vmax.f32 v8, $0.0e+00;
	v15 =	vld [tilespmem:s15+$0xFFFFFFD0];
	v4 =	vadd.f32 v4, v10  }
0x16b: {  	v6 =	vadd.f32 v6, v12;
	[tilespmem:s15+$0xFFFFFFB0] =	vst v8;
	v8 =	vld [tilespmem:s15+$0x50]  }
0x16c: {  	v10 =	vld [tilespmem:s16+$0xFFFFFFC0];
	v12 =	vmax.f32 v4, $0.0e+00  }
0x16d: {  	v6 =	vmax.f32 v6, $0.0e+00;
	v4 =	vld [tilespmem:s15+$0xFFFFFF60];
	[tilespmem:s15+$0x30] =	vst v12  }
0x16e: {  	[tilespmem:s15+$0xFFFFFF30] =	vst v6;
	v6 =	vld [tilespmem:s16+$0x40];
	v12 =	vadd.f32 v13, v5  }
0x16f: {  	v13 =	vld [tilespmem:s16+$0xFFFFFF40]  }
0x170: {  	v5 =	vld [tilespmem:s15+$0xFFFFFFE0];
	v12 =	vmax.f32 v12, $0.0e+00  }
0x171: {  	v7 =	vadd.f32 v10, v7;
	[tilespmem:s15+$0xC0] =	vst v12;
	v10 =	vld [tilespmem:s15+$0xD0]  }
0x172: {  	v12 =	vld [tilespmem:s16+$0xD0]  }
0x173: {  	v7 =	vmax.f32 v7, $0.0e+00;
	v11 =	vadd.f32 v6, v11;
	v6 =	vld [tilespmem:s15+$0x60]  }
0x174: {  	v13 =	vadd.f32 v13, v14;
	[tilespmem:s15+$0xFFFFFFC0] =	vst v7;
	v7 =	vld [tilespmem:s12+$0xFFFFFF70]  }
0x175: {  	v14 =	vld [tilespmem:s16+$0xFFFFFFD0];
	v11 =	vmax.f32 v11, $0.0e+00  }
0x176: {  	v13 =	vmax.f32 v13, $0.0e+00;
	[tilespmem:s15+$0x40] =	vst v11;
	v11 =	vld [tilespmem:s12+$0xFFFFFFF0]  }
0x177: {  	[tilespmem:s15+$0xFFFFFF40] =	vst v13;
	v13 =	vld [tilespmem:s16+$0x50];
	v10 =	vadd.f32 v12, v10  }
0x178: {  	v12 =	vld [tilespmem:s16+$0xFFFFFF50]  }
0x179: {  	v10 =	vmax.f32 v10, $0.0e+00;
	v3 =	vadd.f32 v7, v3;
	v7 =	vld [tilespmem:s12+$0x70];
	s12 =	smov.u32 s16  }
0x17a: {  	v14 =	vadd.f32 v14, v15;
	[tilespmem:s15+$0xD0] =	vst v10;
	v10 =	vld [tilespmem:s15+$0xE0]  }
0x17b: {  	v15 =	vld [tilespmem:s16+$0xE0];
	v16 =	vmax.f32 v3, $0.0e+00;
	v11 =	vadd.f32 v11, v2  }
0x17c: {  	v3 =	vld [tilespmem:s15+$0xFFFFFF70];
	v2 =	vmax.f32 v14, $0.0e+00;
	v13 =	vadd.f32 v13, v8;
	[tilespmem:s11+$0xFFFFFF70] =	vst v16  }
0x17d: {  	v9 =	vadd.f32 v12, v9;
	[tilespmem:s15+$0xFFFFFFD0] =	vst v2;
	v2 =	vld [tilespmem:s15+$0xFFFFFFF0];
	v11 =	vmax.f32 v11, $0.0e+00  }
.Ltmp3:
0x17e: {  	v8 =	vld [tilespmem:s16+$0xFFFFFFE0];
	v12 =	vmax.f32 v13, $0.0e+00;
	[tilespmem:s11+$0xFFFFFFF0] =	vst v11;
	v7 =	vadd.f32 v7, v1;
	(pc) =	sbr.rel @p1 .LBB2_8-.Ltmp3, $4  }
0x17f: {  	v9 =	vmax.f32 v9, $0.0e+00;
	[tilespmem:s15+$0x50] =	vst v12;
	v1 =	vld [tilespmem:s15+$0x70]  }
0x180: {  	[tilespmem:s15+$0xFFFFFF50] =	vst v9;
	v9 =	vld [tilespmem:s16+$0x60];
	v11 =	vadd.f32 v15, v10;
	v7 =	vmax.f32 v7, $0.0e+00  }
0x181: {  	v10 =	vld [tilespmem:s16+$0xFFFFFF60];
	[tilespmem:s11+$0x70] =	vst v7;
	s11 =	smov.u32 s15  }
0x182: {  	s15 =	sadd.s32 $0x200, s15;
	v11 =	vmax.f32 v11, $0.0e+00;
	v7 =	vld [tilespmem:s11+$0xF0]  }
0x183: {  	_ = 	snop  }
0x184: {  	v5 =	vadd.f32 v8, v5  }
0x185: {  	v6 =	vadd.f32 v9, v6  }
0x186: {  	[tilespmem:s11+$0xE0] =	vst v11;
	v5 =	vmax.f32 v5, $0.0e+00;
	v4 =	vadd.f32 v10, v4  }
0x187: {  	v58 =	vld [tilespmem:s12+$0xF0];
	[tilespmem:s11+$0xFFFFFFE0] =	vst v5;
	v59 =	vmax.f32 v6, $0.0e+00  }
0x188: {  	v61 =	vld [tilespmem:s12+$0xFFFFFFF0];
	v4 =	vmax.f32 v4, $0.0e+00;
	[tilespmem:s11+$0x60] =	vst v59  }
0x189: {  	[tilespmem:s11+$0xFFFFFF60] =	vst v4;
	v62 =	vld [tilespmem:s12+$0x70]  }
0x18a: {  	v60 =	vld [tilespmem:s12+$0xFFFFFF70];
	_ =	sdelay $0x1  }
0x18b: {  	v7 =	vadd.f32 v58, v7  }
0x18c: {  	v2 =	vadd.f32 v61, v2  }
0x18d: {  	v63 =	vmax.f32 v7, $0.0e+00;
	v1 =	vadd.f32 v62, v1  }
0x18e: {  	[tilespmem:s11+$0xF0] =	vst v63;
	v2 =	vmax.f32 v2, $0.0e+00;
	v3 =	vadd.f32 v60, v3  }
0x18f: {  	[tilespmem:s11+$0xFFFFFFF0] =	vst v2;
	v1 =	vmax.f32 v1, $0.0e+00  }
0x190: {  	v3 =	vmax.f32 v3, $0.0e+00;
	[tilespmem:s11+$0x70] =	vst v1  }
0x191: {  	[tilespmem:s11+$0xFFFFFF70] =	vst v3  }
0x192: {  	[spmem:s2] =	stream.indirect.scatter.add.f32 [tilespmem:s24], [sflag:$0x7], $0x80, s26, s4, $0xb8;
	[tilespmem:$0x1BB80] =	vst v63  }
0x193: {  	_ =	swait.ge [sflag:s25], $0x800  }
0x194: {  	s0 =	stileid.u32;
	[sflag:s25] =	ssyncset.done $0x0  }
0x195: {  	s0 =	sshll.u32 s0, $0x6;
	[sflag:s25] =	ssyncadd.s32 $0xFFFFF800  }
0x196: {  	s19 =	sshrl.u32 s9, $0x3;
	s0 =	sor.u32 $0x1C07, s0;
	[bflag:$0x0] =	sbarrier.arrive $0xFFFF  }
0x197: {  	[hbm:s21], [sflag:s0] =	dma.local [spmem:s19], $0x2700  }
0x198: {  	_ =	swait.ge [sflag:s25], $0x2700  }
0x199: {  	s10 =	sadd.s32 $0x1, s10;
	[sflag:s25] =	ssyncset.done $0x0  }
0x19a: {  	p1 =	sne.s32 s10, s23;
	s11 =	sshrl.u32 @!p0 s14, $0x3;
	[sflag:s25] =	ssyncadd.s32 $0xFFFFD900  }
0x19b: {  	[hbm:s22], [sflag:s0] =	dma.local @!p0 [spmem:s11], $0x100  }
.Ltmp4:
0x19c: {  	_ = 	snop;
	(pc) =	sbr.rel @p1 .LBB2_1-.Ltmp4, $4  }
0x19d: {  	s0 =	simm.s32 @!p0 $0x7  }
0x19e: {  	_ =	swait.ge @!p0 [sflag:s0], $0x100  }
0x19f: {  	[sflag:s0] =	ssyncset.done @!p0 $0x0  }
0x1a0: {  	[sflag:s0] =	ssyncadd.s32 @!p0 $0xFFFFFF00  }
0x1a1: {  	_ =	sfence.sel $0x180000  }
0x1a2: {  	[bflag:$0x0] =	sbarrier.arrive $0xFFFF  }
0x1a3: {  	_ =	strace $0x9000004A  }
0x1a4: {  	s0 =	stileid.u32;
	[bflag:$0x2] =	sbarrier.arrive $0xFFFF  }
0x1a5: {  	p0 =	sne.s32 s0, $0x0;
	s0 =	rddreg [dreg:$0x3]  }
0x1a6: {  	s0 =	sadd.s32 @!p0 $0x100000, s0  }
0x1a7: {  	[sflag:s0] =	ssyncadd.tile.s32 @!p0 $0x1;
	_ =	shalt  }
.Lfunc_end2:
_tile_overlayer_lowered:
.L_overlay_start_2:
0x1a8: {  	(tag) =	ssettag $0x2  }
0x1a9: {  	s0 =	rddreg [dreg:$0x0];
	s2 =	stileid.u32  }
0x1aa: {  	s1 =	rddreg [dreg:$0x1];
	p0 =	sne.s32 s2, $0x0  }
0x1ab: {  	s3 =	rddreg [dreg:$0x2];
	[bflag:$0x3] =	sbarrier.arrive $0xFFFF;
	s2 =	simm.s32 @!p0 $0x1C07  }
0x1ac: {  	[timem:s3], [sflag:s2] =	dma.local @!p0 [hbm:s0], s1  }
0x1ad: {  	s0 =	simm.s32 @!p0 $0x7  }
0x1ae: {  	_ =	swait.ge @!p0 [sflag:s0], s1  }
0x1af: {  	s1 =	ssub.s32 @!p0 $0x0, s1;
	[sflag:s0] =	ssyncset.done @!p0 $0x0  }
0x1b0: {  	[sflag:s0] =	ssyncadd.s32 @!p0 s1  }
0x1b1: {  	[bflag:$0x3] =	sbarrier.arrive $0xFFFF  }
0x1b2: {  	_ =	shalt  }

</sc_bundles>
